<compile_context>
chip_gen: v7x
topology: tpu7x:2x2x1
jax: 0.10.2.dev20260603
libtpu: 0.0.44.dev20260713+nightly
codegen_flags: <defaults>
</compile_context>

<pallas_src>
import functools

import jax
import jax.numpy as jnp
from jax import lax
from jax.experimental import pallas as pl
from jax.experimental.pallas import tpu as pltpu
from jax.experimental.pallas import tpu_sc as plsc

_L = 16
_CHUNK = 128
_NCORES = 2
_NSUB = 16
_NTILES = _NCORES * _NSUB
_NBUF = 2
_CHP = 64
_NHALF = 2
_R = 512


def _rsqrt_newton(d):
    i = lax.bitcast_convert_type(d, jnp.int32)
    y = lax.bitcast_convert_type(jnp.int32(0x5F3759DF) - (i >> 1), jnp.float32)
    for _ in range(3):
        y = y * (1.5 - 0.5 * d * y * y)
    return y


def _deg_scale_kernel(np_, d, ch1):
    npt = np_ // _NTILES
    nps = np_ // _NSUB
    mesh = plsc.VectorSubcoreMesh(core_axis_name="c", subcore_axis_name="s")

    @functools.partial(
        pl.kernel,
        out_type=(
            jax.ShapeDtypeStruct((np_,), jnp.float32),
            jax.ShapeDtypeStruct((np_, d), jnp.float32),
        ),
        mesh=mesh,
        scratch_types=(
            pltpu.VMEM((ch1, _CHUNK), jnp.int32),
            pltpu.VMEM((_CHUNK,), jnp.float32),
            pltpu.VMEM((nps,), jnp.float32),
            pltpu.VMEM((npt,), jnp.float32),
            pltpu.VMEM((npt,), jnp.float32),
            pltpu.VMEM((npt, d), jnp.float32),
            pltpu.VMEM_SHARED((np_,), jnp.float32),
        ),
        compiler_params=pltpu.CompilerParams(needs_layout_passes=False),
    )
    def deg_scale(col_hbm, x_hbm, dinv_hbm, x1_hbm,
                  idx_v, ones_v, z_v, deg_v, dinv_v, xt_v, deg_acc):
        c = lax.axis_index("c")
        s = lax.axis_index("s")

        @pl.loop(0, nps // _L)
        def _zfill(i):
            z_v[pl.ds(i * _L, _L)] = jnp.zeros((_L,), jnp.float32)

        for i in range(_CHUNK // _L):
            ones_v[pl.ds(i * _L, _L)] = jnp.ones((_L,), jnp.float32)

        pltpu.sync_copy(z_v, deg_acc.at[pl.ds(s * nps, nps)])
        pltpu.sync_copy(col_hbm.at[s], idx_v)
        plsc.subcore_barrier()

        @pl.loop(0, ch1)
        def _count(j):
            pltpu.sync_copy(ones_v, deg_acc.at[idx_v.at[j]], add=True)

        plsc.subcore_barrier()

        off = (c * _NSUB + s) * npt
        pltpu.sync_copy(deg_acc.at[pl.ds(off, npt)], deg_v)
        pltpu.sync_copy(x_hbm.at[pl.ds(off, npt)], xt_v)

        @pl.loop(0, npt // _L)
        def _dinv(i):
            dv = deg_v[pl.ds(i * _L, _L)] + 1.0
            dinv_v[pl.ds(i * _L, _L)] = _rsqrt_newton(dv)

        @pl.loop(0, npt)
        def _scale(r):
            idx = jnp.full((_L,), r, jnp.int32)
            sp = plsc.load_gather(dinv_v, [idx])
            for k in range(d // _L):
                xt_v[r, pl.ds(k * _L, _L)] = xt_v[r, pl.ds(k * _L, _L)] * sp

        pltpu.sync_copy(dinv_v, dinv_hbm.at[pl.ds(off, npt)])
        pltpu.sync_copy(xt_v, x1_hbm.at[pl.ds(off, npt)])

    return deg_scale


def _propagate_kernel(np_, d, ch2):
    nps = np_ // _NSUB
    chb = ch2 // _NHALF
    mesh = plsc.VectorSubcoreMesh(core_axis_name="c", subcore_axis_name="s")

    @functools.partial(
        pl.kernel,
        out_type=jax.ShapeDtypeStruct((_NCORES, np_, d), jnp.float32),
        mesh=mesh,
        scratch_types=(
            pltpu.VMEM((chb, _CHP), jnp.int32),
            pltpu.VMEM((chb, _CHP), jnp.int32),
            pltpu.VMEM((_NBUF, _CHP, d), jnp.float32),
            pltpu.VMEM_SHARED((np_, d), jnp.float32),
            *([pltpu.SemaphoreType.DMA] * (2 * _NBUF)),
        ),
        compiler_params=pltpu.CompilerParams(needs_layout_passes=False),
    )
    def propagate(src_hbm, row_hbm, col_hbm, out_hbm,
                  rbuf, cbuf, dbuf, acc, *sems):
        gsem = sems[:_NBUF]
        ssem = sems[_NBUF:]
        c = lax.axis_index("c")
        s = lax.axis_index("s")
        t = c * _NSUB + s

        @pl.loop(0, _CHP)
        def _zfill(i):
            for k in range(d // _L):
                dbuf[0, i, pl.ds(k * _L, _L)] = jnp.zeros((_L,), jnp.float32)

        for q in range(nps // _CHP):
            pltpu.sync_copy(dbuf.at[0], acc.at[pl.ds(s * nps + q * _CHP, _CHP)])
        plsc.subcore_barrier()

        for half in range(_NHALF):
            pltpu.sync_copy(row_hbm.at[t, pl.ds(half * chb, chb)], rbuf)
            pltpu.sync_copy(col_hbm.at[t, pl.ds(half * chb, chb)], cbuf)
            for k in range(_NBUF):
                pltpu.async_copy(src_hbm.at[rbuf.at[k]], dbuf.at[k], gsem[k])

            @pl.loop(0, chb, step=_NBUF)
            def _edges(j):
                for k in range(_NBUF):
                    jj = j + k
                    pltpu.make_async_copy(
                        src_hbm.at[rbuf.at[jj]], dbuf.at[k], gsem[k]).wait()
                    pltpu.async_copy(
                        dbuf.at[k], acc.at[cbuf.at[jj]], ssem[k], add=True)
                for k in range(_NBUF):
                    jj = j + k
                    pltpu.make_async_copy(
                        dbuf.at[k], acc.at[cbuf.at[jj]], ssem[k]).wait()

                    @pl.when(jj + _NBUF < chb)
                    def _next():
                        pltpu.async_copy(
                            src_hbm.at[rbuf.at[jj + _NBUF]], dbuf.at[k],
                            gsem[k])

        plsc.subcore_barrier()
        pltpu.sync_copy(acc.at[pl.ds(s * nps, nps)],
                        out_hbm.at[c, pl.ds(s * nps, nps)])

    return propagate


def _mm_kernel(np_, d, dh):
    grid = (np_ // _R,)

    def body(s1_ref, x_ref, dinv_ref, w1_ref, b1_ref, w2_ref, b2_ref,
             y_ref, t_ref):
        di = dinv_ref[...]
        di2 = di * di
        p = di * (s1_ref[0] + s1_ref[1]) + di2 * x_ref[...]
        h = jnp.dot(p, w1_ref[...], preferred_element_type=jnp.float32)
        h = jnp.maximum(h + b1_ref[...], 0.0)
        g = jnp.dot(h, w2_ref[...], preferred_element_type=jnp.float32)
        y_ref[...] = di * g
        t_ref[...] = di2 * g + b2_ref[...]

    return pl.pallas_call(
        body,
        grid=grid,
        in_specs=[
            pl.BlockSpec((_NCORES, _R, d), lambda i: (0, i, 0)),
            pl.BlockSpec((_R, d), lambda i: (i, 0)),
            pl.BlockSpec((_R, 1), lambda i: (i, 0)),
            pl.BlockSpec((d, dh), lambda i: (0, 0)),
            pl.BlockSpec((1, dh), lambda i: (0, 0)),
            pl.BlockSpec((dh, d), lambda i: (0, 0)),
            pl.BlockSpec((1, d), lambda i: (0, 0)),
        ],
        out_specs=[
            pl.BlockSpec((_R, d), lambda i: (i, 0)),
            pl.BlockSpec((_R, d), lambda i: (i, 0)),
        ],
        out_shape=[
            jax.ShapeDtypeStruct((np_, d), jnp.float32),
            jax.ShapeDtypeStruct((np_, d), jnp.float32),
        ],
    )


def _final_kernel(np_, d):
    grid = (np_ // _R,)

    def body(s2_ref, dinv_ref, t_ref, o_ref):
        o_ref[...] = dinv_ref[...] * (s2_ref[0] + s2_ref[1]) + t_ref[...]

    return pl.pallas_call(
        body,
        grid=grid,
        in_specs=[
            pl.BlockSpec((_NCORES, _R, d), lambda i: (0, i, 0)),
            pl.BlockSpec((_R, 1), lambda i: (i, 0)),
            pl.BlockSpec((_R, d), lambda i: (i, 0)),
        ],
        out_specs=pl.BlockSpec((_R, d), lambda i: (i, 0)),
        out_shape=jax.ShapeDtypeStruct((np_, d), jnp.float32),
    )


def kernel(x, edge_index, W1, b1, W2, b2):
    n, d = x.shape
    dh = W1.shape[1]
    e = edge_index.shape[1]

    tile_n = _NTILES * _L * 2
    np_ = ((n + tile_n - 1) // tile_n) * tile_n
    tile_e = _NTILES * _CHP * _NBUF * _NHALF
    ep = ((e + tile_e - 1) // tile_e) * tile_e
    ch2 = ep // (_NTILES * _CHP)
    ch1 = ep // (_NSUB * _CHUNK)

    pad_node = np_ - 1
    epad = jnp.full((ep - e,), pad_node, jnp.int32)
    rowp = jnp.concatenate([edge_index[0], epad]).reshape(_NTILES, ch2, _CHP)
    colp = jnp.concatenate([edge_index[1], epad])
    colp2 = colp.reshape(_NTILES, ch2, _CHP)
    colp1 = colp.reshape(_NSUB, ch1, _CHUNK)
    xp = jnp.concatenate([x, jnp.zeros((np_ - n, d), x.dtype)])

    dinv, x1 = _deg_scale_kernel(np_, d, ch1)(colp1, xp)
    dinv = dinv.reshape(np_, 1)
    prop = _propagate_kernel(np_, d, ch2)
    s1 = prop(x1, rowp, colp2)
    y, t = _mm_kernel(np_, d, dh)(
        s1, xp, dinv, W1, b1.reshape(1, dh), W2, b2.reshape(1, d))
    s2 = prop(y, rowp, colp2)
    out = _final_kernel(np_, d)(s2, dinv, t)
    return out[:n]

# --- scband reference (transcript-rebuilt; emitter-appended) ---
"""Pipeline reference for scband-custom-gcn-34110630265402 (READ-ONLY COPY).

The authoritative reference and input builder live on the scoring server;
editing this copy changes nothing except your own understanding.
"""

import jax, jax.numpy as jnp
import numpy as np

N = 10000
E = 320000
D_IN = 128
D_HID = 256
D_OUT = 128


def setup_inputs(seed: int = 0) -> dict:
    key = jax.random.key(seed)
    ks = jax.random.split(key, 6)
    x = jax.random.normal(ks[0], (N, D_IN), dtype=jnp.float32)
    edge_index = jax.random.randint(ks[1], (2, E), 0, N, dtype=jnp.int32)
    # Learned parameters (glorot-style init for weights, zeros for biases, matching the module)
    W1 = jax.random.normal(ks[2], (D_IN, D_HID), dtype=jnp.float32) * np.sqrt(2.0 / (D_IN + D_HID))
    b1 = jnp.zeros((D_HID,), dtype=jnp.float32)
    W2 = jax.random.normal(ks[3], (D_HID, D_OUT), dtype=jnp.float32) * np.sqrt(2.0 / (D_HID + D_OUT))
    b2 = jnp.zeros((D_OUT,), dtype=jnp.float32)
    return {"x": x, "edge_index": edge_index, "W1": W1, "b1": b1, "W2": W2, "b2": b2}


def _gcn_layer(x, row, col, W, b, n):
    # degree of destination nodes (col), includes self-loops so deg >= 1
    deg = jnp.zeros((n,), dtype=x.dtype).at[col].add(1.0)
    dinv = jax.lax.rsqrt(deg)
    norm = dinv[row] * dinv[col]
    # message: norm * lin(x_j) where x_j = x[row] (source nodes)
    msg = norm[:, None] * (x[row] @ W)
    # aggr='add' at destination (col)
    out = jax.ops.segment_sum(msg, col, num_segments=n)
    return out + b


def reference(x, edge_index, W1, b1, W2, b2):
    n = x.shape[0]
    # add_self_loops
    loop = jnp.arange(n, dtype=edge_index.dtype)
    row = jnp.concatenate([edge_index[0], loop])
    col = jnp.concatenate([edge_index[1], loop])
    h = _gcn_layer(x, row, col, W1, b1, n)
    h = jax.nn.relu(h)
    # dropout is identity in eval mode
    out = _gcn_layer(h, row, col, W2, b2, n)
    return out

if __name__ == "__main__":
    import jax
    _d = setup_inputs()
    print(jax.jit(kernel)(*tuple(_d.values())))

</pallas_src>

<mosaic_0001>
#map = affine_map<(d0, d1) -> (0, 0, 0)>
#map1 = affine_map<(d0, d1) -> (0, 0)>
#map2 = affine_map<(d0, d1) -> (0)>
module attributes {stable_mosaic.version = 14 : i64} {
  func.func @deg_scale(%arg0: i32, %arg1: i32, %arg2: memref<16x160x128xi32, #tpu.memory_space<hbm>>, %arg3: memref<10240x128xf32, #tpu.memory_space<hbm>>, %arg4: memref<10240xf32, #tpu.memory_space<hbm>>, %arg5: memref<10240x128xf32, #tpu.memory_space<hbm>>, %arg6: memref<160x128xi32, #tpu.memory_space<vmem>>, %arg7: memref<128xf32, #tpu.memory_space<vmem>>, %arg8: memref<640xf32, #tpu.memory_space<vmem>>, %arg9: memref<320xf32, #tpu.memory_space<vmem>>, %arg10: memref<320xf32, #tpu.memory_space<vmem>>, %arg11: memref<320x128xf32, #tpu.memory_space<vmem>>, %arg12: memref<10240xf32, #tpu.memory_space<vmem_shared>>) attributes {dimension_semantics = [#tpu.dimension_semantics<core_parallel>, #tpu.dimension_semantics<subcore_parallel>], iteration_bounds = array<i64: 2, 16>, scalar_prefetch = 0 : i64, scratch_operands = 7 : i64, tpu.core_type = #tpu.core_type<sc_vector_subcore>, window_params = [{transform_indices = #map}, {transform_indices = #map1}, {transform_indices = #map2}, {transform_indices = #map1}]} {
    %scan3A = arith.constant 0 : i32
    %scan3A_0 = arith.constant 40 : i32
    %scan3A_1 = arith.addi %scan3A, %scan3A_0 : i32
    %scan3A_2 = arith.constant 1 : i32
    scf.for %scan3A_55 = %scan3A to %scan3A_1 step %scan3A_2  : i32 {
      %mul3A_56 = arith.constant 1 : i32
      %mul3A_57 = arith.muli %scan3A_55, %mul3A_56 : i32
      %add3A_58 = arith.constant 0 : i32
      %add3A_59 = arith.addi %add3A_58, %mul3A_57 : i32
      %broadcast_in_dim3A_60 = arith.constant 0.000000e+00 : f32
      %broadcast_in_dim3A_61 = vector.broadcast %broadcast_in_dim3A_60 : f32 to vector<16xf32>
      %mul3A_62 = arith.constant 16 : i32
      %mul3A_63 = arith.muli %add3A_59, %mul3A_62 : i32
      %swap3A_64 = arith.index_cast %mul3A_63 : i32 to index
      %swap3A_65 = tpu.vector_load %arg8[%swap3A_64] {strides = array<i32>} : memref<640xf32, #tpu.memory_space<vmem>>, vector<16xf32>,
      tpu.vector_store %arg8[%swap3A_64], %broadcast_in_dim3A_61 {strides = array<i32>} : memref<640xf32, #tpu.memory_space<vmem>>, vector<16xf32>,
    }
    %scan3A_3 = arith.constant 40 : i32
    %broadcast_in_dim3A = arith.constant 1.000000e+00 : f32
    %broadcast_in_dim3A_4 = vector.broadcast %broadcast_in_dim3A : f32 to vector<16xf32>
    %swap3A = arith.constant 0 : index
    %swap3A_5 = tpu.vector_load %arg7[%swap3A] {strides = array<i32>} : memref<128xf32, #tpu.memory_space<vmem>>, vector<16xf32>,
    tpu.vector_store %arg7[%swap3A], %broadcast_in_dim3A_4 {strides = array<i32>} : memref<128xf32, #tpu.memory_space<vmem>>, vector<16xf32>,
    %broadcast_in_dim3A_6 = arith.constant 1.000000e+00 : f32
    %broadcast_in_dim3A_7 = vector.broadcast %broadcast_in_dim3A_6 : f32 to vector<16xf32>
    %swap3A_8 = arith.constant 16 : index
    %swap3A_9 = tpu.vector_load %arg7[%swap3A_8] {strides = array<i32>} : memref<128xf32, #tpu.memory_space<vmem>>, vector<16xf32>,
    tpu.vector_store %arg7[%swap3A_8], %broadcast_in_dim3A_7 {strides = array<i32>} : memref<128xf32, #tpu.memory_space<vmem>>, vector<16xf32>,
    %broadcast_in_dim3A_10 = arith.constant 1.000000e+00 : f32
    %broadcast_in_dim3A_11 = vector.broadcast %broadcast_in_dim3A_10 : f32 to vector<16xf32>
    %swap3A_12 = arith.constant 32 : index
    %swap3A_13 = tpu.vector_load %arg7[%swap3A_12] {strides = array<i32>} : memref<128xf32, #tpu.memory_space<vmem>>, vector<16xf32>,
    tpu.vector_store %arg7[%swap3A_12], %broadcast_in_dim3A_11 {strides = array<i32>} : memref<128xf32, #tpu.memory_space<vmem>>, vector<16xf32>,
    %broadcast_in_dim3A_14 = arith.constant 1.000000e+00 : f32
    %broadcast_in_dim3A_15 = vector.broadcast %broadcast_in_dim3A_14 : f32 to vector<16xf32>
    %swap3A_16 = arith.constant 48 : index
    %swap3A_17 = tpu.vector_load %arg7[%swap3A_16] {strides = array<i32>} : memref<128xf32, #tpu.memory_space<vmem>>, vector<16xf32>,
    tpu.vector_store %arg7[%swap3A_16], %broadcast_in_dim3A_15 {strides = array<i32>} : memref<128xf32, #tpu.memory_space<vmem>>, vector<16xf32>,
    %broadcast_in_dim3A_18 = arith.constant 1.000000e+00 : f32
    %broadcast_in_dim3A_19 = vector.broadcast %broadcast_in_dim3A_18 : f32 to vector<16xf32>
    %swap3A_20 = arith.constant 64 : index
    %swap3A_21 = tpu.vector_load %arg7[%swap3A_20] {strides = array<i32>} : memref<128xf32, #tpu.memory_space<vmem>>, vector<16xf32>,
    tpu.vector_store %arg7[%swap3A_20], %broadcast_in_dim3A_19 {strides = array<i32>} : memref<128xf32, #tpu.memory_space<vmem>>, vector<16xf32>,
    %broadcast_in_dim3A_22 = arith.constant 1.000000e+00 : f32
    %broadcast_in_dim3A_23 = vector.broadcast %broadcast_in_dim3A_22 : f32 to vector<16xf32>
    %swap3A_24 = arith.constant 80 : index
    %swap3A_25 = tpu.vector_load %arg7[%swap3A_24] {strides = array<i32>} : memref<128xf32, #tpu.memory_space<vmem>>, vector<16xf32>,
    tpu.vector_store %arg7[%swap3A_24], %broadcast_in_dim3A_23 {strides = array<i32>} : memref<128xf32, #tpu.memory_space<vmem>>, vector<16xf32>,
    %broadcast_in_dim3A_26 = arith.constant 1.000000e+00 : f32
    %broadcast_in_dim3A_27 = vector.broadcast %broadcast_in_dim3A_26 : f32 to vector<16xf32>
    %swap3A_28 = arith.constant 96 : index
    %swap3A_29 = tpu.vector_load %arg7[%swap3A_28] {strides = array<i32>} : memref<128xf32, #tpu.memory_space<vmem>>, vector<16xf32>,
    tpu.vector_store %arg7[%swap3A_28], %broadcast_in_dim3A_27 {strides = array<i32>} : memref<128xf32, #tpu.memory_space<vmem>>, vector<16xf32>,
    %broadcast_in_dim3A_30 = arith.constant 1.000000e+00 : f32
    %broadcast_in_dim3A_31 = vector.broadcast %broadcast_in_dim3A_30 : f32 to vector<16xf32>
    %swap3A_32 = arith.constant 112 : index
    %swap3A_33 = tpu.vector_load %arg7[%swap3A_32] {strides = array<i32>} : memref<128xf32, #tpu.memory_space<vmem>>, vector<16xf32>,
    tpu.vector_store %arg7[%swap3A_32], %broadcast_in_dim3A_31 {strides = array<i32>} : memref<128xf32, #tpu.memory_space<vmem>>, vector<16xf32>,
    %mul3A = arith.constant 640 : i32
    %mul3A_34 = arith.muli %arg1, %mul3A : i32
    "tpu.region"() ({
      %run_scoped3A = tpu.sem_alloc : memref<!tpu.dma_semaphore, #tpu.memory_space<semaphore_mem>>
      %dma_start3A = tpu.memref_slice %arg12[%mul3A_34] : memref<10240xf32, #tpu.memory_space<vmem_shared>> -> memref<640xf32, #tpu.memory_space<vmem_shared>>
      %dma_start3A_55 = tpu.memref_slice %arg12[%mul3A_34] : memref<10240xf32, #tpu.memory_space<vmem_shared>> -> memref<640xf32, #tpu.memory_space<vmem_shared>>
      tpu.enqueue_dma source(%arg8 : memref<640xf32, #tpu.memory_space<vmem>>) target(%dma_start3A_55 : memref<640xf32, #tpu.memory_space<vmem_shared>>) target_semaphore(%run_scoped3A : memref<!tpu.dma_semaphore, #tpu.memory_space<semaphore_mem>>)
      %dma_wait3A = tpu.memref_slice %arg12[%mul3A_34] : memref<10240xf32, #tpu.memory_space<vmem_shared>> -> memref<640xf32, #tpu.memory_space<vmem_shared>>
      %dma_wait3A_56 = tpu.memref_slice %arg12[%mul3A_34] : memref<10240xf32, #tpu.memory_space<vmem_shared>> -> memref<640xf32, #tpu.memory_space<vmem_shared>>
      tpu.wait_dma2 semaphore(%run_scoped3A : memref<!tpu.dma_semaphore, #tpu.memory_space<semaphore_mem>>) src(%arg8 : memref<640xf32, #tpu.memory_space<vmem>>) dst(%dma_wait3A_56 : memref<640xf32, #tpu.memory_space<vmem_shared>>)
      tpu.yield
    }) : () -> ()
    "tpu.region"() ({
      %run_scoped3A = tpu.sem_alloc : memref<!tpu.dma_semaphore, #tpu.memory_space<semaphore_mem>>
      %dma_start3A = arith.constant 0 : i32
      %dma_start3A_55 = arith.constant 0 : i32
      %dma_start3A_56 = tpu.memref_slice %arg2[%arg1, %dma_start3A, %dma_start3A_55] : memref<16x160x128xi32, #tpu.memory_space<hbm>> -> memref<1x160x128xi32, #tpu.memory_space<hbm>>
      %dma_start3A_57 = tpu.memref_squeeze %dma_start3A_56 : memref<1x160x128xi32, #tpu.memory_space<hbm>> -> memref<160x128xi32, #tpu.memory_space<hbm>>
      %dma_start3A_58 = arith.constant 0 : i32
      %dma_start3A_59 = arith.constant 0 : i32
      %dma_start3A_60 = tpu.memref_slice %arg2[%arg1, %dma_start3A_58, %dma_start3A_59] : memref<16x160x128xi32, #tpu.memory_space<hbm>> -> memref<1x160x128xi32, #tpu.memory_space<hbm>>
      %dma_start3A_61 = tpu.memref_squeeze %dma_start3A_60 : memref<1x160x128xi32, #tpu.memory_space<hbm>> -> memref<160x128xi32, #tpu.memory_space<hbm>>
      tpu.enqueue_dma source(%dma_start3A_61 : memref<160x128xi32, #tpu.memory_space<hbm>>) target(%arg6 : memref<160x128xi32, #tpu.memory_space<vmem>>) target_semaphore(%run_scoped3A : memref<!tpu.dma_semaphore, #tpu.memory_space<semaphore_mem>>)
      %dma_wait3A = arith.constant 0 : i32
      %dma_wait3A_62 = arith.constant 0 : i32
      %dma_wait3A_63 = tpu.memref_slice %arg2[%arg1, %dma_wait3A, %dma_wait3A_62] : memref<16x160x128xi32, #tpu.memory_space<hbm>> -> memref<1x160x128xi32, #tpu.memory_space<hbm>>
      %dma_wait3A_64 = tpu.memref_squeeze %dma_wait3A_63 : memref<1x160x128xi32, #tpu.memory_space<hbm>> -> memref<160x128xi32, #tpu.memory_space<hbm>>
      %dma_wait3A_65 = arith.constant 0 : i32
      %dma_wait3A_66 = arith.constant 0 : i32
      %dma_wait3A_67 = tpu.memref_slice %arg2[%arg1, %dma_wait3A_65, %dma_wait3A_66] : memref<16x160x128xi32, #tpu.memory_space<hbm>> -> memref<1x160x128xi32, #tpu.memory_space<hbm>>
      %dma_wait3A_68 = tpu.memref_squeeze %dma_wait3A_67 : memref<1x160x128xi32, #tpu.memory_space<hbm>> -> memref<160x128xi32, #tpu.memory_space<hbm>>
      tpu.wait_dma2 semaphore(%run_scoped3A : memref<!tpu.dma_semaphore, #tpu.memory_space<semaphore_mem>>) src(%dma_wait3A_68 : memref<160x128xi32, #tpu.memory_space<hbm>>) dst(%arg6 : memref<160x128xi32, #tpu.memory_space<vmem>>)
      tpu.yield
    }) : () -> ()
    %barrier3A = arith.constant 0 : index
    tpu.barrier barrier_id(%barrier3A)
    %scan3A_35 = arith.constant 0 : i32
    %scan3A_36 = arith.constant 160 : i32
    %scan3A_37 = arith.addi %scan3A_35, %scan3A_36 : i32
    %scan3A_38 = arith.constant 1 : i32
    scf.for %scan3A_55 = %scan3A_35 to %scan3A_37 step %scan3A_38  : i32 {
      %mul3A_56 = arith.constant 1 : i32
      %mul3A_57 = arith.muli %scan3A_55, %mul3A_56 : i32
      %add3A_58 = arith.constant 0 : i32
      %add3A_59 = arith.addi %add3A_58, %mul3A_57 : i32
      "tpu.region"() ({
        %run_scoped3A = tpu.sem_alloc : memref<!tpu.dma_semaphore, #tpu.memory_space<semaphore_mem>>
        %dma_start3A = arith.constant 0 : i32
        %dma_start3A_60 = tpu.memref_slice %arg6[%add3A_59, %dma_start3A] : memref<160x128xi32, #tpu.memory_space<vmem>> -> memref<1x128xi32, #tpu.memory_space<vmem>>
        %dma_start3A_61 = tpu.memref_squeeze %dma_start3A_60 : memref<1x128xi32, #tpu.memory_space<vmem>> -> memref<128xi32, #tpu.memory_space<vmem>>
        %dma_start3A_62 = arith.constant 0 : i32
        %dma_start3A_63 = tpu.memref_slice %arg12[%dma_start3A_62] : memref<10240xf32, #tpu.memory_space<vmem_shared>> -> memref<10240xf32, #tpu.memory_space<vmem_shared>>
        tpu.enqueue_indirect_dma source(%arg7 : memref<128xf32, #tpu.memory_space<vmem>>) target(%dma_start3A_63 : memref<10240xf32, #tpu.memory_space<vmem_shared>>) offsets(%dma_start3A_61 : memref<128xi32, #tpu.memory_space<vmem>>) semaphore(%run_scoped3A : memref<!tpu.dma_semaphore, #tpu.memory_space<semaphore_mem>>) {add = true}
        %dma_wait3A = arith.constant 0 : i32
        %dma_wait3A_64 = tpu.memref_slice %arg6[%add3A_59, %dma_wait3A] : memref<160x128xi32, #tpu.memory_space<vmem>> -> memref<1x128xi32, #tpu.memory_space<vmem>>
        %dma_wait3A_65 = tpu.memref_squeeze %dma_wait3A_64 : memref<1x128xi32, #tpu.memory_space<vmem>> -> memref<128xi32, #tpu.memory_space<vmem>>
        %dma_wait3A_66 = arith.constant 0 : i32
        %dma_wait3A_67 = tpu.memref_slice %arg12[%dma_wait3A_66] : memref<10240xf32, #tpu.memory_space<vmem_shared>> -> memref<10240xf32, #tpu.memory_space<vmem_shared>>
        tpu.wait_indirect_dma semaphore(%run_scoped3A : memref<!tpu.dma_semaphore, #tpu.memory_space<semaphore_mem>>) src(%arg7 : memref<128xf32, #tpu.memory_space<vmem>>) dst(%dma_wait3A_67 : memref<10240xf32, #tpu.memory_space<vmem_shared>>)
        tpu.yield
      }) : () -> ()
    }
    %scan3A_39 = arith.constant 160 : i32
    %barrier3A_40 = arith.constant 0 : index
    tpu.barrier barrier_id(%barrier3A_40)
    %mul3A_41 = arith.constant 16 : i32
    %mul3A_42 = arith.muli %arg0, %mul3A_41 : i32
    %add3A = arith.addi %mul3A_42, %arg1 : i32
    %mul3A_43 = arith.constant 320 : i32
    %mul3A_44 = arith.muli %add3A, %mul3A_43 : i32
    "tpu.region"() ({
      %run_scoped3A = tpu.sem_alloc : memref<!tpu.dma_semaphore, #tpu.memory_space<semaphore_mem>>
      %dma_start3A = tpu.memref_slice %arg12[%mul3A_44] : memref<10240xf32, #tpu.memory_space<vmem_shared>> -> memref<320xf32, #tpu.memory_space<vmem_shared>>
      %dma_start3A_55 = tpu.memref_slice %arg12[%mul3A_44] : memref<10240xf32, #tpu.memory_space<vmem_shared>> -> memref<320xf32, #tpu.memory_space<vmem_shared>>
      tpu.enqueue_dma source(%dma_start3A_55 : memref<320xf32, #tpu.memory_space<vmem_shared>>) target(%arg9 : memref<320xf32, #tpu.memory_space<vmem>>) target_semaphore(%run_scoped3A : memref<!tpu.dma_semaphore, #tpu.memory_space<semaphore_mem>>)
      %dma_wait3A = tpu.memref_slice %arg12[%mul3A_44] : memref<10240xf32, #tpu.memory_space<vmem_shared>> -> memref<320xf32, #tpu.memory_space<vmem_shared>>
      %dma_wait3A_56 = tpu.memref_slice %arg12[%mul3A_44] : memref<10240xf32, #tpu.memory_space<vmem_shared>> -> memref<320xf32, #tpu.memory_space<vmem_shared>>
      tpu.wait_dma2 semaphore(%run_scoped3A : memref<!tpu.dma_semaphore, #tpu.memory_space<semaphore_mem>>) src(%dma_wait3A_56 : memref<320xf32, #tpu.memory_space<vmem_shared>>) dst(%arg9 : memref<320xf32, #tpu.memory_space<vmem>>)
      tpu.yield
    }) : () -> ()
    "tpu.region"() ({
      %run_scoped3A = tpu.sem_alloc : memref<!tpu.dma_semaphore, #tpu.memory_space<semaphore_mem>>
      %dma_start3A = arith.constant 0 : i32
      %dma_start3A_55 = tpu.memref_slice %arg3[%mul3A_44, %dma_start3A] : memref<10240x128xf32, #tpu.memory_space<hbm>> -> memref<320x128xf32, #tpu.memory_space<hbm>>
      %dma_start3A_56 = arith.constant 0 : i32
      %dma_start3A_57 = tpu.memref_slice %arg3[%mul3A_44, %dma_start3A_56] : memref<10240x128xf32, #tpu.memory_space<hbm>> -> memref<320x128xf32, #tpu.memory_space<hbm>>
      tpu.enqueue_dma source(%dma_start3A_57 : memref<320x128xf32, #tpu.memory_space<hbm>>) target(%arg11 : memref<320x128xf32, #tpu.memory_space<vmem>>) target_semaphore(%run_scoped3A : memref<!tpu.dma_semaphore, #tpu.memory_space<semaphore_mem>>)
      %dma_wait3A = arith.constant 0 : i32
      %dma_wait3A_58 = tpu.memref_slice %arg3[%mul3A_44, %dma_wait3A] : memref<10240x128xf32, #tpu.memory_space<hbm>> -> memref<320x128xf32, #tpu.memory_space<hbm>>
      %dma_wait3A_59 = arith.constant 0 : i32
      %dma_wait3A_60 = tpu.memref_slice %arg3[%mul3A_44, %dma_wait3A_59] : memref<10240x128xf32, #tpu.memory_space<hbm>> -> memref<320x128xf32, #tpu.memory_space<hbm>>
      tpu.wait_dma2 semaphore(%run_scoped3A : memref<!tpu.dma_semaphore, #tpu.memory_space<semaphore_mem>>) src(%dma_wait3A_60 : memref<320x128xf32, #tpu.memory_space<hbm>>) dst(%arg11 : memref<320x128xf32, #tpu.memory_space<vmem>>)
      tpu.yield
    }) : () -> ()
    %scan3A_45 = arith.constant 0 : i32
    %scan3A_46 = arith.constant 20 : i32
    %scan3A_47 = arith.addi %scan3A_45, %scan3A_46 : i32
    %scan3A_48 = arith.constant 1 : i32
    scf.for %scan3A_55 = %scan3A_45 to %scan3A_47 step %scan3A_48  : i32 {
      %mul3A_56 = arith.constant 1 : i32
      %mul3A_57 = arith.muli %scan3A_55, %mul3A_56 : i32
      %add3A_58 = arith.constant 0 : i32
      %add3A_59 = arith.addi %add3A_58, %mul3A_57 : i32
      %mul3A_60 = arith.constant 16 : i32
      %mul3A_61 = arith.muli %add3A_59, %mul3A_60 : i32
      %get3A = arith.index_cast %mul3A_61 : i32 to index
      %get3A_62 = tpu.vector_load %arg9[%get3A] {strides = array<i32>} : memref<320xf32, #tpu.memory_space<vmem>>, vector<16xf32>,
      %add3A_63 = arith.constant 1.000000e+00 : f32
      %add3A_64 = vector.broadcast %add3A_63 : f32 to vector<16xf32>
      %add3A_65 = arith.addf %get3A_62, %add3A_64 : vector<16xf32>
      %bitcast_convert_type3A = tpu.bitcast %add3A_65 : vector<16xf32> -> vector<16xi32>
      %shift_right_arithmetic3A = arith.constant 1 : i32
      %shift_right_arithmetic3A_66 = vector.broadcast %shift_right_arithmetic3A : i32 to vector<16xi32>
      %shift_right_arithmetic3A_67 = arith.shrsi %bitcast_convert_type3A, %shift_right_arithmetic3A_66 : vector<16xi32>
      %sub3A = arith.constant 1597463007 : i32
      %sub3A_68 = vector.broadcast %sub3A : i32 to vector<16xi32>
      %sub3A_69 = arith.subi %sub3A_68, %shift_right_arithmetic3A_67 : vector<16xi32>
      %bitcast_convert_type3A_70 = tpu.bitcast %sub3A_69 : vector<16xi32> -> vector<16xf32>
      %mul3A_71 = arith.constant 5.000000e-01 : f32
      %mul3A_72 = vector.broadcast %mul3A_71 : f32 to vector<16xf32>
      %mul3A_73 = arith.mulf %mul3A_72, %add3A_65 : vector<16xf32>
      %mul3A_74 = arith.mulf %mul3A_73, %bitcast_convert_type3A_70 : vector<16xf32>
      %mul3A_75 = arith.mulf %mul3A_74, %bitcast_convert_type3A_70 : vector<16xf32>
      %sub3A_76 = arith.constant 1.500000e+00 : f32
      %sub3A_77 = vector.broadcast %sub3A_76 : f32 to vector<16xf32>
      %sub3A_78 = arith.subf %sub3A_77, %mul3A_75 : vector<16xf32>
      %mul3A_79 = arith.mulf %bitcast_convert_type3A_70, %sub3A_78 : vector<16xf32>
      %mul3A_80 = arith.constant 5.000000e-01 : f32
      %mul3A_81 = vector.broadcast %mul3A_80 : f32 to vector<16xf32>
      %mul3A_82 = arith.mulf %mul3A_81, %add3A_65 : vector<16xf32>
      %mul3A_83 = arith.mulf %mul3A_82, %mul3A_79 : vector<16xf32>
      %mul3A_84 = arith.mulf %mul3A_83, %mul3A_79 : vector<16xf32>
      %sub3A_85 = arith.constant 1.500000e+00 : f32
      %sub3A_86 = vector.broadcast %sub3A_85 : f32 to vector<16xf32>
      %sub3A_87 = arith.subf %sub3A_86, %mul3A_84 : vector<16xf32>
      %mul3A_88 = arith.mulf %mul3A_79, %sub3A_87 : vector<16xf32>
      %mul3A_89 = arith.constant 5.000000e-01 : f32
      %mul3A_90 = vector.broadcast %mul3A_89 : f32 to vector<16xf32>
      %mul3A_91 = arith.mulf %mul3A_90, %add3A_65 : vector<16xf32>
      %mul3A_92 = arith.mulf %mul3A_91, %mul3A_88 : vector<16xf32>
      %mul3A_93 = arith.mulf %mul3A_92, %mul3A_88 : vector<16xf32>
      %sub3A_94 = arith.constant 1.500000e+00 : f32
      %sub3A_95 = vector.broadcast %sub3A_94 : f32 to vector<16xf32>
      %sub3A_96 = arith.subf %sub3A_95, %mul3A_93 : vector<16xf32>
      %mul3A_97 = arith.mulf %mul3A_88, %sub3A_96 : vector<16xf32>
      %mul3A_98 = arith.constant 16 : i32
      %mul3A_99 = arith.muli %add3A_59, %mul3A_98 : i32
      %swap3A_100 = arith.index_cast %mul3A_99 : i32 to index
      %swap3A_101 = tpu.vector_load %arg10[%swap3A_100] {strides = array<i32>} : memref<320xf32, #tpu.memory_space<vmem>>, vector<16xf32>,
      tpu.vector_store %arg10[%swap3A_100], %mul3A_97 {strides = array<i32>} : memref<320xf32, #tpu.memory_space<vmem>>, vector<16xf32>,
    }
    %scan3A_49 = arith.constant 20 : i32
    %scan3A_50 = arith.constant 0 : i32
    %scan3A_51 = arith.constant 320 : i32
    %scan3A_52 = arith.addi %scan3A_50, %scan3A_51 : i32
    %scan3A_53 = arith.constant 1 : i32
    scf.for %scan3A_55 = %scan3A_50 to %scan3A_52 step %scan3A_53  : i32 {
      %mul3A_56 = arith.constant 1 : i32
      %mul3A_57 = arith.muli %scan3A_55, %mul3A_56 : i32
      %add3A_58 = arith.constant 0 : i32
      %add3A_59 = arith.addi %add3A_58, %mul3A_57 : i32
      %broadcast_in_dim3A_60 = vector.broadcast %add3A_59 : i32 to vector<16xi32>
      %gather3A = tpu.vector_load_idx %arg10[%broadcast_in_dim3A_60] : memref<320xf32, #tpu.memory_space<vmem>>[vector<16xi32>], vector<16xf32>,
      %get3A = arith.index_cast %add3A_59 : i32 to index
      %get3A_61 = arith.constant 0 : index
      %get3A_62 = tpu.vector_load %arg11[%get3A, %get3A_61] {strides = array<i32>} : memref<320x128xf32, #tpu.memory_space<vmem>>, vector<16xf32>,
      %mul3A_63 = arith.mulf %get3A_62, %gather3A : vector<16xf32>
      %swap3A_64 = arith.index_cast %add3A_59 : i32 to index
      %swap3A_65 = arith.constant 0 : index
      %swap3A_66 = tpu.vector_load %arg11[%swap3A_64, %swap3A_65] {strides = array<i32>} : memref<320x128xf32, #tpu.memory_space<vmem>>, vector<16xf32>,
      tpu.vector_store %arg11[%swap3A_64, %swap3A_65], %mul3A_63 {strides = array<i32>} : memref<320x128xf32, #tpu.memory_space<vmem>>, vector<16xf32>,
      %get3A_67 = arith.index_cast %add3A_59 : i32 to index
      %get3A_68 = arith.constant 16 : index
      %get3A_69 = tpu.vector_load %arg11[%get3A_67, %get3A_68] {strides = array<i32>} : memref<320x128xf32, #tpu.memory_space<vmem>>, vector<16xf32>,
      %mul3A_70 = arith.mulf %get3A_69, %gather3A : vector<16xf32>
      %swap3A_71 = arith.index_cast %add3A_59 : i32 to index
      %swap3A_72 = arith.constant 16 : index
      %swap3A_73 = tpu.vector_load %arg11[%swap3A_71, %swap3A_72] {strides = array<i32>} : memref<320x128xf32, #tpu.memory_space<vmem>>, vector<16xf32>,
      tpu.vector_store %arg11[%swap3A_71, %swap3A_72], %mul3A_70 {strides = array<i32>} : memref<320x128xf32, #tpu.memory_space<vmem>>, vector<16xf32>,
      %get3A_74 = arith.index_cast %add3A_59 : i32 to index
      %get3A_75 = arith.constant 32 : index
      %get3A_76 = tpu.vector_load %arg11[%get3A_74, %get3A_75] {strides = array<i32>} : memref<320x128xf32, #tpu.memory_space<vmem>>, vector<16xf32>,
      %mul3A_77 = arith.mulf %get3A_76, %gather3A : vector<16xf32>
      %swap3A_78 = arith.index_cast %add3A_59 : i32 to index
      %swap3A_79 = arith.constant 32 : index
      %swap3A_80 = tpu.vector_load %arg11[%swap3A_78, %swap3A_79] {strides = array<i32>} : memref<320x128xf32, #tpu.memory_space<vmem>>, vector<16xf32>,
      tpu.vector_store %arg11[%swap3A_78, %swap3A_79], %mul3A_77 {strides = array<i32>} : memref<320x128xf32, #tpu.memory_space<vmem>>, vector<16xf32>,
      %get3A_81 = arith.index_cast %add3A_59 : i32 to index
      %get3A_82 = arith.constant 48 : index
      %get3A_83 = tpu.vector_load %arg11[%get3A_81, %get3A_82] {strides = array<i32>} : memref<320x128xf32, #tpu.memory_space<vmem>>, vector<16xf32>,
      %mul3A_84 = arith.mulf %get3A_83, %gather3A : vector<16xf32>
      %swap3A_85 = arith.index_cast %add3A_59 : i32 to index
      %swap3A_86 = arith.constant 48 : index
      %swap3A_87 = tpu.vector_load %arg11[%swap3A_85, %swap3A_86] {strides = array<i32>} : memref<320x128xf32, #tpu.memory_space<vmem>>, vector<16xf32>,
      tpu.vector_store %arg11[%swap3A_85, %swap3A_86], %mul3A_84 {strides = array<i32>} : memref<320x128xf32, #tpu.memory_space<vmem>>, vector<16xf32>,
      %get3A_88 = arith.index_cast %add3A_59 : i32 to index
      %get3A_89 = arith.constant 64 : index
      %get3A_90 = tpu.vector_load %arg11[%get3A_88, %get3A_89] {strides = array<i32>} : memref<320x128xf32, #tpu.memory_space<vmem>>, vector<16xf32>,
      %mul3A_91 = arith.mulf %get3A_90, %gather3A : vector<16xf32>
      %swap3A_92 = arith.index_cast %add3A_59 : i32 to index
      %swap3A_93 = arith.constant 64 : index
      %swap3A_94 = tpu.vector_load %arg11[%swap3A_92, %swap3A_93] {strides = array<i32>} : memref<320x128xf32, #tpu.memory_space<vmem>>, vector<16xf32>,
      tpu.vector_store %arg11[%swap3A_92, %swap3A_93], %mul3A_91 {strides = array<i32>} : memref<320x128xf32, #tpu.memory_space<vmem>>, vector<16xf32>,
      %get3A_95 = arith.index_cast %add3A_59 : i32 to index
      %get3A_96 = arith.constant 80 : index
      %get3A_97 = tpu.vector_load %arg11[%get3A_95, %get3A_96] {strides = array<i32>} : memref<320x128xf32, #tpu.memory_space<vmem>>, vector<16xf32>,
      %mul3A_98 = arith.mulf %get3A_97, %gather3A : vector<16xf32>
      %swap3A_99 = arith.index_cast %add3A_59 : i32 to index
      %swap3A_100 = arith.constant 80 : index
      %swap3A_101 = tpu.vector_load %arg11[%swap3A_99, %swap3A_100] {strides = array<i32>} : memref<320x128xf32, #tpu.memory_space<vmem>>, vector<16xf32>,
      tpu.vector_store %arg11[%swap3A_99, %swap3A_100], %mul3A_98 {strides = array<i32>} : memref<320x128xf32, #tpu.memory_space<vmem>>, vector<16xf32>,
      %get3A_102 = arith.index_cast %add3A_59 : i32 to index
      %get3A_103 = arith.constant 96 : index
      %get3A_104 = tpu.vector_load %arg11[%get3A_102, %get3A_103] {strides = array<i32>} : memref<320x128xf32, #tpu.memory_space<vmem>>, vector<16xf32>,
      %mul3A_105 = arith.mulf %get3A_104, %gather3A : vector<16xf32>
      %swap3A_106 = arith.index_cast %add3A_59 : i32 to index
      %swap3A_107 = arith.constant 96 : index
      %swap3A_108 = tpu.vector_load %arg11[%swap3A_106, %swap3A_107] {strides = array<i32>} : memref<320x128xf32, #tpu.memory_space<vmem>>, vector<16xf32>,
      tpu.vector_store %arg11[%swap3A_106, %swap3A_107], %mul3A_105 {strides = array<i32>} : memref<320x128xf32, #tpu.memory_space<vmem>>, vector<16xf32>,
      %get3A_109 = arith.index_cast %add3A_59 : i32 to index
      %get3A_110 = arith.constant 112 : index
      %get3A_111 = tpu.vector_load %arg11[%get3A_109, %get3A_110] {strides = array<i32>} : memref<320x128xf32, #tpu.memory_space<vmem>>, vector<16xf32>,
      %mul3A_112 = arith.mulf %get3A_111, %gather3A : vector<16xf32>
      %swap3A_113 = arith.index_cast %add3A_59 : i32 to index
      %swap3A_114 = arith.constant 112 : index
      %swap3A_115 = tpu.vector_load %arg11[%swap3A_113, %swap3A_114] {strides = array<i32>} : memref<320x128xf32, #tpu.memory_space<vmem>>, vector<16xf32>,
      tpu.vector_store %arg11[%swap3A_113, %swap3A_114], %mul3A_112 {strides = array<i32>} : memref<320x128xf32, #tpu.memory_space<vmem>>, vector<16xf32>,
    }
    %scan3A_54 = arith.constant 320 : i32
    "tpu.region"() ({
      %run_scoped3A = tpu.sem_alloc : memref<!tpu.dma_semaphore, #tpu.memory_space<semaphore_mem>>
      %dma_start3A = tpu.memref_slice %arg4[%mul3A_44] : memref<10240xf32, #tpu.memory_space<hbm>> -> memref<320xf32, #tpu.memory_space<hbm>>
      %dma_start3A_55 = tpu.memref_slice %arg4[%mul3A_44] : memref<10240xf32, #tpu.memory_space<hbm>> -> memref<320xf32, #tpu.memory_space<hbm>>
      tpu.enqueue_dma source(%arg10 : memref<320xf32, #tpu.memory_space<vmem>>) target(%dma_start3A_55 : memref<320xf32, #tpu.memory_space<hbm>>) target_semaphore(%run_scoped3A : memref<!tpu.dma_semaphore, #tpu.memory_space<semaphore_mem>>)
      %dma_wait3A = tpu.memref_slice %arg4[%mul3A_44] : memref<10240xf32, #tpu.memory_space<hbm>> -> memref<320xf32, #tpu.memory_space<hbm>>
      %dma_wait3A_56 = tpu.memref_slice %arg4[%mul3A_44] : memref<10240xf32, #tpu.memory_space<hbm>> -> memref<320xf32, #tpu.memory_space<hbm>>
      tpu.wait_dma2 semaphore(%run_scoped3A : memref<!tpu.dma_semaphore, #tpu.memory_space<semaphore_mem>>) src(%arg10 : memref<320xf32, #tpu.memory_space<vmem>>) dst(%dma_wait3A_56 : memref<320xf32, #tpu.memory_space<hbm>>)
      tpu.yield
    }) : () -> ()
    "tpu.region"() ({
      %run_scoped3A = tpu.sem_alloc : memref<!tpu.dma_semaphore, #tpu.memory_space<semaphore_mem>>
      %dma_start3A = arith.constant 0 : i32
      %dma_start3A_55 = tpu.memref_slice %arg5[%mul3A_44, %dma_start3A] : memref<10240x128xf32, #tpu.memory_space<hbm>> -> memref<320x128xf32, #tpu.memory_space<hbm>>
      %dma_start3A_56 = arith.constant 0 : i32
      %dma_start3A_57 = tpu.memref_slice %arg5[%mul3A_44, %dma_start3A_56] : memref<10240x128xf32, #tpu.memory_space<hbm>> -> memref<320x128xf32, #tpu.memory_space<hbm>>
      tpu.enqueue_dma source(%arg11 : memref<320x128xf32, #tpu.memory_space<vmem>>) target(%dma_start3A_57 : memref<320x128xf32, #tpu.memory_space<hbm>>) target_semaphore(%run_scoped3A : memref<!tpu.dma_semaphore, #tpu.memory_space<semaphore_mem>>)
      %dma_wait3A = arith.constant 0 : i32
      %dma_wait3A_58 = tpu.memref_slice %arg5[%mul3A_44, %dma_wait3A] : memref<10240x128xf32, #tpu.memory_space<hbm>> -> memref<320x128xf32, #tpu.memory_space<hbm>>
      %dma_wait3A_59 = arith.constant 0 : i32
      %dma_wait3A_60 = tpu.memref_slice %arg5[%mul3A_44, %dma_wait3A_59] : memref<10240x128xf32, #tpu.memory_space<hbm>> -> memref<320x128xf32, #tpu.memory_space<hbm>>
      tpu.wait_dma2 semaphore(%run_scoped3A : memref<!tpu.dma_semaphore, #tpu.memory_space<semaphore_mem>>) src(%arg11 : memref<320x128xf32, #tpu.memory_space<vmem>>) dst(%dma_wait3A_60 : memref<320x128xf32, #tpu.memory_space<hbm>>)
      tpu.yield
    }) : () -> ()
    return
  }
}

#map = affine_map<(d0, d1) -> (0, 0)>
#map1 = affine_map<(d0, d1) -> (0, 0, 0)>
module attributes {stable_mosaic.version = 14 : i64} {
  func.func @propagate(%arg0: i32, %arg1: i32, %arg2: memref<10240x128xf32, #tpu.memory_space<hbm>>, %arg3: memref<32x160x64xi32, #tpu.memory_space<hbm>>, %arg4: memref<32x160x64xi32, #tpu.memory_space<hbm>>, %arg5: memref<2x10240x128xf32, #tpu.memory_space<hbm>>, %arg6: memref<80x64xi32, #tpu.memory_space<vmem>>, %arg7: memref<80x64xi32, #tpu.memory_space<vmem>>, %arg8: memref<2x64x128xf32, #tpu.memory_space<vmem>>, %arg9: memref<10240x128xf32, #tpu.memory_space<vmem_shared>>, %arg10: memref<!tpu.dma_semaphore, #tpu.memory_space<semaphore_mem>>, %arg11: memref<!tpu.dma_semaphore, #tpu.memory_space<semaphore_mem>>, %arg12: memref<!tpu.dma_semaphore, #tpu.memory_space<semaphore_mem>>, %arg13: memref<!tpu.dma_semaphore, #tpu.memory_space<semaphore_mem>>) attributes {dimension_semantics = [#tpu.dimension_semantics<core_parallel>, #tpu.dimension_semantics<subcore_parallel>], iteration_bounds = array<i64: 2, 16>, scalar_prefetch = 0 : i64, scratch_operands = 8 : i64, tpu.core_type = #tpu.core_type<sc_vector_subcore>, window_params = [{transform_indices = #map}, {transform_indices = #map1}, {transform_indices = #map1}, {transform_indices = #map1}]} {
    %mul3A = arith.constant 16 : i32
    %mul3A_0 = arith.muli %arg0, %mul3A : i32
    %add3A = arith.addi %mul3A_0, %arg1 : i32
    %scan3A = arith.constant 0 : i32
    %scan3A_1 = arith.constant 64 : i32
    %scan3A_2 = arith.addi %scan3A, %scan3A_1 : i32
    %scan3A_3 = arith.constant 1 : i32
    scf.for %scan3A_116 = %scan3A to %scan3A_2 step %scan3A_3  : i32 {
      %mul3A_117 = arith.constant 1 : i32
      %mul3A_118 = arith.muli %scan3A_116, %mul3A_117 : i32
      %add3A_119 = arith.constant 0 : i32
      %add3A_120 = arith.addi %add3A_119, %mul3A_118 : i32
      %broadcast_in_dim3A = arith.constant 0.000000e+00 : f32
      %broadcast_in_dim3A_121 = vector.broadcast %broadcast_in_dim3A : f32 to vector<16xf32>
      %swap3A = arith.constant 0 : i32
      %swap3A_122 = arith.index_cast %swap3A : i32 to index
      %swap3A_123 = arith.index_cast %add3A_120 : i32 to index
      %swap3A_124 = arith.constant 0 : index
      %swap3A_125 = tpu.vector_load %arg8[%swap3A_122, %swap3A_123, %swap3A_124] {strides = array<i32>} : memref<2x64x128xf32, #tpu.memory_space<vmem>>, vector<16xf32>,
      tpu.vector_store %arg8[%swap3A_122, %swap3A_123, %swap3A_124], %broadcast_in_dim3A_121 {strides = array<i32>} : memref<2x64x128xf32, #tpu.memory_space<vmem>>, vector<16xf32>,
      %broadcast_in_dim3A_126 = arith.constant 0.000000e+00 : f32
      %broadcast_in_dim3A_127 = vector.broadcast %broadcast_in_dim3A_126 : f32 to vector<16xf32>
      %swap3A_128 = arith.constant 0 : i32
      %swap3A_129 = arith.index_cast %swap3A_128 : i32 to index
      %swap3A_130 = arith.index_cast %add3A_120 : i32 to index
      %swap3A_131 = arith.constant 16 : index
      %swap3A_132 = tpu.vector_load %arg8[%swap3A_129, %swap3A_130, %swap3A_131] {strides = array<i32>} : memref<2x64x128xf32, #tpu.memory_space<vmem>>, vector<16xf32>,
      tpu.vector_store %arg8[%swap3A_129, %swap3A_130, %swap3A_131], %broadcast_in_dim3A_127 {strides = array<i32>} : memref<2x64x128xf32, #tpu.memory_space<vmem>>, vector<16xf32>,
      %broadcast_in_dim3A_133 = arith.constant 0.000000e+00 : f32
      %broadcast_in_dim3A_134 = vector.broadcast %broadcast_in_dim3A_133 : f32 to vector<16xf32>
      %swap3A_135 = arith.constant 0 : i32
      %swap3A_136 = arith.index_cast %swap3A_135 : i32 to index
      %swap3A_137 = arith.index_cast %add3A_120 : i32 to index
      %swap3A_138 = arith.constant 32 : index
      %swap3A_139 = tpu.vector_load %arg8[%swap3A_136, %swap3A_137, %swap3A_138] {strides = array<i32>} : memref<2x64x128xf32, #tpu.memory_space<vmem>>, vector<16xf32>,
      tpu.vector_store %arg8[%swap3A_136, %swap3A_137, %swap3A_138], %broadcast_in_dim3A_134 {strides = array<i32>} : memref<2x64x128xf32, #tpu.memory_space<vmem>>, vector<16xf32>,
      %broadcast_in_dim3A_140 = arith.constant 0.000000e+00 : f32
      %broadcast_in_dim3A_141 = vector.broadcast %broadcast_in_dim3A_140 : f32 to vector<16xf32>
      %swap3A_142 = arith.constant 0 : i32
      %swap3A_143 = arith.index_cast %swap3A_142 : i32 to index
      %swap3A_144 = arith.index_cast %add3A_120 : i32 to index
      %swap3A_145 = arith.constant 48 : index
      %swap3A_146 = tpu.vector_load %arg8[%swap3A_143, %swap3A_144, %swap3A_145] {strides = array<i32>} : memref<2x64x128xf32, #tpu.memory_space<vmem>>, vector<16xf32>,
      tpu.vector_store %arg8[%swap3A_143, %swap3A_144, %swap3A_145], %broadcast_in_dim3A_141 {strides = array<i32>} : memref<2x64x128xf32, #tpu.memory_space<vmem>>, vector<16xf32>,
      %broadcast_in_dim3A_147 = arith.constant 0.000000e+00 : f32
      %broadcast_in_dim3A_148 = vector.broadcast %broadcast_in_dim3A_147 : f32 to vector<16xf32>
      %swap3A_149 = arith.constant 0 : i32
      %swap3A_150 = arith.index_cast %swap3A_149 : i32 to index
      %swap3A_151 = arith.index_cast %add3A_120 : i32 to index
      %swap3A_152 = arith.constant 64 : index
      %swap3A_153 = tpu.vector_load %arg8[%swap3A_150, %swap3A_151, %swap3A_152] {strides = array<i32>} : memref<2x64x128xf32, #tpu.memory_space<vmem>>, vector<16xf32>,
      tpu.vector_store %arg8[%swap3A_150, %swap3A_151, %swap3A_152], %broadcast_in_dim3A_148 {strides = array<i32>} : memref<2x64x128xf32, #tpu.memory_space<vmem>>, vector<16xf32>,
      %broadcast_in_dim3A_154 = arith.constant 0.000000e+00 : f32
      %broadcast_in_dim3A_155 = vector.broadcast %broadcast_in_dim3A_154 : f32 to vector<16xf32>
      %swap3A_156 = arith.constant 0 : i32
      %swap3A_157 = arith.index_cast %swap3A_156 : i32 to index
      %swap3A_158 = arith.index_cast %add3A_120 : i32 to index
      %swap3A_159 = arith.constant 80 : index
      %swap3A_160 = tpu.vector_load %arg8[%swap3A_157, %swap3A_158, %swap3A_159] {strides = array<i32>} : memref<2x64x128xf32, #tpu.memory_space<vmem>>, vector<16xf32>,
      tpu.vector_store %arg8[%swap3A_157, %swap3A_158, %swap3A_159], %broadcast_in_dim3A_155 {strides = array<i32>} : memref<2x64x128xf32, #tpu.memory_space<vmem>>, vector<16xf32>,
      %broadcast_in_dim3A_161 = arith.constant 0.000000e+00 : f32
      %broadcast_in_dim3A_162 = vector.broadcast %broadcast_in_dim3A_161 : f32 to vector<16xf32>
      %swap3A_163 = arith.constant 0 : i32
      %swap3A_164 = arith.index_cast %swap3A_163 : i32 to index
      %swap3A_165 = arith.index_cast %add3A_120 : i32 to index
      %swap3A_166 = arith.constant 96 : index
      %swap3A_167 = tpu.vector_load %arg8[%swap3A_164, %swap3A_165, %swap3A_166] {strides = array<i32>} : memref<2x64x128xf32, #tpu.memory_space<vmem>>, vector<16xf32>,
      tpu.vector_store %arg8[%swap3A_164, %swap3A_165, %swap3A_166], %broadcast_in_dim3A_162 {strides = array<i32>} : memref<2x64x128xf32, #tpu.memory_space<vmem>>, vector<16xf32>,
      %broadcast_in_dim3A_168 = arith.constant 0.000000e+00 : f32
      %broadcast_in_dim3A_169 = vector.broadcast %broadcast_in_dim3A_168 : f32 to vector<16xf32>
      %swap3A_170 = arith.constant 0 : i32
      %swap3A_171 = arith.index_cast %swap3A_170 : i32 to index
      %swap3A_172 = arith.index_cast %add3A_120 : i32 to index
      %swap3A_173 = arith.constant 112 : index
      %swap3A_174 = tpu.vector_load %arg8[%swap3A_171, %swap3A_172, %swap3A_173] {strides = array<i32>} : memref<2x64x128xf32, #tpu.memory_space<vmem>>, vector<16xf32>,
      tpu.vector_store %arg8[%swap3A_171, %swap3A_172, %swap3A_173], %broadcast_in_dim3A_169 {strides = array<i32>} : memref<2x64x128xf32, #tpu.memory_space<vmem>>, vector<16xf32>,
    }
    %scan3A_4 = arith.constant 64 : i32
    %mul3A_5 = arith.constant 640 : i32
    %mul3A_6 = arith.muli %arg1, %mul3A_5 : i32
    %add3A_7 = arith.constant 0 : i32
    %add3A_8 = arith.addi %mul3A_6, %add3A_7 : i32
    %run_scoped3A = arith.constant 0 : i32
    "tpu.region"() ({
      %run_scoped3A_116 = tpu.sem_alloc : memref<!tpu.dma_semaphore, #tpu.memory_space<semaphore_mem>>
      %dma_start3A_117 = arith.constant 0 : i32
      %dma_start3A_118 = arith.constant 0 : i32
      %dma_start3A_119 = tpu.memref_slice %arg8[%run_scoped3A, %dma_start3A_117, %dma_start3A_118] : memref<2x64x128xf32, #tpu.memory_space<vmem>> -> memref<1x64x128xf32, #tpu.memory_space<vmem>>
      %dma_start3A_120 = tpu.memref_squeeze %dma_start3A_119 : memref<1x64x128xf32, #tpu.memory_space<vmem>> -> memref<64x128xf32, #tpu.memory_space<vmem>>
      %dma_start3A_121 = arith.constant 0 : i32
      %dma_start3A_122 = tpu.memref_slice %arg9[%add3A_8, %dma_start3A_121] : memref<10240x128xf32, #tpu.memory_space<vmem_shared>> -> memref<64x128xf32, #tpu.memory_space<vmem_shared>>
      %dma_start3A_123 = arith.constant 0 : i32
      %dma_start3A_124 = tpu.memref_slice %arg9[%add3A_8, %dma_start3A_123] : memref<10240x128xf32, #tpu.memory_space<vmem_shared>> -> memref<64x128xf32, #tpu.memory_space<vmem_shared>>
      %dma_start3A_125 = arith.constant 0 : i32
      %dma_start3A_126 = arith.constant 0 : i32
      %dma_start3A_127 = tpu.memref_slice %arg8[%run_scoped3A, %dma_start3A_125, %dma_start3A_126] : memref<2x64x128xf32, #tpu.memory_space<vmem>> -> memref<1x64x128xf32, #tpu.memory_space<vmem>>
      %dma_start3A_128 = tpu.memref_squeeze %dma_start3A_127 : memref<1x64x128xf32, #tpu.memory_space<vmem>> -> memref<64x128xf32, #tpu.memory_space<vmem>>
      tpu.enqueue_dma source(%dma_start3A_128 : memref<64x128xf32, #tpu.memory_space<vmem>>) target(%dma_start3A_124 : memref<64x128xf32, #tpu.memory_space<vmem_shared>>) target_semaphore(%run_scoped3A_116 : memref<!tpu.dma_semaphore, #tpu.memory_space<semaphore_mem>>)
      %dma_wait3A = arith.constant 0 : i32
      %dma_wait3A_129 = arith.constant 0 : i32
      %dma_wait3A_130 = tpu.memref_slice %arg8[%run_scoped3A, %dma_wait3A, %dma_wait3A_129] : memref<2x64x128xf32, #tpu.memory_space<vmem>> -> memref<1x64x128xf32, #tpu.memory_space<vmem>>
      %dma_wait3A_131 = tpu.memref_squeeze %dma_wait3A_130 : memref<1x64x128xf32, #tpu.memory_space<vmem>> -> memref<64x128xf32, #tpu.memory_space<vmem>>
      %dma_wait3A_132 = arith.constant 0 : i32
      %dma_wait3A_133 = tpu.memref_slice %arg9[%add3A_8, %dma_wait3A_132] : memref<10240x128xf32, #tpu.memory_space<vmem_shared>> -> memref<64x128xf32, #tpu.memory_space<vmem_shared>>
      %dma_wait3A_134 = arith.constant 0 : i32
      %dma_wait3A_135 = tpu.memref_slice %arg9[%add3A_8, %dma_wait3A_134] : memref<10240x128xf32, #tpu.memory_space<vmem_shared>> -> memref<64x128xf32, #tpu.memory_space<vmem_shared>>
      %dma_wait3A_136 = arith.constant 0 : i32
      %dma_wait3A_137 = arith.constant 0 : i32
      %dma_wait3A_138 = tpu.memref_slice %arg8[%run_scoped3A, %dma_wait3A_136, %dma_wait3A_137] : memref<2x64x128xf32, #tpu.memory_space<vmem>> -> memref<1x64x128xf32, #tpu.memory_space<vmem>>
      %dma_wait3A_139 = tpu.memref_squeeze %dma_wait3A_138 : memref<1x64x128xf32, #tpu.memory_space<vmem>> -> memref<64x128xf32, #tpu.memory_space<vmem>>
      tpu.wait_dma2 semaphore(%run_scoped3A_116 : memref<!tpu.dma_semaphore, #tpu.memory_space<semaphore_mem>>) src(%dma_wait3A_139 : memref<64x128xf32, #tpu.memory_space<vmem>>) dst(%dma_wait3A_135 : memref<64x128xf32, #tpu.memory_space<vmem_shared>>)
      tpu.yield
    }) : () -> ()
    %mul3A_9 = arith.constant 640 : i32
    %mul3A_10 = arith.muli %arg1, %mul3A_9 : i32
    %add3A_11 = arith.constant 64 : i32
    %add3A_12 = arith.addi %mul3A_10, %add3A_11 : i32
    %run_scoped3A_13 = arith.constant 0 : i32
    "tpu.region"() ({
      %run_scoped3A_116 = tpu.sem_alloc : memref<!tpu.dma_semaphore, #tpu.memory_space<semaphore_mem>>
      %dma_start3A_117 = arith.constant 0 : i32
      %dma_start3A_118 = arith.constant 0 : i32
      %dma_start3A_119 = tpu.memref_slice %arg8[%run_scoped3A_13, %dma_start3A_117, %dma_start3A_118] : memref<2x64x128xf32, #tpu.memory_space<vmem>> -> memref<1x64x128xf32, #tpu.memory_space<vmem>>
      %dma_start3A_120 = tpu.memref_squeeze %dma_start3A_119 : memref<1x64x128xf32, #tpu.memory_space<vmem>> -> memref<64x128xf32, #tpu.memory_space<vmem>>
      %dma_start3A_121 = arith.constant 0 : i32
      %dma_start3A_122 = tpu.memref_slice %arg9[%add3A_12, %dma_start3A_121] : memref<10240x128xf32, #tpu.memory_space<vmem_shared>> -> memref<64x128xf32, #tpu.memory_space<vmem_shared>>
      %dma_start3A_123 = arith.constant 0 : i32
      %dma_start3A_124 = tpu.memref_slice %arg9[%add3A_12, %dma_start3A_123] : memref<10240x128xf32, #tpu.memory_space<vmem_shared>> -> memref<64x128xf32, #tpu.memory_space<vmem_shared>>
      %dma_start3A_125 = arith.constant 0 : i32
      %dma_start3A_126 = arith.constant 0 : i32
      %dma_start3A_127 = tpu.memref_slice %arg8[%run_scoped3A_13, %dma_start3A_125, %dma_start3A_126] : memref<2x64x128xf32, #tpu.memory_space<vmem>> -> memref<1x64x128xf32, #tpu.memory_space<vmem>>
      %dma_start3A_128 = tpu.memref_squeeze %dma_start3A_127 : memref<1x64x128xf32, #tpu.memory_space<vmem>> -> memref<64x128xf32, #tpu.memory_space<vmem>>
      tpu.enqueue_dma source(%dma_start3A_128 : memref<64x128xf32, #tpu.memory_space<vmem>>) target(%dma_start3A_124 : memref<64x128xf32, #tpu.memory_space<vmem_shared>>) target_semaphore(%run_scoped3A_116 : memref<!tpu.dma_semaphore, #tpu.memory_space<semaphore_mem>>)
      %dma_wait3A = arith.constant 0 : i32
      %dma_wait3A_129 = arith.constant 0 : i32
      %dma_wait3A_130 = tpu.memref_slice %arg8[%run_scoped3A_13, %dma_wait3A, %dma_wait3A_129] : memref<2x64x128xf32, #tpu.memory_space<vmem>> -> memref<1x64x128xf32, #tpu.memory_space<vmem>>
      %dma_wait3A_131 = tpu.memref_squeeze %dma_wait3A_130 : memref<1x64x128xf32, #tpu.memory_space<vmem>> -> memref<64x128xf32, #tpu.memory_space<vmem>>
      %dma_wait3A_132 = arith.constant 0 : i32
      %dma_wait3A_133 = tpu.memref_slice %arg9[%add3A_12, %dma_wait3A_132] : memref<10240x128xf32, #tpu.memory_space<vmem_shared>> -> memref<64x128xf32, #tpu.memory_space<vmem_shared>>
      %dma_wait3A_134 = arith.constant 0 : i32
      %dma_wait3A_135 = tpu.memref_slice %arg9[%add3A_12, %dma_wait3A_134] : memref<10240x128xf32, #tpu.memory_space<vmem_shared>> -> memref<64x128xf32, #tpu.memory_space<vmem_shared>>
      %dma_wait3A_136 = arith.constant 0 : i32
      %dma_wait3A_137 = arith.constant 0 : i32
      %dma_wait3A_138 = tpu.memref_slice %arg8[%run_scoped3A_13, %dma_wait3A_136, %dma_wait3A_137] : memref<2x64x128xf32, #tpu.memory_space<vmem>> -> memref<1x64x128xf32, #tpu.memory_space<vmem>>
      %dma_wait3A_139 = tpu.memref_squeeze %dma_wait3A_138 : memref<1x64x128xf32, #tpu.memory_space<vmem>> -> memref<64x128xf32, #tpu.memory_space<vmem>>
      tpu.wait_dma2 semaphore(%run_scoped3A_116 : memref<!tpu.dma_semaphore, #tpu.memory_space<semaphore_mem>>) src(%dma_wait3A_139 : memref<64x128xf32, #tpu.memory_space<vmem>>) dst(%dma_wait3A_135 : memref<64x128xf32, #tpu.memory_space<vmem_shared>>)
      tpu.yield
    }) : () -> ()
    %mul3A_14 = arith.constant 640 : i32
    %mul3A_15 = arith.muli %arg1, %mul3A_14 : i32
    %add3A_16 = arith.constant 128 : i32
    %add3A_17 = arith.addi %mul3A_15, %add3A_16 : i32
    %run_scoped3A_18 = arith.constant 0 : i32
    "tpu.region"() ({
      %run_scoped3A_116 = tpu.sem_alloc : memref<!tpu.dma_semaphore, #tpu.memory_space<semaphore_mem>>
      %dma_start3A_117 = arith.constant 0 : i32
      %dma_start3A_118 = arith.constant 0 : i32
      %dma_start3A_119 = tpu.memref_slice %arg8[%run_scoped3A_18, %dma_start3A_117, %dma_start3A_118] : memref<2x64x128xf32, #tpu.memory_space<vmem>> -> memref<1x64x128xf32, #tpu.memory_space<vmem>>
      %dma_start3A_120 = tpu.memref_squeeze %dma_start3A_119 : memref<1x64x128xf32, #tpu.memory_space<vmem>> -> memref<64x128xf32, #tpu.memory_space<vmem>>
      %dma_start3A_121 = arith.constant 0 : i32
      %dma_start3A_122 = tpu.memref_slice %arg9[%add3A_17, %dma_start3A_121] : memref<10240x128xf32, #tpu.memory_space<vmem_shared>> -> memref<64x128xf32, #tpu.memory_space<vmem_shared>>
      %dma_start3A_123 = arith.constant 0 : i32
      %dma_start3A_124 = tpu.memref_slice %arg9[%add3A_17, %dma_start3A_123] : memref<10240x128xf32, #tpu.memory_space<vmem_shared>> -> memref<64x128xf32, #tpu.memory_space<vmem_shared>>
      %dma_start3A_125 = arith.constant 0 : i32
      %dma_start3A_126 = arith.constant 0 : i32
      %dma_start3A_127 = tpu.memref_slice %arg8[%run_scoped3A_18, %dma_start3A_125, %dma_start3A_126] : memref<2x64x128xf32, #tpu.memory_space<vmem>> -> memref<1x64x128xf32, #tpu.memory_space<vmem>>
      %dma_start3A_128 = tpu.memref_squeeze %dma_start3A_127 : memref<1x64x128xf32, #tpu.memory_space<vmem>> -> memref<64x128xf32, #tpu.memory_space<vmem>>
      tpu.enqueue_dma source(%dma_start3A_128 : memref<64x128xf32, #tpu.memory_space<vmem>>) target(%dma_start3A_124 : memref<64x128xf32, #tpu.memory_space<vmem_shared>>) target_semaphore(%run_scoped3A_116 : memref<!tpu.dma_semaphore, #tpu.memory_space<semaphore_mem>>)
      %dma_wait3A = arith.constant 0 : i32
      %dma_wait3A_129 = arith.constant 0 : i32
      %dma_wait3A_130 = tpu.memref_slice %arg8[%run_scoped3A_18, %dma_wait3A, %dma_wait3A_129] : memref<2x64x128xf32, #tpu.memory_space<vmem>> -> memref<1x64x128xf32, #tpu.memory_space<vmem>>
      %dma_wait3A_131 = tpu.memref_squeeze %dma_wait3A_130 : memref<1x64x128xf32, #tpu.memory_space<vmem>> -> memref<64x128xf32, #tpu.memory_space<vmem>>
      %dma_wait3A_132 = arith.constant 0 : i32
      %dma_wait3A_133 = tpu.memref_slice %arg9[%add3A_17, %dma_wait3A_132] : memref<10240x128xf32, #tpu.memory_space<vmem_shared>> -> memref<64x128xf32, #tpu.memory_space<vmem_shared>>
      %dma_wait3A_134 = arith.constant 0 : i32
      %dma_wait3A_135 = tpu.memref_slice %arg9[%add3A_17, %dma_wait3A_134] : memref<10240x128xf32, #tpu.memory_space<vmem_shared>> -> memref<64x128xf32, #tpu.memory_space<vmem_shared>>
      %dma_wait3A_136 = arith.constant 0 : i32
      %dma_wait3A_137 = arith.constant 0 : i32
      %dma_wait3A_138 = tpu.memref_slice %arg8[%run_scoped3A_18, %dma_wait3A_136, %dma_wait3A_137] : memref<2x64x128xf32, #tpu.memory_space<vmem>> -> memref<1x64x128xf32, #tpu.memory_space<vmem>>
      %dma_wait3A_139 = tpu.memref_squeeze %dma_wait3A_138 : memref<1x64x128xf32, #tpu.memory_space<vmem>> -> memref<64x128xf32, #tpu.memory_space<vmem>>
      tpu.wait_dma2 semaphore(%run_scoped3A_116 : memref<!tpu.dma_semaphore, #tpu.memory_space<semaphore_mem>>) src(%dma_wait3A_139 : memref<64x128xf32, #tpu.memory_space<vmem>>) dst(%dma_wait3A_135 : memref<64x128xf32, #tpu.memory_space<vmem_shared>>)
      tpu.yield
    }) : () -> ()
    %mul3A_19 = arith.constant 640 : i32
    %mul3A_20 = arith.muli %arg1, %mul3A_19 : i32
    %add3A_21 = arith.constant 192 : i32
    %add3A_22 = arith.addi %mul3A_20, %add3A_21 : i32
    %run_scoped3A_23 = arith.constant 0 : i32
    "tpu.region"() ({
      %run_scoped3A_116 = tpu.sem_alloc : memref<!tpu.dma_semaphore, #tpu.memory_space<semaphore_mem>>
      %dma_start3A_117 = arith.constant 0 : i32
      %dma_start3A_118 = arith.constant 0 : i32
      %dma_start3A_119 = tpu.memref_slice %arg8[%run_scoped3A_23, %dma_start3A_117, %dma_start3A_118] : memref<2x64x128xf32, #tpu.memory_space<vmem>> -> memref<1x64x128xf32, #tpu.memory_space<vmem>>
      %dma_start3A_120 = tpu.memref_squeeze %dma_start3A_119 : memref<1x64x128xf32, #tpu.memory_space<vmem>> -> memref<64x128xf32, #tpu.memory_space<vmem>>
      %dma_start3A_121 = arith.constant 0 : i32
      %dma_start3A_122 = tpu.memref_slice %arg9[%add3A_22, %dma_start3A_121] : memref<10240x128xf32, #tpu.memory_space<vmem_shared>> -> memref<64x128xf32, #tpu.memory_space<vmem_shared>>
      %dma_start3A_123 = arith.constant 0 : i32
      %dma_start3A_124 = tpu.memref_slice %arg9[%add3A_22, %dma_start3A_123] : memref<10240x128xf32, #tpu.memory_space<vmem_shared>> -> memref<64x128xf32, #tpu.memory_space<vmem_shared>>
      %dma_start3A_125 = arith.constant 0 : i32
      %dma_start3A_126 = arith.constant 0 : i32
      %dma_start3A_127 = tpu.memref_slice %arg8[%run_scoped3A_23, %dma_start3A_125, %dma_start3A_126] : memref<2x64x128xf32, #tpu.memory_space<vmem>> -> memref<1x64x128xf32, #tpu.memory_space<vmem>>
      %dma_start3A_128 = tpu.memref_squeeze %dma_start3A_127 : memref<1x64x128xf32, #tpu.memory_space<vmem>> -> memref<64x128xf32, #tpu.memory_space<vmem>>
      tpu.enqueue_dma source(%dma_start3A_128 : memref<64x128xf32, #tpu.memory_space<vmem>>) target(%dma_start3A_124 : memref<64x128xf32, #tpu.memory_space<vmem_shared>>) target_semaphore(%run_scoped3A_116 : memref<!tpu.dma_semaphore, #tpu.memory_space<semaphore_mem>>)
      %dma_wait3A = arith.constant 0 : i32
      %dma_wait3A_129 = arith.constant 0 : i32
      %dma_wait3A_130 = tpu.memref_slice %arg8[%run_scoped3A_23, %dma_wait3A, %dma_wait3A_129] : memref<2x64x128xf32, #tpu.memory_space<vmem>> -> memref<1x64x128xf32, #tpu.memory_space<vmem>>
      %dma_wait3A_131 = tpu.memref_squeeze %dma_wait3A_130 : memref<1x64x128xf32, #tpu.memory_space<vmem>> -> memref<64x128xf32, #tpu.memory_space<vmem>>
      %dma_wait3A_132 = arith.constant 0 : i32
      %dma_wait3A_133 = tpu.memref_slice %arg9[%add3A_22, %dma_wait3A_132] : memref<10240x128xf32, #tpu.memory_space<vmem_shared>> -> memref<64x128xf32, #tpu.memory_space<vmem_shared>>
      %dma_wait3A_134 = arith.constant 0 : i32
      %dma_wait3A_135 = tpu.memref_slice %arg9[%add3A_22, %dma_wait3A_134] : memref<10240x128xf32, #tpu.memory_space<vmem_shared>> -> memref<64x128xf32, #tpu.memory_space<vmem_shared>>
      %dma_wait3A_136 = arith.constant 0 : i32
      %dma_wait3A_137 = arith.constant 0 : i32
      %dma_wait3A_138 = tpu.memref_slice %arg8[%run_scoped3A_23, %dma_wait3A_136, %dma_wait3A_137] : memref<2x64x128xf32, #tpu.memory_space<vmem>> -> memref<1x64x128xf32, #tpu.memory_space<vmem>>
      %dma_wait3A_139 = tpu.memref_squeeze %dma_wait3A_138 : memref<1x64x128xf32, #tpu.memory_space<vmem>> -> memref<64x128xf32, #tpu.memory_space<vmem>>
      tpu.wait_dma2 semaphore(%run_scoped3A_116 : memref<!tpu.dma_semaphore, #tpu.memory_space<semaphore_mem>>) src(%dma_wait3A_139 : memref<64x128xf32, #tpu.memory_space<vmem>>) dst(%dma_wait3A_135 : memref<64x128xf32, #tpu.memory_space<vmem_shared>>)
      tpu.yield
    }) : () -> ()
    %mul3A_24 = arith.constant 640 : i32
    %mul3A_25 = arith.muli %arg1, %mul3A_24 : i32
    %add3A_26 = arith.constant 256 : i32
    %add3A_27 = arith.addi %mul3A_25, %add3A_26 : i32
    %run_scoped3A_28 = arith.constant 0 : i32
    "tpu.region"() ({
      %run_scoped3A_116 = tpu.sem_alloc : memref<!tpu.dma_semaphore, #tpu.memory_space<semaphore_mem>>
      %dma_start3A_117 = arith.constant 0 : i32
      %dma_start3A_118 = arith.constant 0 : i32
      %dma_start3A_119 = tpu.memref_slice %arg8[%run_scoped3A_28, %dma_start3A_117, %dma_start3A_118] : memref<2x64x128xf32, #tpu.memory_space<vmem>> -> memref<1x64x128xf32, #tpu.memory_space<vmem>>
      %dma_start3A_120 = tpu.memref_squeeze %dma_start3A_119 : memref<1x64x128xf32, #tpu.memory_space<vmem>> -> memref<64x128xf32, #tpu.memory_space<vmem>>
      %dma_start3A_121 = arith.constant 0 : i32
      %dma_start3A_122 = tpu.memref_slice %arg9[%add3A_27, %dma_start3A_121] : memref<10240x128xf32, #tpu.memory_space<vmem_shared>> -> memref<64x128xf32, #tpu.memory_space<vmem_shared>>
      %dma_start3A_123 = arith.constant 0 : i32
      %dma_start3A_124 = tpu.memref_slice %arg9[%add3A_27, %dma_start3A_123] : memref<10240x128xf32, #tpu.memory_space<vmem_shared>> -> memref<64x128xf32, #tpu.memory_space<vmem_shared>>
      %dma_start3A_125 = arith.constant 0 : i32
      %dma_start3A_126 = arith.constant 0 : i32
      %dma_start3A_127 = tpu.memref_slice %arg8[%run_scoped3A_28, %dma_start3A_125, %dma_start3A_126] : memref<2x64x128xf32, #tpu.memory_space<vmem>> -> memref<1x64x128xf32, #tpu.memory_space<vmem>>
      %dma_start3A_128 = tpu.memref_squeeze %dma_start3A_127 : memref<1x64x128xf32, #tpu.memory_space<vmem>> -> memref<64x128xf32, #tpu.memory_space<vmem>>
      tpu.enqueue_dma source(%dma_start3A_128 : memref<64x128xf32, #tpu.memory_space<vmem>>) target(%dma_start3A_124 : memref<64x128xf32, #tpu.memory_space<vmem_shared>>) target_semaphore(%run_scoped3A_116 : memref<!tpu.dma_semaphore, #tpu.memory_space<semaphore_mem>>)
      %dma_wait3A = arith.constant 0 : i32
      %dma_wait3A_129 = arith.constant 0 : i32
      %dma_wait3A_130 = tpu.memref_slice %arg8[%run_scoped3A_28, %dma_wait3A, %dma_wait3A_129] : memref<2x64x128xf32, #tpu.memory_space<vmem>> -> memref<1x64x128xf32, #tpu.memory_space<vmem>>
      %dma_wait3A_131 = tpu.memref_squeeze %dma_wait3A_130 : memref<1x64x128xf32, #tpu.memory_space<vmem>> -> memref<64x128xf32, #tpu.memory_space<vmem>>
      %dma_wait3A_132 = arith.constant 0 : i32
      %dma_wait3A_133 = tpu.memref_slice %arg9[%add3A_27, %dma_wait3A_132] : memref<10240x128xf32, #tpu.memory_space<vmem_shared>> -> memref<64x128xf32, #tpu.memory_space<vmem_shared>>
      %dma_wait3A_134 = arith.constant 0 : i32
      %dma_wait3A_135 = tpu.memref_slice %arg9[%add3A_27, %dma_wait3A_134] : memref<10240x128xf32, #tpu.memory_space<vmem_shared>> -> memref<64x128xf32, #tpu.memory_space<vmem_shared>>
      %dma_wait3A_136 = arith.constant 0 : i32
      %dma_wait3A_137 = arith.constant 0 : i32
      %dma_wait3A_138 = tpu.memref_slice %arg8[%run_scoped3A_28, %dma_wait3A_136, %dma_wait3A_137] : memref<2x64x128xf32, #tpu.memory_space<vmem>> -> memref<1x64x128xf32, #tpu.memory_space<vmem>>
      %dma_wait3A_139 = tpu.memref_squeeze %dma_wait3A_138 : memref<1x64x128xf32, #tpu.memory_space<vmem>> -> memref<64x128xf32, #tpu.memory_space<vmem>>
      tpu.wait_dma2 semaphore(%run_scoped3A_116 : memref<!tpu.dma_semaphore, #tpu.memory_space<semaphore_mem>>) src(%dma_wait3A_139 : memref<64x128xf32, #tpu.memory_space<vmem>>) dst(%dma_wait3A_135 : memref<64x128xf32, #tpu.memory_space<vmem_shared>>)
      tpu.yield
    }) : () -> ()
    %mul3A_29 = arith.constant 640 : i32
    %mul3A_30 = arith.muli %arg1, %mul3A_29 : i32
    %add3A_31 = arith.constant 320 : i32
    %add3A_32 = arith.addi %mul3A_30, %add3A_31 : i32
    %run_scoped3A_33 = arith.constant 0 : i32
    "tpu.region"() ({
      %run_scoped3A_116 = tpu.sem_alloc : memref<!tpu.dma_semaphore, #tpu.memory_space<semaphore_mem>>
      %dma_start3A_117 = arith.constant 0 : i32
      %dma_start3A_118 = arith.constant 0 : i32
      %dma_start3A_119 = tpu.memref_slice %arg8[%run_scoped3A_33, %dma_start3A_117, %dma_start3A_118] : memref<2x64x128xf32, #tpu.memory_space<vmem>> -> memref<1x64x128xf32, #tpu.memory_space<vmem>>
      %dma_start3A_120 = tpu.memref_squeeze %dma_start3A_119 : memref<1x64x128xf32, #tpu.memory_space<vmem>> -> memref<64x128xf32, #tpu.memory_space<vmem>>
      %dma_start3A_121 = arith.constant 0 : i32
      %dma_start3A_122 = tpu.memref_slice %arg9[%add3A_32, %dma_start3A_121] : memref<10240x128xf32, #tpu.memory_space<vmem_shared>> -> memref<64x128xf32, #tpu.memory_space<vmem_shared>>
      %dma_start3A_123 = arith.constant 0 : i32
      %dma_start3A_124 = tpu.memref_slice %arg9[%add3A_32, %dma_start3A_123] : memref<10240x128xf32, #tpu.memory_space<vmem_shared>> -> memref<64x128xf32, #tpu.memory_space<vmem_shared>>
      %dma_start3A_125 = arith.constant 0 : i32
      %dma_start3A_126 = arith.constant 0 : i32
      %dma_start3A_127 = tpu.memref_slice %arg8[%run_scoped3A_33, %dma_start3A_125, %dma_start3A_126] : memref<2x64x128xf32, #tpu.memory_space<vmem>> -> memref<1x64x128xf32, #tpu.memory_space<vmem>>
      %dma_start3A_128 = tpu.memref_squeeze %dma_start3A_127 : memref<1x64x128xf32, #tpu.memory_space<vmem>> -> memref<64x128xf32, #tpu.memory_space<vmem>>
      tpu.enqueue_dma source(%dma_start3A_128 : memref<64x128xf32, #tpu.memory_space<vmem>>) target(%dma_start3A_124 : memref<64x128xf32, #tpu.memory_space<vmem_shared>>) target_semaphore(%run_scoped3A_116 : memref<!tpu.dma_semaphore, #tpu.memory_space<semaphore_mem>>)
      %dma_wait3A = arith.constant 0 : i32
      %dma_wait3A_129 = arith.constant 0 : i32
      %dma_wait3A_130 = tpu.memref_slice %arg8[%run_scoped3A_33, %dma_wait3A, %dma_wait3A_129] : memref<2x64x128xf32, #tpu.memory_space<vmem>> -> memref<1x64x128xf32, #tpu.memory_space<vmem>>
      %dma_wait3A_131 = tpu.memref_squeeze %dma_wait3A_130 : memref<1x64x128xf32, #tpu.memory_space<vmem>> -> memref<64x128xf32, #tpu.memory_space<vmem>>
      %dma_wait3A_132 = arith.constant 0 : i32
      %dma_wait3A_133 = tpu.memref_slice %arg9[%add3A_32, %dma_wait3A_132] : memref<10240x128xf32, #tpu.memory_space<vmem_shared>> -> memref<64x128xf32, #tpu.memory_space<vmem_shared>>
      %dma_wait3A_134 = arith.constant 0 : i32
      %dma_wait3A_135 = tpu.memref_slice %arg9[%add3A_32, %dma_wait3A_134] : memref<10240x128xf32, #tpu.memory_space<vmem_shared>> -> memref<64x128xf32, #tpu.memory_space<vmem_shared>>
      %dma_wait3A_136 = arith.constant 0 : i32
      %dma_wait3A_137 = arith.constant 0 : i32
      %dma_wait3A_138 = tpu.memref_slice %arg8[%run_scoped3A_33, %dma_wait3A_136, %dma_wait3A_137] : memref<2x64x128xf32, #tpu.memory_space<vmem>> -> memref<1x64x128xf32, #tpu.memory_space<vmem>>
      %dma_wait3A_139 = tpu.memref_squeeze %dma_wait3A_138 : memref<1x64x128xf32, #tpu.memory_space<vmem>> -> memref<64x128xf32, #tpu.memory_space<vmem>>
      tpu.wait_dma2 semaphore(%run_scoped3A_116 : memref<!tpu.dma_semaphore, #tpu.memory_space<semaphore_mem>>) src(%dma_wait3A_139 : memref<64x128xf32, #tpu.memory_space<vmem>>) dst(%dma_wait3A_135 : memref<64x128xf32, #tpu.memory_space<vmem_shared>>)
      tpu.yield
    }) : () -> ()
    %mul3A_34 = arith.constant 640 : i32
    %mul3A_35 = arith.muli %arg1, %mul3A_34 : i32
    %add3A_36 = arith.constant 384 : i32
    %add3A_37 = arith.addi %mul3A_35, %add3A_36 : i32
    %run_scoped3A_38 = arith.constant 0 : i32
    "tpu.region"() ({
      %run_scoped3A_116 = tpu.sem_alloc : memref<!tpu.dma_semaphore, #tpu.memory_space<semaphore_mem>>
      %dma_start3A_117 = arith.constant 0 : i32
      %dma_start3A_118 = arith.constant 0 : i32
      %dma_start3A_119 = tpu.memref_slice %arg8[%run_scoped3A_38, %dma_start3A_117, %dma_start3A_118] : memref<2x64x128xf32, #tpu.memory_space<vmem>> -> memref<1x64x128xf32, #tpu.memory_space<vmem>>
      %dma_start3A_120 = tpu.memref_squeeze %dma_start3A_119 : memref<1x64x128xf32, #tpu.memory_space<vmem>> -> memref<64x128xf32, #tpu.memory_space<vmem>>
      %dma_start3A_121 = arith.constant 0 : i32
      %dma_start3A_122 = tpu.memref_slice %arg9[%add3A_37, %dma_start3A_121] : memref<10240x128xf32, #tpu.memory_space<vmem_shared>> -> memref<64x128xf32, #tpu.memory_space<vmem_shared>>
      %dma_start3A_123 = arith.constant 0 : i32
      %dma_start3A_124 = tpu.memref_slice %arg9[%add3A_37, %dma_start3A_123] : memref<10240x128xf32, #tpu.memory_space<vmem_shared>> -> memref<64x128xf32, #tpu.memory_space<vmem_shared>>
      %dma_start3A_125 = arith.constant 0 : i32
      %dma_start3A_126 = arith.constant 0 : i32
      %dma_start3A_127 = tpu.memref_slice %arg8[%run_scoped3A_38, %dma_start3A_125, %dma_start3A_126] : memref<2x64x128xf32, #tpu.memory_space<vmem>> -> memref<1x64x128xf32, #tpu.memory_space<vmem>>
      %dma_start3A_128 = tpu.memref_squeeze %dma_start3A_127 : memref<1x64x128xf32, #tpu.memory_space<vmem>> -> memref<64x128xf32, #tpu.memory_space<vmem>>
      tpu.enqueue_dma source(%dma_start3A_128 : memref<64x128xf32, #tpu.memory_space<vmem>>) target(%dma_start3A_124 : memref<64x128xf32, #tpu.memory_space<vmem_shared>>) target_semaphore(%run_scoped3A_116 : memref<!tpu.dma_semaphore, #tpu.memory_space<semaphore_mem>>)
      %dma_wait3A = arith.constant 0 : i32
      %dma_wait3A_129 = arith.constant 0 : i32
      %dma_wait3A_130 = tpu.memref_slice %arg8[%run_scoped3A_38, %dma_wait3A, %dma_wait3A_129] : memref<2x64x128xf32, #tpu.memory_space<vmem>> -> memref<1x64x128xf32, #tpu.memory_space<vmem>>
      %dma_wait3A_131 = tpu.memref_squeeze %dma_wait3A_130 : memref<1x64x128xf32, #tpu.memory_space<vmem>> -> memref<64x128xf32, #tpu.memory_space<vmem>>
      %dma_wait3A_132 = arith.constant 0 : i32
      %dma_wait3A_133 = tpu.memref_slice %arg9[%add3A_37, %dma_wait3A_132] : memref<10240x128xf32, #tpu.memory_space<vmem_shared>> -> memref<64x128xf32, #tpu.memory_space<vmem_shared>>
      %dma_wait3A_134 = arith.constant 0 : i32
      %dma_wait3A_135 = tpu.memref_slice %arg9[%add3A_37, %dma_wait3A_134] : memref<10240x128xf32, #tpu.memory_space<vmem_shared>> -> memref<64x128xf32, #tpu.memory_space<vmem_shared>>
      %dma_wait3A_136 = arith.constant 0 : i32
      %dma_wait3A_137 = arith.constant 0 : i32
      %dma_wait3A_138 = tpu.memref_slice %arg8[%run_scoped3A_38, %dma_wait3A_136, %dma_wait3A_137] : memref<2x64x128xf32, #tpu.memory_space<vmem>> -> memref<1x64x128xf32, #tpu.memory_space<vmem>>
      %dma_wait3A_139 = tpu.memref_squeeze %dma_wait3A_138 : memref<1x64x128xf32, #tpu.memory_space<vmem>> -> memref<64x128xf32, #tpu.memory_space<vmem>>
      tpu.wait_dma2 semaphore(%run_scoped3A_116 : memref<!tpu.dma_semaphore, #tpu.memory_space<semaphore_mem>>) src(%dma_wait3A_139 : memref<64x128xf32, #tpu.memory_space<vmem>>) dst(%dma_wait3A_135 : memref<64x128xf32, #tpu.memory_space<vmem_shared>>)
      tpu.yield
    }) : () -> ()
    %mul3A_39 = arith.constant 640 : i32
    %mul3A_40 = arith.muli %arg1, %mul3A_39 : i32
    %add3A_41 = arith.constant 448 : i32
    %add3A_42 = arith.addi %mul3A_40, %add3A_41 : i32
    %run_scoped3A_43 = arith.constant 0 : i32
    "tpu.region"() ({
      %run_scoped3A_116 = tpu.sem_alloc : memref<!tpu.dma_semaphore, #tpu.memory_space<semaphore_mem>>
      %dma_start3A_117 = arith.constant 0 : i32
      %dma_start3A_118 = arith.constant 0 : i32
      %dma_start3A_119 = tpu.memref_slice %arg8[%run_scoped3A_43, %dma_start3A_117, %dma_start3A_118] : memref<2x64x128xf32, #tpu.memory_space<vmem>> -> memref<1x64x128xf32, #tpu.memory_space<vmem>>
      %dma_start3A_120 = tpu.memref_squeeze %dma_start3A_119 : memref<1x64x128xf32, #tpu.memory_space<vmem>> -> memref<64x128xf32, #tpu.memory_space<vmem>>
      %dma_start3A_121 = arith.constant 0 : i32
      %dma_start3A_122 = tpu.memref_slice %arg9[%add3A_42, %dma_start3A_121] : memref<10240x128xf32, #tpu.memory_space<vmem_shared>> -> memref<64x128xf32, #tpu.memory_space<vmem_shared>>
      %dma_start3A_123 = arith.constant 0 : i32
      %dma_start3A_124 = tpu.memref_slice %arg9[%add3A_42, %dma_start3A_123] : memref<10240x128xf32, #tpu.memory_space<vmem_shared>> -> memref<64x128xf32, #tpu.memory_space<vmem_shared>>
      %dma_start3A_125 = arith.constant 0 : i32
      %dma_start3A_126 = arith.constant 0 : i32
      %dma_start3A_127 = tpu.memref_slice %arg8[%run_scoped3A_43, %dma_start3A_125, %dma_start3A_126] : memref<2x64x128xf32, #tpu.memory_space<vmem>> -> memref<1x64x128xf32, #tpu.memory_space<vmem>>
      %dma_start3A_128 = tpu.memref_squeeze %dma_start3A_127 : memref<1x64x128xf32, #tpu.memory_space<vmem>> -> memref<64x128xf32, #tpu.memory_space<vmem>>
      tpu.enqueue_dma source(%dma_start3A_128 : memref<64x128xf32, #tpu.memory_space<vmem>>) target(%dma_start3A_124 : memref<64x128xf32, #tpu.memory_space<vmem_shared>>) target_semaphore(%run_scoped3A_116 : memref<!tpu.dma_semaphore, #tpu.memory_space<semaphore_mem>>)
      %dma_wait3A = arith.constant 0 : i32
      %dma_wait3A_129 = arith.constant 0 : i32
      %dma_wait3A_130 = tpu.memref_slice %arg8[%run_scoped3A_43, %dma_wait3A, %dma_wait3A_129] : memref<2x64x128xf32, #tpu.memory_space<vmem>> -> memref<1x64x128xf32, #tpu.memory_space<vmem>>
      %dma_wait3A_131 = tpu.memref_squeeze %dma_wait3A_130 : memref<1x64x128xf32, #tpu.memory_space<vmem>> -> memref<64x128xf32, #tpu.memory_space<vmem>>
      %dma_wait3A_132 = arith.constant 0 : i32
      %dma_wait3A_133 = tpu.memref_slice %arg9[%add3A_42, %dma_wait3A_132] : memref<10240x128xf32, #tpu.memory_space<vmem_shared>> -> memref<64x128xf32, #tpu.memory_space<vmem_shared>>
      %dma_wait3A_134 = arith.constant 0 : i32
      %dma_wait3A_135 = tpu.memref_slice %arg9[%add3A_42, %dma_wait3A_134] : memref<10240x128xf32, #tpu.memory_space<vmem_shared>> -> memref<64x128xf32, #tpu.memory_space<vmem_shared>>
      %dma_wait3A_136 = arith.constant 0 : i32
      %dma_wait3A_137 = arith.constant 0 : i32
      %dma_wait3A_138 = tpu.memref_slice %arg8[%run_scoped3A_43, %dma_wait3A_136, %dma_wait3A_137] : memref<2x64x128xf32, #tpu.memory_space<vmem>> -> memref<1x64x128xf32, #tpu.memory_space<vmem>>
      %dma_wait3A_139 = tpu.memref_squeeze %dma_wait3A_138 : memref<1x64x128xf32, #tpu.memory_space<vmem>> -> memref<64x128xf32, #tpu.memory_space<vmem>>
      tpu.wait_dma2 semaphore(%run_scoped3A_116 : memref<!tpu.dma_semaphore, #tpu.memory_space<semaphore_mem>>) src(%dma_wait3A_139 : memref<64x128xf32, #tpu.memory_space<vmem>>) dst(%dma_wait3A_135 : memref<64x128xf32, #tpu.memory_space<vmem_shared>>)
      tpu.yield
    }) : () -> ()
    %mul3A_44 = arith.constant 640 : i32
    %mul3A_45 = arith.muli %arg1, %mul3A_44 : i32
    %add3A_46 = arith.constant 512 : i32
    %add3A_47 = arith.addi %mul3A_45, %add3A_46 : i32
    %run_scoped3A_48 = arith.constant 0 : i32
    "tpu.region"() ({
      %run_scoped3A_116 = tpu.sem_alloc : memref<!tpu.dma_semaphore, #tpu.memory_space<semaphore_mem>>
      %dma_start3A_117 = arith.constant 0 : i32
      %dma_start3A_118 = arith.constant 0 : i32
      %dma_start3A_119 = tpu.memref_slice %arg8[%run_scoped3A_48, %dma_start3A_117, %dma_start3A_118] : memref<2x64x128xf32, #tpu.memory_space<vmem>> -> memref<1x64x128xf32, #tpu.memory_space<vmem>>
      %dma_start3A_120 = tpu.memref_squeeze %dma_start3A_119 : memref<1x64x128xf32, #tpu.memory_space<vmem>> -> memref<64x128xf32, #tpu.memory_space<vmem>>
      %dma_start3A_121 = arith.constant 0 : i32
      %dma_start3A_122 = tpu.memref_slice %arg9[%add3A_47, %dma_start3A_121] : memref<10240x128xf32, #tpu.memory_space<vmem_shared>> -> memref<64x128xf32, #tpu.memory_space<vmem_shared>>
      %dma_start3A_123 = arith.constant 0 : i32
      %dma_start3A_124 = tpu.memref_slice %arg9[%add3A_47, %dma_start3A_123] : memref<10240x128xf32, #tpu.memory_space<vmem_shared>> -> memref<64x128xf32, #tpu.memory_space<vmem_shared>>
      %dma_start3A_125 = arith.constant 0 : i32
      %dma_start3A_126 = arith.constant 0 : i32
      %dma_start3A_127 = tpu.memref_slice %arg8[%run_scoped3A_48, %dma_start3A_125, %dma_start3A_126] : memref<2x64x128xf32, #tpu.memory_space<vmem>> -> memref<1x64x128xf32, #tpu.memory_space<vmem>>
      %dma_start3A_128 = tpu.memref_squeeze %dma_start3A_127 : memref<1x64x128xf32, #tpu.memory_space<vmem>> -> memref<64x128xf32, #tpu.memory_space<vmem>>
      tpu.enqueue_dma source(%dma_start3A_128 : memref<64x128xf32, #tpu.memory_space<vmem>>) target(%dma_start3A_124 : memref<64x128xf32, #tpu.memory_space<vmem_shared>>) target_semaphore(%run_scoped3A_116 : memref<!tpu.dma_semaphore, #tpu.memory_space<semaphore_mem>>)
      %dma_wait3A = arith.constant 0 : i32
      %dma_wait3A_129 = arith.constant 0 : i32
      %dma_wait3A_130 = tpu.memref_slice %arg8[%run_scoped3A_48, %dma_wait3A, %dma_wait3A_129] : memref<2x64x128xf32, #tpu.memory_space<vmem>> -> memref<1x64x128xf32, #tpu.memory_space<vmem>>
      %dma_wait3A_131 = tpu.memref_squeeze %dma_wait3A_130 : memref<1x64x128xf32, #tpu.memory_space<vmem>> -> memref<64x128xf32, #tpu.memory_space<vmem>>
      %dma_wait3A_132 = arith.constant 0 : i32
      %dma_wait3A_133 = tpu.memref_slice %arg9[%add3A_47, %dma_wait3A_132] : memref<10240x128xf32, #tpu.memory_space<vmem_shared>> -> memref<64x128xf32, #tpu.memory_space<vmem_shared>>
      %dma_wait3A_134 = arith.constant 0 : i32
      %dma_wait3A_135 = tpu.memref_slice %arg9[%add3A_47, %dma_wait3A_134] : memref<10240x128xf32, #tpu.memory_space<vmem_shared>> -> memref<64x128xf32, #tpu.memory_space<vmem_shared>>
      %dma_wait3A_136 = arith.constant 0 : i32
      %dma_wait3A_137 = arith.constant 0 : i32
      %dma_wait3A_138 = tpu.memref_slice %arg8[%run_scoped3A_48, %dma_wait3A_136, %dma_wait3A_137] : memref<2x64x128xf32, #tpu.memory_space<vmem>> -> memref<1x64x128xf32, #tpu.memory_space<vmem>>
      %dma_wait3A_139 = tpu.memref_squeeze %dma_wait3A_138 : memref<1x64x128xf32, #tpu.memory_space<vmem>> -> memref<64x128xf32, #tpu.memory_space<vmem>>
      tpu.wait_dma2 semaphore(%run_scoped3A_116 : memref<!tpu.dma_semaphore, #tpu.memory_space<semaphore_mem>>) src(%dma_wait3A_139 : memref<64x128xf32, #tpu.memory_space<vmem>>) dst(%dma_wait3A_135 : memref<64x128xf32, #tpu.memory_space<vmem_shared>>)
      tpu.yield
    }) : () -> ()
    %mul3A_49 = arith.constant 640 : i32
    %mul3A_50 = arith.muli %arg1, %mul3A_49 : i32
    %add3A_51 = arith.constant 576 : i32
    %add3A_52 = arith.addi %mul3A_50, %add3A_51 : i32
    %run_scoped3A_53 = arith.constant 0 : i32
    "tpu.region"() ({
      %run_scoped3A_116 = tpu.sem_alloc : memref<!tpu.dma_semaphore, #tpu.memory_space<semaphore_mem>>
      %dma_start3A_117 = arith.constant 0 : i32
      %dma_start3A_118 = arith.constant 0 : i32
      %dma_start3A_119 = tpu.memref_slice %arg8[%run_scoped3A_53, %dma_start3A_117, %dma_start3A_118] : memref<2x64x128xf32, #tpu.memory_space<vmem>> -> memref<1x64x128xf32, #tpu.memory_space<vmem>>
      %dma_start3A_120 = tpu.memref_squeeze %dma_start3A_119 : memref<1x64x128xf32, #tpu.memory_space<vmem>> -> memref<64x128xf32, #tpu.memory_space<vmem>>
      %dma_start3A_121 = arith.constant 0 : i32
      %dma_start3A_122 = tpu.memref_slice %arg9[%add3A_52, %dma_start3A_121] : memref<10240x128xf32, #tpu.memory_space<vmem_shared>> -> memref<64x128xf32, #tpu.memory_space<vmem_shared>>
      %dma_start3A_123 = arith.constant 0 : i32
      %dma_start3A_124 = tpu.memref_slice %arg9[%add3A_52, %dma_start3A_123] : memref<10240x128xf32, #tpu.memory_space<vmem_shared>> -> memref<64x128xf32, #tpu.memory_space<vmem_shared>>
      %dma_start3A_125 = arith.constant 0 : i32
      %dma_start3A_126 = arith.constant 0 : i32
      %dma_start3A_127 = tpu.memref_slice %arg8[%run_scoped3A_53, %dma_start3A_125, %dma_start3A_126] : memref<2x64x128xf32, #tpu.memory_space<vmem>> -> memref<1x64x128xf32, #tpu.memory_space<vmem>>
      %dma_start3A_128 = tpu.memref_squeeze %dma_start3A_127 : memref<1x64x128xf32, #tpu.memory_space<vmem>> -> memref<64x128xf32, #tpu.memory_space<vmem>>
      tpu.enqueue_dma source(%dma_start3A_128 : memref<64x128xf32, #tpu.memory_space<vmem>>) target(%dma_start3A_124 : memref<64x128xf32, #tpu.memory_space<vmem_shared>>) target_semaphore(%run_scoped3A_116 : memref<!tpu.dma_semaphore, #tpu.memory_space<semaphore_mem>>)
      %dma_wait3A = arith.constant 0 : i32
      %dma_wait3A_129 = arith.constant 0 : i32
      %dma_wait3A_130 = tpu.memref_slice %arg8[%run_scoped3A_53, %dma_wait3A, %dma_wait3A_129] : memref<2x64x128xf32, #tpu.memory_space<vmem>> -> memref<1x64x128xf32, #tpu.memory_space<vmem>>
      %dma_wait3A_131 = tpu.memref_squeeze %dma_wait3A_130 : memref<1x64x128xf32, #tpu.memory_space<vmem>> -> memref<64x128xf32, #tpu.memory_space<vmem>>
      %dma_wait3A_132 = arith.constant 0 : i32
      %dma_wait3A_133 = tpu.memref_slice %arg9[%add3A_52, %dma_wait3A_132] : memref<10240x128xf32, #tpu.memory_space<vmem_shared>> -> memref<64x128xf32, #tpu.memory_space<vmem_shared>>
      %dma_wait3A_134 = arith.constant 0 : i32
      %dma_wait3A_135 = tpu.memref_slice %arg9[%add3A_52, %dma_wait3A_134] : memref<10240x128xf32, #tpu.memory_space<vmem_shared>> -> memref<64x128xf32, #tpu.memory_space<vmem_shared>>
      %dma_wait3A_136 = arith.constant 0 : i32
      %dma_wait3A_137 = arith.constant 0 : i32
      %dma_wait3A_138 = tpu.memref_slice %arg8[%run_scoped3A_53, %dma_wait3A_136, %dma_wait3A_137] : memref<2x64x128xf32, #tpu.memory_space<vmem>> -> memref<1x64x128xf32, #tpu.memory_space<vmem>>
      %dma_wait3A_139 = tpu.memref_squeeze %dma_wait3A_138 : memref<1x64x128xf32, #tpu.memory_space<vmem>> -> memref<64x128xf32, #tpu.memory_space<vmem>>
      tpu.wait_dma2 semaphore(%run_scoped3A_116 : memref<!tpu.dma_semaphore, #tpu.memory_space<semaphore_mem>>) src(%dma_wait3A_139 : memref<64x128xf32, #tpu.memory_space<vmem>>) dst(%dma_wait3A_135 : memref<64x128xf32, #tpu.memory_space<vmem_shared>>)
      tpu.yield
    }) : () -> ()
    %barrier3A = arith.constant 0 : index
    tpu.barrier barrier_id(%barrier3A)
    "tpu.region"() ({
      %run_scoped3A_116 = tpu.sem_alloc : memref<!tpu.dma_semaphore, #tpu.memory_space<semaphore_mem>>
      %dma_start3A_117 = arith.constant 0 : i32
      %dma_start3A_118 = arith.constant 0 : i32
      %dma_start3A_119 = tpu.memref_slice %arg3[%add3A, %dma_start3A_117, %dma_start3A_118] : memref<32x160x64xi32, #tpu.memory_space<hbm>> -> memref<1x80x64xi32, #tpu.memory_space<hbm>>
      %dma_start3A_120 = tpu.memref_squeeze %dma_start3A_119 : memref<1x80x64xi32, #tpu.memory_space<hbm>> -> memref<80x64xi32, #tpu.memory_space<hbm>>
      %dma_start3A_121 = arith.constant 0 : i32
      %dma_start3A_122 = arith.constant 0 : i32
      %dma_start3A_123 = tpu.memref_slice %arg3[%add3A, %dma_start3A_121, %dma_start3A_122] : memref<32x160x64xi32, #tpu.memory_space<hbm>> -> memref<1x80x64xi32, #tpu.memory_space<hbm>>
      %dma_start3A_124 = tpu.memref_squeeze %dma_start3A_123 : memref<1x80x64xi32, #tpu.memory_space<hbm>> -> memref<80x64xi32, #tpu.memory_space<hbm>>
      tpu.enqueue_dma source(%dma_start3A_124 : memref<80x64xi32, #tpu.memory_space<hbm>>) target(%arg6 : memref<80x64xi32, #tpu.memory_space<vmem>>) target_semaphore(%run_scoped3A_116 : memref<!tpu.dma_semaphore, #tpu.memory_space<semaphore_mem>>)
      %dma_wait3A = arith.constant 0 : i32
      %dma_wait3A_125 = arith.constant 0 : i32
      %dma_wait3A_126 = tpu.memref_slice %arg3[%add3A, %dma_wait3A, %dma_wait3A_125] : memref<32x160x64xi32, #tpu.memory_space<hbm>> -> memref<1x80x64xi32, #tpu.memory_space<hbm>>
      %dma_wait3A_127 = tpu.memref_squeeze %dma_wait3A_126 : memref<1x80x64xi32, #tpu.memory_space<hbm>> -> memref<80x64xi32, #tpu.memory_space<hbm>>
      %dma_wait3A_128 = arith.constant 0 : i32
      %dma_wait3A_129 = arith.constant 0 : i32
      %dma_wait3A_130 = tpu.memref_slice %arg3[%add3A, %dma_wait3A_128, %dma_wait3A_129] : memref<32x160x64xi32, #tpu.memory_space<hbm>> -> memref<1x80x64xi32, #tpu.memory_space<hbm>>
      %dma_wait3A_131 = tpu.memref_squeeze %dma_wait3A_130 : memref<1x80x64xi32, #tpu.memory_space<hbm>> -> memref<80x64xi32, #tpu.memory_space<hbm>>
      tpu.wait_dma2 semaphore(%run_scoped3A_116 : memref<!tpu.dma_semaphore, #tpu.memory_space<semaphore_mem>>) src(%dma_wait3A_131 : memref<80x64xi32, #tpu.memory_space<hbm>>) dst(%arg6 : memref<80x64xi32, #tpu.memory_space<vmem>>)
      tpu.yield
    }) : () -> ()
    "tpu.region"() ({
      %run_scoped3A_116 = tpu.sem_alloc : memref<!tpu.dma_semaphore, #tpu.memory_space<semaphore_mem>>
      %dma_start3A_117 = arith.constant 0 : i32
      %dma_start3A_118 = arith.constant 0 : i32
      %dma_start3A_119 = tpu.memref_slice %arg4[%add3A, %dma_start3A_117, %dma_start3A_118] : memref<32x160x64xi32, #tpu.memory_space<hbm>> -> memref<1x80x64xi32, #tpu.memory_space<hbm>>
      %dma_start3A_120 = tpu.memref_squeeze %dma_start3A_119 : memref<1x80x64xi32, #tpu.memory_space<hbm>> -> memref<80x64xi32, #tpu.memory_space<hbm>>
      %dma_start3A_121 = arith.constant 0 : i32
      %dma_start3A_122 = arith.constant 0 : i32
      %dma_start3A_123 = tpu.memref_slice %arg4[%add3A, %dma_start3A_121, %dma_start3A_122] : memref<32x160x64xi32, #tpu.memory_space<hbm>> -> memref<1x80x64xi32, #tpu.memory_space<hbm>>
      %dma_start3A_124 = tpu.memref_squeeze %dma_start3A_123 : memref<1x80x64xi32, #tpu.memory_space<hbm>> -> memref<80x64xi32, #tpu.memory_space<hbm>>
      tpu.enqueue_dma source(%dma_start3A_124 : memref<80x64xi32, #tpu.memory_space<hbm>>) target(%arg7 : memref<80x64xi32, #tpu.memory_space<vmem>>) target_semaphore(%run_scoped3A_116 : memref<!tpu.dma_semaphore, #tpu.memory_space<semaphore_mem>>)
      %dma_wait3A = arith.constant 0 : i32
      %dma_wait3A_125 = arith.constant 0 : i32
      %dma_wait3A_126 = tpu.memref_slice %arg4[%add3A, %dma_wait3A, %dma_wait3A_125] : memref<32x160x64xi32, #tpu.memory_space<hbm>> -> memref<1x80x64xi32, #tpu.memory_space<hbm>>
      %dma_wait3A_127 = tpu.memref_squeeze %dma_wait3A_126 : memref<1x80x64xi32, #tpu.memory_space<hbm>> -> memref<80x64xi32, #tpu.memory_space<hbm>>
      %dma_wait3A_128 = arith.constant 0 : i32
      %dma_wait3A_129 = arith.constant 0 : i32
      %dma_wait3A_130 = tpu.memref_slice %arg4[%add3A, %dma_wait3A_128, %dma_wait3A_129] : memref<32x160x64xi32, #tpu.memory_space<hbm>> -> memref<1x80x64xi32, #tpu.memory_space<hbm>>
      %dma_wait3A_131 = tpu.memref_squeeze %dma_wait3A_130 : memref<1x80x64xi32, #tpu.memory_space<hbm>> -> memref<80x64xi32, #tpu.memory_space<hbm>>
      tpu.wait_dma2 semaphore(%run_scoped3A_116 : memref<!tpu.dma_semaphore, #tpu.memory_space<semaphore_mem>>) src(%dma_wait3A_131 : memref<80x64xi32, #tpu.memory_space<hbm>>) dst(%arg7 : memref<80x64xi32, #tpu.memory_space<vmem>>)
      tpu.yield
    }) : () -> ()
    %dma_start3A = arith.constant 0 : i32
    %dma_start3A_54 = arith.constant 0 : i32
    %dma_start3A_55 = arith.constant 0 : i32
    %dma_start3A_56 = arith.constant 0 : i32
    %dma_start3A_57 = tpu.memref_slice %arg8[%dma_start3A_54, %dma_start3A_55, %dma_start3A_56] : memref<2x64x128xf32, #tpu.memory_space<vmem>> -> memref<1x64x128xf32, #tpu.memory_space<vmem>>
    %dma_start3A_58 = tpu.memref_squeeze %dma_start3A_57 : memref<1x64x128xf32, #tpu.memory_space<vmem>> -> memref<64x128xf32, #tpu.memory_space<vmem>>
    %dma_start3A_59 = arith.constant 0 : i32
    %dma_start3A_60 = tpu.memref_slice %arg6[%dma_start3A, %dma_start3A_59] : memref<80x64xi32, #tpu.memory_space<vmem>> -> memref<1x64xi32, #tpu.memory_space<vmem>>
    %dma_start3A_61 = tpu.memref_squeeze %dma_start3A_60 : memref<1x64xi32, #tpu.memory_space<vmem>> -> memref<64xi32, #tpu.memory_space<vmem>>
    %dma_start3A_62 = arith.constant 0 : i32
    %dma_start3A_63 = arith.constant 0 : i32
    %dma_start3A_64 = tpu.memref_slice %arg2[%dma_start3A_62, %dma_start3A_63] : memref<10240x128xf32, #tpu.memory_space<hbm>> -> memref<10240x128xf32, #tpu.memory_space<hbm>>
    tpu.enqueue_indirect_dma source(%dma_start3A_64 : memref<10240x128xf32, #tpu.memory_space<hbm>>) target(%dma_start3A_58 : memref<64x128xf32, #tpu.memory_space<vmem>>) offsets(%dma_start3A_61 : memref<64xi32, #tpu.memory_space<vmem>>) semaphore(%arg10 : memref<!tpu.dma_semaphore, #tpu.memory_space<semaphore_mem>>)
    %dma_start3A_65 = arith.constant 1 : i32
    %dma_start3A_66 = arith.constant 1 : i32
    %dma_start3A_67 = arith.constant 0 : i32
    %dma_start3A_68 = arith.constant 0 : i32
    %dma_start3A_69 = tpu.memref_slice %arg8[%dma_start3A_66, %dma_start3A_67, %dma_start3A_68] : memref<2x64x128xf32, #tpu.memory_space<vmem>> -> memref<1x64x128xf32, #tpu.memory_space<vmem>>
    %dma_start3A_70 = tpu.memref_squeeze %dma_start3A_69 : memref<1x64x128xf32, #tpu.memory_space<vmem>> -> memref<64x128xf32, #tpu.memory_space<vmem>>
    %dma_start3A_71 = arith.constant 0 : i32
    %dma_start3A_72 = tpu.memref_slice %arg6[%dma_start3A_65, %dma_start3A_71] : memref<80x64xi32, #tpu.memory_space<vmem>> -> memref<1x64xi32, #tpu.memory_space<vmem>>
    %dma_start3A_73 = tpu.memref_squeeze %dma_start3A_72 : memref<1x64xi32, #tpu.memory_space<vmem>> -> memref<64xi32, #tpu.memory_space<vmem>>
    %dma_start3A_74 = arith.constant 0 : i32
    %dma_start3A_75 = arith.constant 0 : i32
    %dma_start3A_76 = tpu.memref_slice %arg2[%dma_start3A_74, %dma_start3A_75] : memref<10240x128xf32, #tpu.memory_space<hbm>> -> memref<10240x128xf32, #tpu.memory_space<hbm>>
    tpu.enqueue_indirect_dma source(%dma_start3A_76 : memref<10240x128xf32, #tpu.memory_space<hbm>>) target(%dma_start3A_70 : memref<64x128xf32, #tpu.memory_space<vmem>>) offsets(%dma_start3A_73 : memref<64xi32, #tpu.memory_space<vmem>>) semaphore(%arg11 : memref<!tpu.dma_semaphore, #tpu.memory_space<semaphore_mem>>)
    %scan3A_77 = arith.constant 0 : i32
    %scan3A_78 = arith.constant 40 : i32
    %scan3A_79 = arith.addi %scan3A_77, %scan3A_78 : i32
    %scan3A_80 = arith.constant 1 : i32
    scf.for %scan3A_116 = %scan3A_77 to %scan3A_79 step %scan3A_80  : i32 {
      %mul3A_117 = arith.constant 2 : i32
      %mul3A_118 = arith.muli %scan3A_116, %mul3A_117 : i32
      %add3A_119 = arith.constant 0 : i32
      %add3A_120 = arith.addi %add3A_119, %mul3A_118 : i32
      %add3A_121 = arith.constant 0 : i32
      %add3A_122 = arith.addi %add3A_120, %add3A_121 : i32
      %dma_wait3A = arith.constant 0 : i32
      %dma_wait3A_123 = arith.constant 0 : i32
      %dma_wait3A_124 = arith.constant 0 : i32
      %dma_wait3A_125 = tpu.memref_slice %arg8[%dma_wait3A, %dma_wait3A_123, %dma_wait3A_124] : memref<2x64x128xf32, #tpu.memory_space<vmem>> -> memref<1x64x128xf32, #tpu.memory_space<vmem>>
      %dma_wait3A_126 = tpu.memref_squeeze %dma_wait3A_125 : memref<1x64x128xf32, #tpu.memory_space<vmem>> -> memref<64x128xf32, #tpu.memory_space<vmem>>
      %dma_wait3A_127 = arith.constant 0 : i32
      %dma_wait3A_128 = tpu.memref_slice %arg6[%add3A_122, %dma_wait3A_127] : memref<80x64xi32, #tpu.memory_space<vmem>> -> memref<1x64xi32, #tpu.memory_space<vmem>>
      %dma_wait3A_129 = tpu.memref_squeeze %dma_wait3A_128 : memref<1x64xi32, #tpu.memory_space<vmem>> -> memref<64xi32, #tpu.memory_space<vmem>>
      %dma_wait3A_130 = arith.constant 0 : i32
      %dma_wait3A_131 = arith.constant 0 : i32
      %dma_wait3A_132 = tpu.memref_slice %arg2[%dma_wait3A_130, %dma_wait3A_131] : memref<10240x128xf32, #tpu.memory_space<hbm>> -> memref<10240x128xf32, #tpu.memory_space<hbm>>
      tpu.wait_indirect_dma semaphore(%arg10 : memref<!tpu.dma_semaphore, #tpu.memory_space<semaphore_mem>>) src(%dma_wait3A_132 : memref<10240x128xf32, #tpu.memory_space<hbm>>) dst(%dma_wait3A_126 : memref<64x128xf32, #tpu.memory_space<vmem>>)
      %dma_start3A_133 = arith.constant 0 : i32
      %dma_start3A_134 = arith.constant 0 : i32
      %dma_start3A_135 = arith.constant 0 : i32
      %dma_start3A_136 = tpu.memref_slice %arg8[%dma_start3A_133, %dma_start3A_134, %dma_start3A_135] : memref<2x64x128xf32, #tpu.memory_space<vmem>> -> memref<1x64x128xf32, #tpu.memory_space<vmem>>
      %dma_start3A_137 = tpu.memref_squeeze %dma_start3A_136 : memref<1x64x128xf32, #tpu.memory_space<vmem>> -> memref<64x128xf32, #tpu.memory_space<vmem>>
      %dma_start3A_138 = arith.constant 0 : i32
      %dma_start3A_139 = tpu.memref_slice %arg7[%add3A_122, %dma_start3A_138] : memref<80x64xi32, #tpu.memory_space<vmem>> -> memref<1x64xi32, #tpu.memory_space<vmem>>
      %dma_start3A_140 = tpu.memref_squeeze %dma_start3A_139 : memref<1x64xi32, #tpu.memory_space<vmem>> -> memref<64xi32, #tpu.memory_space<vmem>>
      %dma_start3A_141 = arith.constant 0 : i32
      %dma_start3A_142 = arith.constant 0 : i32
      %dma_start3A_143 = tpu.memref_slice %arg9[%dma_start3A_141, %dma_start3A_142] : memref<10240x128xf32, #tpu.memory_space<vmem_shared>> -> memref<10240x128xf32, #tpu.memory_space<vmem_shared>>
      tpu.enqueue_indirect_dma source(%dma_start3A_137 : memref<64x128xf32, #tpu.memory_space<vmem>>) target(%dma_start3A_143 : memref<10240x128xf32, #tpu.memory_space<vmem_shared>>) offsets(%dma_start3A_140 : memref<64xi32, #tpu.memory_space<vmem>>) semaphore(%arg12 : memref<!tpu.dma_semaphore, #tpu.memory_space<semaphore_mem>>) {add = true}
      %add3A_144 = arith.constant 1 : i32
      %add3A_145 = arith.addi %add3A_120, %add3A_144 : i32
      %dma_wait3A_146 = arith.constant 1 : i32
      %dma_wait3A_147 = arith.constant 0 : i32
      %dma_wait3A_148 = arith.constant 0 : i32
      %dma_wait3A_149 = tpu.memref_slice %arg8[%dma_wait3A_146, %dma_wait3A_147, %dma_wait3A_148] : memref<2x64x128xf32, #tpu.memory_space<vmem>> -> memref<1x64x128xf32, #tpu.memory_space<vmem>>
      %dma_wait3A_150 = tpu.memref_squeeze %dma_wait3A_149 : memref<1x64x128xf32, #tpu.memory_space<vmem>> -> memref<64x128xf32, #tpu.memory_space<vmem>>
      %dma_wait3A_151 = arith.constant 0 : i32
      %dma_wait3A_152 = tpu.memref_slice %arg6[%add3A_145, %dma_wait3A_151] : memref<80x64xi32, #tpu.memory_space<vmem>> -> memref<1x64xi32, #tpu.memory_space<vmem>>
      %dma_wait3A_153 = tpu.memref_squeeze %dma_wait3A_152 : memref<1x64xi32, #tpu.memory_space<vmem>> -> memref<64xi32, #tpu.memory_space<vmem>>
      %dma_wait3A_154 = arith.constant 0 : i32
      %dma_wait3A_155 = arith.constant 0 : i32
      %dma_wait3A_156 = tpu.memref_slice %arg2[%dma_wait3A_154, %dma_wait3A_155] : memref<10240x128xf32, #tpu.memory_space<hbm>> -> memref<10240x128xf32, #tpu.memory_space<hbm>>
      tpu.wait_indirect_dma semaphore(%arg11 : memref<!tpu.dma_semaphore, #tpu.memory_space<semaphore_mem>>) src(%dma_wait3A_156 : memref<10240x128xf32, #tpu.memory_space<hbm>>) dst(%dma_wait3A_150 : memref<64x128xf32, #tpu.memory_space<vmem>>)
      %dma_start3A_157 = arith.constant 1 : i32
      %dma_start3A_158 = arith.constant 0 : i32
      %dma_start3A_159 = arith.constant 0 : i32
      %dma_start3A_160 = tpu.memref_slice %arg8[%dma_start3A_157, %dma_start3A_158, %dma_start3A_159] : memref<2x64x128xf32, #tpu.memory_space<vmem>> -> memref<1x64x128xf32, #tpu.memory_space<vmem>>
      %dma_start3A_161 = tpu.memref_squeeze %dma_start3A_160 : memref<1x64x128xf32, #tpu.memory_space<vmem>> -> memref<64x128xf32, #tpu.memory_space<vmem>>
      %dma_start3A_162 = arith.constant 0 : i32
      %dma_start3A_163 = tpu.memref_slice %arg7[%add3A_145, %dma_start3A_162] : memref<80x64xi32, #tpu.memory_space<vmem>> -> memref<1x64xi32, #tpu.memory_space<vmem>>
      %dma_start3A_164 = tpu.memref_squeeze %dma_start3A_163 : memref<1x64xi32, #tpu.memory_space<vmem>> -> memref<64xi32, #tpu.memory_space<vmem>>
      %dma_start3A_165 = arith.constant 0 : i32
      %dma_start3A_166 = arith.constant 0 : i32
      %dma_start3A_167 = tpu.memref_slice %arg9[%dma_start3A_165, %dma_start3A_166] : memref<10240x128xf32, #tpu.memory_space<vmem_shared>> -> memref<10240x128xf32, #tpu.memory_space<vmem_shared>>
      tpu.enqueue_indirect_dma source(%dma_start3A_161 : memref<64x128xf32, #tpu.memory_space<vmem>>) target(%dma_start3A_167 : memref<10240x128xf32, #tpu.memory_space<vmem_shared>>) offsets(%dma_start3A_164 : memref<64xi32, #tpu.memory_space<vmem>>) semaphore(%arg13 : memref<!tpu.dma_semaphore, #tpu.memory_space<semaphore_mem>>) {add = true}
      %add3A_168 = arith.constant 0 : i32
      %add3A_169 = arith.addi %add3A_120, %add3A_168 : i32
      %dma_wait3A_170 = arith.constant 0 : i32
      %dma_wait3A_171 = arith.constant 0 : i32
      %dma_wait3A_172 = arith.constant 0 : i32
      %dma_wait3A_173 = tpu.memref_slice %arg8[%dma_wait3A_170, %dma_wait3A_171, %dma_wait3A_172] : memref<2x64x128xf32, #tpu.memory_space<vmem>> -> memref<1x64x128xf32, #tpu.memory_space<vmem>>
      %dma_wait3A_174 = tpu.memref_squeeze %dma_wait3A_173 : memref<1x64x128xf32, #tpu.memory_space<vmem>> -> memref<64x128xf32, #tpu.memory_space<vmem>>
      %dma_wait3A_175 = arith.constant 0 : i32
      %dma_wait3A_176 = tpu.memref_slice %arg7[%add3A_169, %dma_wait3A_175] : memref<80x64xi32, #tpu.memory_space<vmem>> -> memref<1x64xi32, #tpu.memory_space<vmem>>
      %dma_wait3A_177 = tpu.memref_squeeze %dma_wait3A_176 : memref<1x64xi32, #tpu.memory_space<vmem>> -> memref<64xi32, #tpu.memory_space<vmem>>
      %dma_wait3A_178 = arith.constant 0 : i32
      %dma_wait3A_179 = arith.constant 0 : i32
      %dma_wait3A_180 = tpu.memref_slice %arg9[%dma_wait3A_178, %dma_wait3A_179] : memref<10240x128xf32, #tpu.memory_space<vmem_shared>> -> memref<10240x128xf32, #tpu.memory_space<vmem_shared>>
      tpu.wait_indirect_dma semaphore(%arg12 : memref<!tpu.dma_semaphore, #tpu.memory_space<semaphore_mem>>) src(%dma_wait3A_174 : memref<64x128xf32, #tpu.memory_space<vmem>>) dst(%dma_wait3A_180 : memref<10240x128xf32, #tpu.memory_space<vmem_shared>>)
      %add3A_181 = arith.constant 2 : i32
      %add3A_182 = arith.addi %add3A_169, %add3A_181 : i32
      %lt3A = arith.constant 80 : i32
      %lt3A_183 = arith.cmpi slt, %add3A_182, %lt3A : i32
      %convert_element_type3A = arith.extui %lt3A_183 : i1 to i32
      %cond3A = arith.constant 0 : i32
      %cond3A_184 = arith.cmpi ne, %convert_element_type3A, %cond3A : i32
      scf.if %cond3A_184 {
        %add3A_205 = arith.constant 2 : i32
        %add3A_206 = arith.addi %add3A_169, %add3A_205 : i32
        %dma_start3A_207 = arith.constant 0 : i32
        %dma_start3A_208 = arith.constant 0 : i32
        %dma_start3A_209 = arith.constant 0 : i32
        %dma_start3A_210 = tpu.memref_slice %arg8[%dma_start3A_207, %dma_start3A_208, %dma_start3A_209] : memref<2x64x128xf32, #tpu.memory_space<vmem>> -> memref<1x64x128xf32, #tpu.memory_space<vmem>>
        %dma_start3A_211 = tpu.memref_squeeze %dma_start3A_210 : memref<1x64x128xf32, #tpu.memory_space<vmem>> -> memref<64x128xf32, #tpu.memory_space<vmem>>
        %dma_start3A_212 = arith.constant 0 : i32
        %dma_start3A_213 = tpu.memref_slice %arg6[%add3A_206, %dma_start3A_212] : memref<80x64xi32, #tpu.memory_space<vmem>> -> memref<1x64xi32, #tpu.memory_space<vmem>>
        %dma_start3A_214 = tpu.memref_squeeze %dma_start3A_213 : memref<1x64xi32, #tpu.memory_space<vmem>> -> memref<64xi32, #tpu.memory_space<vmem>>
        %dma_start3A_215 = arith.constant 0 : i32
        %dma_start3A_216 = arith.constant 0 : i32
        %dma_start3A_217 = tpu.memref_slice %arg2[%dma_start3A_215, %dma_start3A_216] : memref<10240x128xf32, #tpu.memory_space<hbm>> -> memref<10240x128xf32, #tpu.memory_space<hbm>>
        tpu.enqueue_indirect_dma source(%dma_start3A_217 : memref<10240x128xf32, #tpu.memory_space<hbm>>) target(%dma_start3A_211 : memref<64x128xf32, #tpu.memory_space<vmem>>) offsets(%dma_start3A_214 : memref<64xi32, #tpu.memory_space<vmem>>) semaphore(%arg10 : memref<!tpu.dma_semaphore, #tpu.memory_space<semaphore_mem>>)
      } else {
      }
      %add3A_185 = arith.constant 1 : i32
      %add3A_186 = arith.addi %add3A_120, %add3A_185 : i32
      %dma_wait3A_187 = arith.constant 1 : i32
      %dma_wait3A_188 = arith.constant 0 : i32
      %dma_wait3A_189 = arith.constant 0 : i32
      %dma_wait3A_190 = tpu.memref_slice %arg8[%dma_wait3A_187, %dma_wait3A_188, %dma_wait3A_189] : memref<2x64x128xf32, #tpu.memory_space<vmem>> -> memref<1x64x128xf32, #tpu.memory_space<vmem>>
      %dma_wait3A_191 = tpu.memref_squeeze %dma_wait3A_190 : memref<1x64x128xf32, #tpu.memory_space<vmem>> -> memref<64x128xf32, #tpu.memory_space<vmem>>
      %dma_wait3A_192 = arith.constant 0 : i32
      %dma_wait3A_193 = tpu.memref_slice %arg7[%add3A_186, %dma_wait3A_192] : memref<80x64xi32, #tpu.memory_space<vmem>> -> memref<1x64xi32, #tpu.memory_space<vmem>>
      %dma_wait3A_194 = tpu.memref_squeeze %dma_wait3A_193 : memref<1x64xi32, #tpu.memory_space<vmem>> -> memref<64xi32, #tpu.memory_space<vmem>>
      %dma_wait3A_195 = arith.constant 0 : i32
      %dma_wait3A_196 = arith.constant 0 : i32
      %dma_wait3A_197 = tpu.memref_slice %arg9[%dma_wait3A_195, %dma_wait3A_196] : memref<10240x128xf32, #tpu.memory_space<vmem_shared>> -> memref<10240x128xf32, #tpu.memory_space<vmem_shared>>
      tpu.wait_indirect_dma semaphore(%arg13 : memref<!tpu.dma_semaphore, #tpu.memory_space<semaphore_mem>>) src(%dma_wait3A_191 : memref<64x128xf32, #tpu.memory_space<vmem>>) dst(%dma_wait3A_197 : memref<10240x128xf32, #tpu.memory_space<vmem_shared>>)
      %add3A_198 = arith.constant 2 : i32
      %add3A_199 = arith.addi %add3A_186, %add3A_198 : i32
      %lt3A_200 = arith.constant 80 : i32
      %lt3A_201 = arith.cmpi slt, %add3A_199, %lt3A_200 : i32
      %convert_element_type3A_202 = arith.extui %lt3A_201 : i1 to i32
      %cond3A_203 = arith.constant 0 : i32
      %cond3A_204 = arith.cmpi ne, %convert_element_type3A_202, %cond3A_203 : i32
      scf.if %cond3A_204 {
        %add3A_205 = arith.constant 2 : i32
        %add3A_206 = arith.addi %add3A_186, %add3A_205 : i32
        %dma_start3A_207 = arith.constant 1 : i32
        %dma_start3A_208 = arith.constant 0 : i32
        %dma_start3A_209 = arith.constant 0 : i32
        %dma_start3A_210 = tpu.memref_slice %arg8[%dma_start3A_207, %dma_start3A_208, %dma_start3A_209] : memref<2x64x128xf32, #tpu.memory_space<vmem>> -> memref<1x64x128xf32, #tpu.memory_space<vmem>>
        %dma_start3A_211 = tpu.memref_squeeze %dma_start3A_210 : memref<1x64x128xf32, #tpu.memory_space<vmem>> -> memref<64x128xf32, #tpu.memory_space<vmem>>
        %dma_start3A_212 = arith.constant 0 : i32
        %dma_start3A_213 = tpu.memref_slice %arg6[%add3A_206, %dma_start3A_212] : memref<80x64xi32, #tpu.memory_space<vmem>> -> memref<1x64xi32, #tpu.memory_space<vmem>>
        %dma_start3A_214 = tpu.memref_squeeze %dma_start3A_213 : memref<1x64xi32, #tpu.memory_space<vmem>> -> memref<64xi32, #tpu.memory_space<vmem>>
        %dma_start3A_215 = arith.constant 0 : i32
        %dma_start3A_216 = arith.constant 0 : i32
        %dma_start3A_217 = tpu.memref_slice %arg2[%dma_start3A_215, %dma_start3A_216] : memref<10240x128xf32, #tpu.memory_space<hbm>> -> memref<10240x128xf32, #tpu.memory_space<hbm>>
        tpu.enqueue_indirect_dma source(%dma_start3A_217 : memref<10240x128xf32, #tpu.memory_space<hbm>>) target(%dma_start3A_211 : memref<64x128xf32, #tpu.memory_space<vmem>>) offsets(%dma_start3A_214 : memref<64xi32, #tpu.memory_space<vmem>>) semaphore(%arg11 : memref<!tpu.dma_semaphore, #tpu.memory_space<semaphore_mem>>)
      } else {
      }
    }
    %scan3A_81 = arith.constant 40 : i32
    "tpu.region"() ({
      %run_scoped3A_116 = tpu.sem_alloc : memref<!tpu.dma_semaphore, #tpu.memory_space<semaphore_mem>>
      %dma_start3A_117 = arith.constant 80 : i32
      %dma_start3A_118 = arith.constant 0 : i32
      %dma_start3A_119 = tpu.memref_slice %arg3[%add3A, %dma_start3A_117, %dma_start3A_118] : memref<32x160x64xi32, #tpu.memory_space<hbm>> -> memref<1x80x64xi32, #tpu.memory_space<hbm>>
      %dma_start3A_120 = tpu.memref_squeeze %dma_start3A_119 : memref<1x80x64xi32, #tpu.memory_space<hbm>> -> memref<80x64xi32, #tpu.memory_space<hbm>>
      %dma_start3A_121 = arith.constant 80 : i32
      %dma_start3A_122 = arith.constant 0 : i32
      %dma_start3A_123 = tpu.memref_slice %arg3[%add3A, %dma_start3A_121, %dma_start3A_122] : memref<32x160x64xi32, #tpu.memory_space<hbm>> -> memref<1x80x64xi32, #tpu.memory_space<hbm>>
      %dma_start3A_124 = tpu.memref_squeeze %dma_start3A_123 : memref<1x80x64xi32, #tpu.memory_space<hbm>> -> memref<80x64xi32, #tpu.memory_space<hbm>>
      tpu.enqueue_dma source(%dma_start3A_124 : memref<80x64xi32, #tpu.memory_space<hbm>>) target(%arg6 : memref<80x64xi32, #tpu.memory_space<vmem>>) target_semaphore(%run_scoped3A_116 : memref<!tpu.dma_semaphore, #tpu.memory_space<semaphore_mem>>)
      %dma_wait3A = arith.constant 80 : i32
      %dma_wait3A_125 = arith.constant 0 : i32
      %dma_wait3A_126 = tpu.memref_slice %arg3[%add3A, %dma_wait3A, %dma_wait3A_125] : memref<32x160x64xi32, #tpu.memory_space<hbm>> -> memref<1x80x64xi32, #tpu.memory_space<hbm>>
      %dma_wait3A_127 = tpu.memref_squeeze %dma_wait3A_126 : memref<1x80x64xi32, #tpu.memory_space<hbm>> -> memref<80x64xi32, #tpu.memory_space<hbm>>
      %dma_wait3A_128 = arith.constant 80 : i32
      %dma_wait3A_129 = arith.constant 0 : i32
      %dma_wait3A_130 = tpu.memref_slice %arg3[%add3A, %dma_wait3A_128, %dma_wait3A_129] : memref<32x160x64xi32, #tpu.memory_space<hbm>> -> memref<1x80x64xi32, #tpu.memory_space<hbm>>
      %dma_wait3A_131 = tpu.memref_squeeze %dma_wait3A_130 : memref<1x80x64xi32, #tpu.memory_space<hbm>> -> memref<80x64xi32, #tpu.memory_space<hbm>>
      tpu.wait_dma2 semaphore(%run_scoped3A_116 : memref<!tpu.dma_semaphore, #tpu.memory_space<semaphore_mem>>) src(%dma_wait3A_131 : memref<80x64xi32, #tpu.memory_space<hbm>>) dst(%arg6 : memref<80x64xi32, #tpu.memory_space<vmem>>)
      tpu.yield
    }) : () -> ()
    "tpu.region"() ({
      %run_scoped3A_116 = tpu.sem_alloc : memref<!tpu.dma_semaphore, #tpu.memory_space<semaphore_mem>>
      %dma_start3A_117 = arith.constant 80 : i32
      %dma_start3A_118 = arith.constant 0 : i32
      %dma_start3A_119 = tpu.memref_slice %arg4[%add3A, %dma_start3A_117, %dma_start3A_118] : memref<32x160x64xi32, #tpu.memory_space<hbm>> -> memref<1x80x64xi32, #tpu.memory_space<hbm>>
      %dma_start3A_120 = tpu.memref_squeeze %dma_start3A_119 : memref<1x80x64xi32, #tpu.memory_space<hbm>> -> memref<80x64xi32, #tpu.memory_space<hbm>>
      %dma_start3A_121 = arith.constant 80 : i32
      %dma_start3A_122 = arith.constant 0 : i32
      %dma_start3A_123 = tpu.memref_slice %arg4[%add3A, %dma_start3A_121, %dma_start3A_122] : memref<32x160x64xi32, #tpu.memory_space<hbm>> -> memref<1x80x64xi32, #tpu.memory_space<hbm>>
      %dma_start3A_124 = tpu.memref_squeeze %dma_start3A_123 : memref<1x80x64xi32, #tpu.memory_space<hbm>> -> memref<80x64xi32, #tpu.memory_space<hbm>>
      tpu.enqueue_dma source(%dma_start3A_124 : memref<80x64xi32, #tpu.memory_space<hbm>>) target(%arg7 : memref<80x64xi32, #tpu.memory_space<vmem>>) target_semaphore(%run_scoped3A_116 : memref<!tpu.dma_semaphore, #tpu.memory_space<semaphore_mem>>)
      %dma_wait3A = arith.constant 80 : i32
      %dma_wait3A_125 = arith.constant 0 : i32
      %dma_wait3A_126 = tpu.memref_slice %arg4[%add3A, %dma_wait3A, %dma_wait3A_125] : memref<32x160x64xi32, #tpu.memory_space<hbm>> -> memref<1x80x64xi32, #tpu.memory_space<hbm>>
      %dma_wait3A_127 = tpu.memref_squeeze %dma_wait3A_126 : memref<1x80x64xi32, #tpu.memory_space<hbm>> -> memref<80x64xi32, #tpu.memory_space<hbm>>
      %dma_wait3A_128 = arith.constant 80 : i32
      %dma_wait3A_129 = arith.constant 0 : i32
      %dma_wait3A_130 = tpu.memref_slice %arg4[%add3A, %dma_wait3A_128, %dma_wait3A_129] : memref<32x160x64xi32, #tpu.memory_space<hbm>> -> memref<1x80x64xi32, #tpu.memory_space<hbm>>
      %dma_wait3A_131 = tpu.memref_squeeze %dma_wait3A_130 : memref<1x80x64xi32, #tpu.memory_space<hbm>> -> memref<80x64xi32, #tpu.memory_space<hbm>>
      tpu.wait_dma2 semaphore(%run_scoped3A_116 : memref<!tpu.dma_semaphore, #tpu.memory_space<semaphore_mem>>) src(%dma_wait3A_131 : memref<80x64xi32, #tpu.memory_space<hbm>>) dst(%arg7 : memref<80x64xi32, #tpu.memory_space<vmem>>)
      tpu.yield
    }) : () -> ()
    %dma_start3A_82 = arith.constant 0 : i32
    %dma_start3A_83 = arith.constant 0 : i32
    %dma_start3A_84 = arith.constant 0 : i32
    %dma_start3A_85 = arith.constant 0 : i32
    %dma_start3A_86 = tpu.memref_slice %arg8[%dma_start3A_83, %dma_start3A_84, %dma_start3A_85] : memref<2x64x128xf32, #tpu.memory_space<vmem>> -> memref<1x64x128xf32, #tpu.memory_space<vmem>>
    %dma_start3A_87 = tpu.memref_squeeze %dma_start3A_86 : memref<1x64x128xf32, #tpu.memory_space<vmem>> -> memref<64x128xf32, #tpu.memory_space<vmem>>
    %dma_start3A_88 = arith.constant 0 : i32
    %dma_start3A_89 = tpu.memref_slice %arg6[%dma_start3A_82, %dma_start3A_88] : memref<80x64xi32, #tpu.memory_space<vmem>> -> memref<1x64xi32, #tpu.memory_space<vmem>>
    %dma_start3A_90 = tpu.memref_squeeze %dma_start3A_89 : memref<1x64xi32, #tpu.memory_space<vmem>> -> memref<64xi32, #tpu.memory_space<vmem>>
    %dma_start3A_91 = arith.constant 0 : i32
    %dma_start3A_92 = arith.constant 0 : i32
    %dma_start3A_93 = tpu.memref_slice %arg2[%dma_start3A_91, %dma_start3A_92] : memref<10240x128xf32, #tpu.memory_space<hbm>> -> memref<10240x128xf32, #tpu.memory_space<hbm>>
    tpu.enqueue_indirect_dma source(%dma_start3A_93 : memref<10240x128xf32, #tpu.memory_space<hbm>>) target(%dma_start3A_87 : memref<64x128xf32, #tpu.memory_space<vmem>>) offsets(%dma_start3A_90 : memref<64xi32, #tpu.memory_space<vmem>>) semaphore(%arg10 : memref<!tpu.dma_semaphore, #tpu.memory_space<semaphore_mem>>)
    %dma_start3A_94 = arith.constant 1 : i32
    %dma_start3A_95 = arith.constant 1 : i32
    %dma_start3A_96 = arith.constant 0 : i32
    %dma_start3A_97 = arith.constant 0 : i32
    %dma_start3A_98 = tpu.memref_slice %arg8[%dma_start3A_95, %dma_start3A_96, %dma_start3A_97] : memref<2x64x128xf32, #tpu.memory_space<vmem>> -> memref<1x64x128xf32, #tpu.memory_space<vmem>>
    %dma_start3A_99 = tpu.memref_squeeze %dma_start3A_98 : memref<1x64x128xf32, #tpu.memory_space<vmem>> -> memref<64x128xf32, #tpu.memory_space<vmem>>
    %dma_start3A_100 = arith.constant 0 : i32
    %dma_start3A_101 = tpu.memref_slice %arg6[%dma_start3A_94, %dma_start3A_100] : memref<80x64xi32, #tpu.memory_space<vmem>> -> memref<1x64xi32, #tpu.memory_space<vmem>>
    %dma_start3A_102 = tpu.memref_squeeze %dma_start3A_101 : memref<1x64xi32, #tpu.memory_space<vmem>> -> memref<64xi32, #tpu.memory_space<vmem>>
    %dma_start3A_103 = arith.constant 0 : i32
    %dma_start3A_104 = arith.constant 0 : i32
    %dma_start3A_105 = tpu.memref_slice %arg2[%dma_start3A_103, %dma_start3A_104] : memref<10240x128xf32, #tpu.memory_space<hbm>> -> memref<10240x128xf32, #tpu.memory_space<hbm>>
    tpu.enqueue_indirect_dma source(%dma_start3A_105 : memref<10240x128xf32, #tpu.memory_space<hbm>>) target(%dma_start3A_99 : memref<64x128xf32, #tpu.memory_space<vmem>>) offsets(%dma_start3A_102 : memref<64xi32, #tpu.memory_space<vmem>>) semaphore(%arg11 : memref<!tpu.dma_semaphore, #tpu.memory_space<semaphore_mem>>)
    %scan3A_106 = arith.constant 0 : i32
    %scan3A_107 = arith.constant 40 : i32
    %scan3A_108 = arith.addi %scan3A_106, %scan3A_107 : i32
    %scan3A_109 = arith.constant 1 : i32
    scf.for %scan3A_116 = %scan3A_106 to %scan3A_108 step %scan3A_109  : i32 {
      %mul3A_117 = arith.constant 2 : i32
      %mul3A_118 = arith.muli %scan3A_116, %mul3A_117 : i32
      %add3A_119 = arith.constant 0 : i32
      %add3A_120 = arith.addi %add3A_119, %mul3A_118 : i32
      %add3A_121 = arith.constant 0 : i32
      %add3A_122 = arith.addi %add3A_120, %add3A_121 : i32
      %dma_wait3A = arith.constant 0 : i32
      %dma_wait3A_123 = arith.constant 0 : i32
      %dma_wait3A_124 = arith.constant 0 : i32
      %dma_wait3A_125 = tpu.memref_slice %arg8[%dma_wait3A, %dma_wait3A_123, %dma_wait3A_124] : memref<2x64x128xf32, #tpu.memory_space<vmem>> -> memref<1x64x128xf32, #tpu.memory_space<vmem>>
      %dma_wait3A_126 = tpu.memref_squeeze %dma_wait3A_125 : memref<1x64x128xf32, #tpu.memory_space<vmem>> -> memref<64x128xf32, #tpu.memory_space<vmem>>
      %dma_wait3A_127 = arith.constant 0 : i32
      %dma_wait3A_128 = tpu.memref_slice %arg6[%add3A_122, %dma_wait3A_127] : memref<80x64xi32, #tpu.memory_space<vmem>> -> memref<1x64xi32, #tpu.memory_space<vmem>>
      %dma_wait3A_129 = tpu.memref_squeeze %dma_wait3A_128 : memref<1x64xi32, #tpu.memory_space<vmem>> -> memref<64xi32, #tpu.memory_space<vmem>>
      %dma_wait3A_130 = arith.constant 0 : i32
      %dma_wait3A_131 = arith.constant 0 : i32
      %dma_wait3A_132 = tpu.memref_slice %arg2[%dma_wait3A_130, %dma_wait3A_131] : memref<10240x128xf32, #tpu.memory_space<hbm>> -> memref<10240x128xf32, #tpu.memory_space<hbm>>
      tpu.wait_indirect_dma semaphore(%arg10 : memref<!tpu.dma_semaphore, #tpu.memory_space<semaphore_mem>>) src(%dma_wait3A_132 : memref<10240x128xf32, #tpu.memory_space<hbm>>) dst(%dma_wait3A_126 : memref<64x128xf32, #tpu.memory_space<vmem>>)
      %dma_start3A_133 = arith.constant 0 : i32
      %dma_start3A_134 = arith.constant 0 : i32
      %dma_start3A_135 = arith.constant 0 : i32
      %dma_start3A_136 = tpu.memref_slice %arg8[%dma_start3A_133, %dma_start3A_134, %dma_start3A_135] : memref<2x64x128xf32, #tpu.memory_space<vmem>> -> memref<1x64x128xf32, #tpu.memory_space<vmem>>
      %dma_start3A_137 = tpu.memref_squeeze %dma_start3A_136 : memref<1x64x128xf32, #tpu.memory_space<vmem>> -> memref<64x128xf32, #tpu.memory_space<vmem>>
      %dma_start3A_138 = arith.constant 0 : i32
      %dma_start3A_139 = tpu.memref_slice %arg7[%add3A_122, %dma_start3A_138] : memref<80x64xi32, #tpu.memory_space<vmem>> -> memref<1x64xi32, #tpu.memory_space<vmem>>
      %dma_start3A_140 = tpu.memref_squeeze %dma_start3A_139 : memref<1x64xi32, #tpu.memory_space<vmem>> -> memref<64xi32, #tpu.memory_space<vmem>>
      %dma_start3A_141 = arith.constant 0 : i32
      %dma_start3A_142 = arith.constant 0 : i32
      %dma_start3A_143 = tpu.memref_slice %arg9[%dma_start3A_141, %dma_start3A_142] : memref<10240x128xf32, #tpu.memory_space<vmem_shared>> -> memref<10240x128xf32, #tpu.memory_space<vmem_shared>>
      tpu.enqueue_indirect_dma source(%dma_start3A_137 : memref<64x128xf32, #tpu.memory_space<vmem>>) target(%dma_start3A_143 : memref<10240x128xf32, #tpu.memory_space<vmem_shared>>) offsets(%dma_start3A_140 : memref<64xi32, #tpu.memory_space<vmem>>) semaphore(%arg12 : memref<!tpu.dma_semaphore, #tpu.memory_space<semaphore_mem>>) {add = true}
      %add3A_144 = arith.constant 1 : i32
      %add3A_145 = arith.addi %add3A_120, %add3A_144 : i32
      %dma_wait3A_146 = arith.constant 1 : i32
      %dma_wait3A_147 = arith.constant 0 : i32
      %dma_wait3A_148 = arith.constant 0 : i32
      %dma_wait3A_149 = tpu.memref_slice %arg8[%dma_wait3A_146, %dma_wait3A_147, %dma_wait3A_148] : memref<2x64x128xf32, #tpu.memory_space<vmem>> -> memref<1x64x128xf32, #tpu.memory_space<vmem>>
      %dma_wait3A_150 = tpu.memref_squeeze %dma_wait3A_149 : memref<1x64x128xf32, #tpu.memory_space<vmem>> -> memref<64x128xf32, #tpu.memory_space<vmem>>
      %dma_wait3A_151 = arith.constant 0 : i32
      %dma_wait3A_152 = tpu.memref_slice %arg6[%add3A_145, %dma_wait3A_151] : memref<80x64xi32, #tpu.memory_space<vmem>> -> memref<1x64xi32, #tpu.memory_space<vmem>>
      %dma_wait3A_153 = tpu.memref_squeeze %dma_wait3A_152 : memref<1x64xi32, #tpu.memory_space<vmem>> -> memref<64xi32, #tpu.memory_space<vmem>>
      %dma_wait3A_154 = arith.constant 0 : i32
      %dma_wait3A_155 = arith.constant 0 : i32
      %dma_wait3A_156 = tpu.memref_slice %arg2[%dma_wait3A_154, %dma_wait3A_155] : memref<10240x128xf32, #tpu.memory_space<hbm>> -> memref<10240x128xf32, #tpu.memory_space<hbm>>
      tpu.wait_indirect_dma semaphore(%arg11 : memref<!tpu.dma_semaphore, #tpu.memory_space<semaphore_mem>>) src(%dma_wait3A_156 : memref<10240x128xf32, #tpu.memory_space<hbm>>) dst(%dma_wait3A_150 : memref<64x128xf32, #tpu.memory_space<vmem>>)
      %dma_start3A_157 = arith.constant 1 : i32
      %dma_start3A_158 = arith.constant 0 : i32
      %dma_start3A_159 = arith.constant 0 : i32
      %dma_start3A_160 = tpu.memref_slice %arg8[%dma_start3A_157, %dma_start3A_158, %dma_start3A_159] : memref<2x64x128xf32, #tpu.memory_space<vmem>> -> memref<1x64x128xf32, #tpu.memory_space<vmem>>
      %dma_start3A_161 = tpu.memref_squeeze %dma_start3A_160 : memref<1x64x128xf32, #tpu.memory_space<vmem>> -> memref<64x128xf32, #tpu.memory_space<vmem>>
      %dma_start3A_162 = arith.constant 0 : i32
      %dma_start3A_163 = tpu.memref_slice %arg7[%add3A_145, %dma_start3A_162] : memref<80x64xi32, #tpu.memory_space<vmem>> -> memref<1x64xi32, #tpu.memory_space<vmem>>
      %dma_start3A_164 = tpu.memref_squeeze %dma_start3A_163 : memref<1x64xi32, #tpu.memory_space<vmem>> -> memref<64xi32, #tpu.memory_space<vmem>>
      %dma_start3A_165 = arith.constant 0 : i32
      %dma_start3A_166 = arith.constant 0 : i32
      %dma_start3A_167 = tpu.memref_slice %arg9[%dma_start3A_165, %dma_start3A_166] : memref<10240x128xf32, #tpu.memory_space<vmem_shared>> -> memref<10240x128xf32, #tpu.memory_space<vmem_shared>>
      tpu.enqueue_indirect_dma source(%dma_start3A_161 : memref<64x128xf32, #tpu.memory_space<vmem>>) target(%dma_start3A_167 : memref<10240x128xf32, #tpu.memory_space<vmem_shared>>) offsets(%dma_start3A_164 : memref<64xi32, #tpu.memory_space<vmem>>) semaphore(%arg13 : memref<!tpu.dma_semaphore, #tpu.memory_space<semaphore_mem>>) {add = true}
      %add3A_168 = arith.constant 0 : i32
      %add3A_169 = arith.addi %add3A_120, %add3A_168 : i32
      %dma_wait3A_170 = arith.constant 0 : i32
      %dma_wait3A_171 = arith.constant 0 : i32
      %dma_wait3A_172 = arith.constant 0 : i32
      %dma_wait3A_173 = tpu.memref_slice %arg8[%dma_wait3A_170, %dma_wait3A_171, %dma_wait3A_172] : memref<2x64x128xf32, #tpu.memory_space<vmem>> -> memref<1x64x128xf32, #tpu.memory_space<vmem>>
      %dma_wait3A_174 = tpu.memref_squeeze %dma_wait3A_173 : memref<1x64x128xf32, #tpu.memory_space<vmem>> -> memref<64x128xf32, #tpu.memory_space<vmem>>
      %dma_wait3A_175 = arith.constant 0 : i32
      %dma_wait3A_176 = tpu.memref_slice %arg7[%add3A_169, %dma_wait3A_175] : memref<80x64xi32, #tpu.memory_space<vmem>> -> memref<1x64xi32, #tpu.memory_space<vmem>>
      %dma_wait3A_177 = tpu.memref_squeeze %dma_wait3A_176 : memref<1x64xi32, #tpu.memory_space<vmem>> -> memref<64xi32, #tpu.memory_space<vmem>>
      %dma_wait3A_178 = arith.constant 0 : i32
      %dma_wait3A_179 = arith.constant 0 : i32
      %dma_wait3A_180 = tpu.memref_slice %arg9[%dma_wait3A_178, %dma_wait3A_179] : memref<10240x128xf32, #tpu.memory_space<vmem_shared>> -> memref<10240x128xf32, #tpu.memory_space<vmem_shared>>
      tpu.wait_indirect_dma semaphore(%arg12 : memref<!tpu.dma_semaphore, #tpu.memory_space<semaphore_mem>>) src(%dma_wait3A_174 : memref<64x128xf32, #tpu.memory_space<vmem>>) dst(%dma_wait3A_180 : memref<10240x128xf32, #tpu.memory_space<vmem_shared>>)
      %add3A_181 = arith.constant 2 : i32
      %add3A_182 = arith.addi %add3A_169, %add3A_181 : i32
      %lt3A = arith.constant 80 : i32
      %lt3A_183 = arith.cmpi slt, %add3A_182, %lt3A : i32
      %convert_element_type3A = arith.extui %lt3A_183 : i1 to i32
      %cond3A = arith.constant 0 : i32
      %cond3A_184 = arith.cmpi ne, %convert_element_type3A, %cond3A : i32
      scf.if %cond3A_184 {
        %add3A_205 = arith.constant 2 : i32
        %add3A_206 = arith.addi %add3A_169, %add3A_205 : i32
        %dma_start3A_207 = arith.constant 0 : i32
        %dma_start3A_208 = arith.constant 0 : i32
        %dma_start3A_209 = arith.constant 0 : i32
        %dma_start3A_210 = tpu.memref_slice %arg8[%dma_start3A_207, %dma_start3A_208, %dma_start3A_209] : memref<2x64x128xf32, #tpu.memory_space<vmem>> -> memref<1x64x128xf32, #tpu.memory_space<vmem>>
        %dma_start3A_211 = tpu.memref_squeeze %dma_start3A_210 : memref<1x64x128xf32, #tpu.memory_space<vmem>> -> memref<64x128xf32, #tpu.memory_space<vmem>>
        %dma_start3A_212 = arith.constant 0 : i32
        %dma_start3A_213 = tpu.memref_slice %arg6[%add3A_206, %dma_start3A_212] : memref<80x64xi32, #tpu.memory_space<vmem>> -> memref<1x64xi32, #tpu.memory_space<vmem>>
        %dma_start3A_214 = tpu.memref_squeeze %dma_start3A_213 : memref<1x64xi32, #tpu.memory_space<vmem>> -> memref<64xi32, #tpu.memory_space<vmem>>
        %dma_start3A_215 = arith.constant 0 : i32
        %dma_start3A_216 = arith.constant 0 : i32
        %dma_start3A_217 = tpu.memref_slice %arg2[%dma_start3A_215, %dma_start3A_216] : memref<10240x128xf32, #tpu.memory_space<hbm>> -> memref<10240x128xf32, #tpu.memory_space<hbm>>
        tpu.enqueue_indirect_dma source(%dma_start3A_217 : memref<10240x128xf32, #tpu.memory_space<hbm>>) target(%dma_start3A_211 : memref<64x128xf32, #tpu.memory_space<vmem>>) offsets(%dma_start3A_214 : memref<64xi32, #tpu.memory_space<vmem>>) semaphore(%arg10 : memref<!tpu.dma_semaphore, #tpu.memory_space<semaphore_mem>>)
      } else {
      }
      %add3A_185 = arith.constant 1 : i32
      %add3A_186 = arith.addi %add3A_120, %add3A_185 : i32
      %dma_wait3A_187 = arith.constant 1 : i32
      %dma_wait3A_188 = arith.constant 0 : i32
      %dma_wait3A_189 = arith.constant 0 : i32
      %dma_wait3A_190 = tpu.memref_slice %arg8[%dma_wait3A_187, %dma_wait3A_188, %dma_wait3A_189] : memref<2x64x128xf32, #tpu.memory_space<vmem>> -> memref<1x64x128xf32, #tpu.memory_space<vmem>>
      %dma_wait3A_191 = tpu.memref_squeeze %dma_wait3A_190 : memref<1x64x128xf32, #tpu.memory_space<vmem>> -> memref<64x128xf32, #tpu.memory_space<vmem>>
      %dma_wait3A_192 = arith.constant 0 : i32
      %dma_wait3A_193 = tpu.memref_slice %arg7[%add3A_186, %dma_wait3A_192] : memref<80x64xi32, #tpu.memory_space<vmem>> -> memref<1x64xi32, #tpu.memory_space<vmem>>
      %dma_wait3A_194 = tpu.memref_squeeze %dma_wait3A_193 : memref<1x64xi32, #tpu.memory_space<vmem>> -> memref<64xi32, #tpu.memory_space<vmem>>
      %dma_wait3A_195 = arith.constant 0 : i32
      %dma_wait3A_196 = arith.constant 0 : i32
      %dma_wait3A_197 = tpu.memref_slice %arg9[%dma_wait3A_195, %dma_wait3A_196] : memref<10240x128xf32, #tpu.memory_space<vmem_shared>> -> memref<10240x128xf32, #tpu.memory_space<vmem_shared>>
      tpu.wait_indirect_dma semaphore(%arg13 : memref<!tpu.dma_semaphore, #tpu.memory_space<semaphore_mem>>) src(%dma_wait3A_191 : memref<64x128xf32, #tpu.memory_space<vmem>>) dst(%dma_wait3A_197 : memref<10240x128xf32, #tpu.memory_space<vmem_shared>>)
      %add3A_198 = arith.constant 2 : i32
      %add3A_199 = arith.addi %add3A_186, %add3A_198 : i32
      %lt3A_200 = arith.constant 80 : i32
      %lt3A_201 = arith.cmpi slt, %add3A_199, %lt3A_200 : i32
      %convert_element_type3A_202 = arith.extui %lt3A_201 : i1 to i32
      %cond3A_203 = arith.constant 0 : i32
      %cond3A_204 = arith.cmpi ne, %convert_element_type3A_202, %cond3A_203 : i32
      scf.if %cond3A_204 {
        %add3A_205 = arith.constant 2 : i32
        %add3A_206 = arith.addi %add3A_186, %add3A_205 : i32
        %dma_start3A_207 = arith.constant 1 : i32
        %dma_start3A_208 = arith.constant 0 : i32
        %dma_start3A_209 = arith.constant 0 : i32
        %dma_start3A_210 = tpu.memref_slice %arg8[%dma_start3A_207, %dma_start3A_208, %dma_start3A_209] : memref<2x64x128xf32, #tpu.memory_space<vmem>> -> memref<1x64x128xf32, #tpu.memory_space<vmem>>
        %dma_start3A_211 = tpu.memref_squeeze %dma_start3A_210 : memref<1x64x128xf32, #tpu.memory_space<vmem>> -> memref<64x128xf32, #tpu.memory_space<vmem>>
        %dma_start3A_212 = arith.constant 0 : i32
        %dma_start3A_213 = tpu.memref_slice %arg6[%add3A_206, %dma_start3A_212] : memref<80x64xi32, #tpu.memory_space<vmem>> -> memref<1x64xi32, #tpu.memory_space<vmem>>
        %dma_start3A_214 = tpu.memref_squeeze %dma_start3A_213 : memref<1x64xi32, #tpu.memory_space<vmem>> -> memref<64xi32, #tpu.memory_space<vmem>>
        %dma_start3A_215 = arith.constant 0 : i32
        %dma_start3A_216 = arith.constant 0 : i32
        %dma_start3A_217 = tpu.memref_slice %arg2[%dma_start3A_215, %dma_start3A_216] : memref<10240x128xf32, #tpu.memory_space<hbm>> -> memref<10240x128xf32, #tpu.memory_space<hbm>>
        tpu.enqueue_indirect_dma source(%dma_start3A_217 : memref<10240x128xf32, #tpu.memory_space<hbm>>) target(%dma_start3A_211 : memref<64x128xf32, #tpu.memory_space<vmem>>) offsets(%dma_start3A_214 : memref<64xi32, #tpu.memory_space<vmem>>) semaphore(%arg11 : memref<!tpu.dma_semaphore, #tpu.memory_space<semaphore_mem>>)
      } else {
      }
    }
    %scan3A_110 = arith.constant 40 : i32
    %barrier3A_111 = arith.constant 0 : index
    tpu.barrier barrier_id(%barrier3A_111)
    %mul3A_112 = arith.constant 640 : i32
    %mul3A_113 = arith.muli %arg1, %mul3A_112 : i32
    %mul3A_114 = arith.constant 640 : i32
    %mul3A_115 = arith.muli %arg1, %mul3A_114 : i32
    "tpu.region"() ({
      %run_scoped3A_116 = tpu.sem_alloc : memref<!tpu.dma_semaphore, #tpu.memory_space<semaphore_mem>>
      %dma_start3A_117 = arith.constant 0 : i32
      %dma_start3A_118 = tpu.memref_slice %arg5[%arg0, %mul3A_115, %dma_start3A_117] : memref<2x10240x128xf32, #tpu.memory_space<hbm>> -> memref<1x640x128xf32, #tpu.memory_space<hbm>>
      %dma_start3A_119 = tpu.memref_squeeze %dma_start3A_118 : memref<1x640x128xf32, #tpu.memory_space<hbm>> -> memref<640x128xf32, #tpu.memory_space<hbm>>
      %dma_start3A_120 = arith.constant 0 : i32
      %dma_start3A_121 = tpu.memref_slice %arg9[%mul3A_113, %dma_start3A_120] : memref<10240x128xf32, #tpu.memory_space<vmem_shared>> -> memref<640x128xf32, #tpu.memory_space<vmem_shared>>
      tpu.enqueue_dma source(%dma_start3A_121 : memref<640x128xf32, #tpu.memory_space<vmem_shared>>) target(%dma_start3A_119 : memref<640x128xf32, #tpu.memory_space<hbm>>) target_semaphore(%run_scoped3A_116 : memref<!tpu.dma_semaphore, #tpu.memory_space<semaphore_mem>>)
      %dma_wait3A = arith.constant 0 : i32
      %dma_wait3A_122 = tpu.memref_slice %arg5[%arg0, %mul3A_115, %dma_wait3A] : memref<2x10240x128xf32, #tpu.memory_space<hbm>> -> memref<1x640x128xf32, #tpu.memory_space<hbm>>
      %dma_wait3A_123 = tpu.memref_squeeze %dma_wait3A_122 : memref<1x640x128xf32, #tpu.memory_space<hbm>> -> memref<640x128xf32, #tpu.memory_space<hbm>>
      %dma_wait3A_124 = arith.constant 0 : i32
      %dma_wait3A_125 = tpu.memref_slice %arg9[%mul3A_113, %dma_wait3A_124] : memref<10240x128xf32, #tpu.memory_space<vmem_shared>> -> memref<640x128xf32, #tpu.memory_space<vmem_shared>>
      tpu.wait_dma2 semaphore(%run_scoped3A_116 : memref<!tpu.dma_semaphore, #tpu.memory_space<semaphore_mem>>) src(%dma_wait3A_125 : memref<640x128xf32, #tpu.memory_space<vmem_shared>>) dst(%dma_wait3A_123 : memref<640x128xf32, #tpu.memory_space<hbm>>)
      tpu.yield
    }) : () -> ()
    return
  }
}

#map = affine_map<(d0, d1) -> (0, 0)>
#map1 = affine_map<(d0, d1) -> (0, 0, 0)>
module attributes {stable_mosaic.version = 14 : i64} {
  func.func @propagate(%arg0: i32, %arg1: i32, %arg2: memref<10240x128xf32, #tpu.memory_space<hbm>>, %arg3: memref<32x160x64xi32, #tpu.memory_space<hbm>>, %arg4: memref<32x160x64xi32, #tpu.memory_space<hbm>>, %arg5: memref<2x10240x128xf32, #tpu.memory_space<hbm>>, %arg6: memref<80x64xi32, #tpu.memory_space<vmem>>, %arg7: memref<80x64xi32, #tpu.memory_space<vmem>>, %arg8: memref<2x64x128xf32, #tpu.memory_space<vmem>>, %arg9: memref<10240x128xf32, #tpu.memory_space<vmem_shared>>, %arg10: memref<!tpu.dma_semaphore, #tpu.memory_space<semaphore_mem>>, %arg11: memref<!tpu.dma_semaphore, #tpu.memory_space<semaphore_mem>>, %arg12: memref<!tpu.dma_semaphore, #tpu.memory_space<semaphore_mem>>, %arg13: memref<!tpu.dma_semaphore, #tpu.memory_space<semaphore_mem>>) attributes {dimension_semantics = [#tpu.dimension_semantics<core_parallel>, #tpu.dimension_semantics<subcore_parallel>], iteration_bounds = array<i64: 2, 16>, scalar_prefetch = 0 : i64, scratch_operands = 8 : i64, tpu.core_type = #tpu.core_type<sc_vector_subcore>, window_params = [{transform_indices = #map}, {transform_indices = #map1}, {transform_indices = #map1}, {transform_indices = #map1}]} {
    %mul3A = arith.constant 16 : i32
    %mul3A_0 = arith.muli %arg0, %mul3A : i32
    %add3A = arith.addi %mul3A_0, %arg1 : i32
    %scan3A = arith.constant 0 : i32
    %scan3A_1 = arith.constant 64 : i32
    %scan3A_2 = arith.addi %scan3A, %scan3A_1 : i32
    %scan3A_3 = arith.constant 1 : i32
    scf.for %scan3A_116 = %scan3A to %scan3A_2 step %scan3A_3  : i32 {
      %mul3A_117 = arith.constant 1 : i32
      %mul3A_118 = arith.muli %scan3A_116, %mul3A_117 : i32
      %add3A_119 = arith.constant 0 : i32
      %add3A_120 = arith.addi %add3A_119, %mul3A_118 : i32
      %broadcast_in_dim3A = arith.constant 0.000000e+00 : f32
      %broadcast_in_dim3A_121 = vector.broadcast %broadcast_in_dim3A : f32 to vector<16xf32>
      %swap3A = arith.constant 0 : i32
      %swap3A_122 = arith.index_cast %swap3A : i32 to index
      %swap3A_123 = arith.index_cast %add3A_120 : i32 to index
      %swap3A_124 = arith.constant 0 : index
      %swap3A_125 = tpu.vector_load %arg8[%swap3A_122, %swap3A_123, %swap3A_124] {strides = array<i32>} : memref<2x64x128xf32, #tpu.memory_space<vmem>>, vector<16xf32>,
      tpu.vector_store %arg8[%swap3A_122, %swap3A_123, %swap3A_124], %broadcast_in_dim3A_121 {strides = array<i32>} : memref<2x64x128xf32, #tpu.memory_space<vmem>>, vector<16xf32>,
      %broadcast_in_dim3A_126 = arith.constant 0.000000e+00 : f32
      %broadcast_in_dim3A_127 = vector.broadcast %broadcast_in_dim3A_126 : f32 to vector<16xf32>
      %swap3A_128 = arith.constant 0 : i32
      %swap3A_129 = arith.index_cast %swap3A_128 : i32 to index
      %swap3A_130 = arith.index_cast %add3A_120 : i32 to index
      %swap3A_131 = arith.constant 16 : index
      %swap3A_132 = tpu.vector_load %arg8[%swap3A_129, %swap3A_130, %swap3A_131] {strides = array<i32>} : memref<2x64x128xf32, #tpu.memory_space<vmem>>, vector<16xf32>,
      tpu.vector_store %arg8[%swap3A_129, %swap3A_130, %swap3A_131], %broadcast_in_dim3A_127 {strides = array<i32>} : memref<2x64x128xf32, #tpu.memory_space<vmem>>, vector<16xf32>,
      %broadcast_in_dim3A_133 = arith.constant 0.000000e+00 : f32
      %broadcast_in_dim3A_134 = vector.broadcast %broadcast_in_dim3A_133 : f32 to vector<16xf32>
      %swap3A_135 = arith.constant 0 : i32
      %swap3A_136 = arith.index_cast %swap3A_135 : i32 to index
      %swap3A_137 = arith.index_cast %add3A_120 : i32 to index
      %swap3A_138 = arith.constant 32 : index
      %swap3A_139 = tpu.vector_load %arg8[%swap3A_136, %swap3A_137, %swap3A_138] {strides = array<i32>} : memref<2x64x128xf32, #tpu.memory_space<vmem>>, vector<16xf32>,
      tpu.vector_store %arg8[%swap3A_136, %swap3A_137, %swap3A_138], %broadcast_in_dim3A_134 {strides = array<i32>} : memref<2x64x128xf32, #tpu.memory_space<vmem>>, vector<16xf32>,
      %broadcast_in_dim3A_140 = arith.constant 0.000000e+00 : f32
      %broadcast_in_dim3A_141 = vector.broadcast %broadcast_in_dim3A_140 : f32 to vector<16xf32>
      %swap3A_142 = arith.constant 0 : i32
      %swap3A_143 = arith.index_cast %swap3A_142 : i32 to index
      %swap3A_144 = arith.index_cast %add3A_120 : i32 to index
      %swap3A_145 = arith.constant 48 : index
      %swap3A_146 = tpu.vector_load %arg8[%swap3A_143, %swap3A_144, %swap3A_145] {strides = array<i32>} : memref<2x64x128xf32, #tpu.memory_space<vmem>>, vector<16xf32>,
      tpu.vector_store %arg8[%swap3A_143, %swap3A_144, %swap3A_145], %broadcast_in_dim3A_141 {strides = array<i32>} : memref<2x64x128xf32, #tpu.memory_space<vmem>>, vector<16xf32>,
      %broadcast_in_dim3A_147 = arith.constant 0.000000e+00 : f32
      %broadcast_in_dim3A_148 = vector.broadcast %broadcast_in_dim3A_147 : f32 to vector<16xf32>
      %swap3A_149 = arith.constant 0 : i32
      %swap3A_150 = arith.index_cast %swap3A_149 : i32 to index
      %swap3A_151 = arith.index_cast %add3A_120 : i32 to index
      %swap3A_152 = arith.constant 64 : index
      %swap3A_153 = tpu.vector_load %arg8[%swap3A_150, %swap3A_151, %swap3A_152] {strides = array<i32>} : memref<2x64x128xf32, #tpu.memory_space<vmem>>, vector<16xf32>,
      tpu.vector_store %arg8[%swap3A_150, %swap3A_151, %swap3A_152], %broadcast_in_dim3A_148 {strides = array<i32>} : memref<2x64x128xf32, #tpu.memory_space<vmem>>, vector<16xf32>,
      %broadcast_in_dim3A_154 = arith.constant 0.000000e+00 : f32
      %broadcast_in_dim3A_155 = vector.broadcast %broadcast_in_dim3A_154 : f32 to vector<16xf32>
      %swap3A_156 = arith.constant 0 : i32
      %swap3A_157 = arith.index_cast %swap3A_156 : i32 to index
      %swap3A_158 = arith.index_cast %add3A_120 : i32 to index
      %swap3A_159 = arith.constant 80 : index
      %swap3A_160 = tpu.vector_load %arg8[%swap3A_157, %swap3A_158, %swap3A_159] {strides = array<i32>} : memref<2x64x128xf32, #tpu.memory_space<vmem>>, vector<16xf32>,
      tpu.vector_store %arg8[%swap3A_157, %swap3A_158, %swap3A_159], %broadcast_in_dim3A_155 {strides = array<i32>} : memref<2x64x128xf32, #tpu.memory_space<vmem>>, vector<16xf32>,
      %broadcast_in_dim3A_161 = arith.constant 0.000000e+00 : f32
      %broadcast_in_dim3A_162 = vector.broadcast %broadcast_in_dim3A_161 : f32 to vector<16xf32>
      %swap3A_163 = arith.constant 0 : i32
      %swap3A_164 = arith.index_cast %swap3A_163 : i32 to index
      %swap3A_165 = arith.index_cast %add3A_120 : i32 to index
      %swap3A_166 = arith.constant 96 : index
      %swap3A_167 = tpu.vector_load %arg8[%swap3A_164, %swap3A_165, %swap3A_166] {strides = array<i32>} : memref<2x64x128xf32, #tpu.memory_space<vmem>>, vector<16xf32>,
      tpu.vector_store %arg8[%swap3A_164, %swap3A_165, %swap3A_166], %broadcast_in_dim3A_162 {strides = array<i32>} : memref<2x64x128xf32, #tpu.memory_space<vmem>>, vector<16xf32>,
      %broadcast_in_dim3A_168 = arith.constant 0.000000e+00 : f32
      %broadcast_in_dim3A_169 = vector.broadcast %broadcast_in_dim3A_168 : f32 to vector<16xf32>
      %swap3A_170 = arith.constant 0 : i32
      %swap3A_171 = arith.index_cast %swap3A_170 : i32 to index
      %swap3A_172 = arith.index_cast %add3A_120 : i32 to index
      %swap3A_173 = arith.constant 112 : index
      %swap3A_174 = tpu.vector_load %arg8[%swap3A_171, %swap3A_172, %swap3A_173] {strides = array<i32>} : memref<2x64x128xf32, #tpu.memory_space<vmem>>, vector<16xf32>,
      tpu.vector_store %arg8[%swap3A_171, %swap3A_172, %swap3A_173], %broadcast_in_dim3A_169 {strides = array<i32>} : memref<2x64x128xf32, #tpu.memory_space<vmem>>, vector<16xf32>,
    }
    %scan3A_4 = arith.constant 64 : i32
    %mul3A_5 = arith.constant 640 : i32
    %mul3A_6 = arith.muli %arg1, %mul3A_5 : i32
    %add3A_7 = arith.constant 0 : i32
    %add3A_8 = arith.addi %mul3A_6, %add3A_7 : i32
    %run_scoped3A = arith.constant 0 : i32
    "tpu.region"() ({
      %run_scoped3A_116 = tpu.sem_alloc : memref<!tpu.dma_semaphore, #tpu.memory_space<semaphore_mem>>
      %dma_start3A_117 = arith.constant 0 : i32
      %dma_start3A_118 = arith.constant 0 : i32
      %dma_start3A_119 = tpu.memref_slice %arg8[%run_scoped3A, %dma_start3A_117, %dma_start3A_118] : memref<2x64x128xf32, #tpu.memory_space<vmem>> -> memref<1x64x128xf32, #tpu.memory_space<vmem>>
      %dma_start3A_120 = tpu.memref_squeeze %dma_start3A_119 : memref<1x64x128xf32, #tpu.memory_space<vmem>> -> memref<64x128xf32, #tpu.memory_space<vmem>>
      %dma_start3A_121 = arith.constant 0 : i32
      %dma_start3A_122 = tpu.memref_slice %arg9[%add3A_8, %dma_start3A_121] : memref<10240x128xf32, #tpu.memory_space<vmem_shared>> -> memref<64x128xf32, #tpu.memory_space<vmem_shared>>
      %dma_start3A_123 = arith.constant 0 : i32
      %dma_start3A_124 = tpu.memref_slice %arg9[%add3A_8, %dma_start3A_123] : memref<10240x128xf32, #tpu.memory_space<vmem_shared>> -> memref<64x128xf32, #tpu.memory_space<vmem_shared>>
      %dma_start3A_125 = arith.constant 0 : i32
      %dma_start3A_126 = arith.constant 0 : i32
      %dma_start3A_127 = tpu.memref_slice %arg8[%run_scoped3A, %dma_start3A_125, %dma_start3A_126] : memref<2x64x128xf32, #tpu.memory_space<vmem>> -> memref<1x64x128xf32, #tpu.memory_space<vmem>>
      %dma_start3A_128 = tpu.memref_squeeze %dma_start3A_127 : memref<1x64x128xf32, #tpu.memory_space<vmem>> -> memref<64x128xf32, #tpu.memory_space<vmem>>
      tpu.enqueue_dma source(%dma_start3A_128 : memref<64x128xf32, #tpu.memory_space<vmem>>) target(%dma_start3A_124 : memref<64x128xf32, #tpu.memory_space<vmem_shared>>) target_semaphore(%run_scoped3A_116 : memref<!tpu.dma_semaphore, #tpu.memory_space<semaphore_mem>>)
      %dma_wait3A = arith.constant 0 : i32
      %dma_wait3A_129 = arith.constant 0 : i32
      %dma_wait3A_130 = tpu.memref_slice %arg8[%run_scoped3A, %dma_wait3A, %dma_wait3A_129] : memref<2x64x128xf32, #tpu.memory_space<vmem>> -> memref<1x64x128xf32, #tpu.memory_space<vmem>>
      %dma_wait3A_131 = tpu.memref_squeeze %dma_wait3A_130 : memref<1x64x128xf32, #tpu.memory_space<vmem>> -> memref<64x128xf32, #tpu.memory_space<vmem>>
      %dma_wait3A_132 = arith.constant 0 : i32
      %dma_wait3A_133 = tpu.memref_slice %arg9[%add3A_8, %dma_wait3A_132] : memref<10240x128xf32, #tpu.memory_space<vmem_shared>> -> memref<64x128xf32, #tpu.memory_space<vmem_shared>>
      %dma_wait3A_134 = arith.constant 0 : i32
      %dma_wait3A_135 = tpu.memref_slice %arg9[%add3A_8, %dma_wait3A_134] : memref<10240x128xf32, #tpu.memory_space<vmem_shared>> -> memref<64x128xf32, #tpu.memory_space<vmem_shared>>
      %dma_wait3A_136 = arith.constant 0 : i32
      %dma_wait3A_137 = arith.constant 0 : i32
      %dma_wait3A_138 = tpu.memref_slice %arg8[%run_scoped3A, %dma_wait3A_136, %dma_wait3A_137] : memref<2x64x128xf32, #tpu.memory_space<vmem>> -> memref<1x64x128xf32, #tpu.memory_space<vmem>>
      %dma_wait3A_139 = tpu.memref_squeeze %dma_wait3A_138 : memref<1x64x128xf32, #tpu.memory_space<vmem>> -> memref<64x128xf32, #tpu.memory_space<vmem>>
      tpu.wait_dma2 semaphore(%run_scoped3A_116 : memref<!tpu.dma_semaphore, #tpu.memory_space<semaphore_mem>>) src(%dma_wait3A_139 : memref<64x128xf32, #tpu.memory_space<vmem>>) dst(%dma_wait3A_135 : memref<64x128xf32, #tpu.memory_space<vmem_shared>>)
      tpu.yield
    }) : () -> ()
    %mul3A_9 = arith.constant 640 : i32
    %mul3A_10 = arith.muli %arg1, %mul3A_9 : i32
    %add3A_11 = arith.constant 64 : i32
    %add3A_12 = arith.addi %mul3A_10, %add3A_11 : i32
    %run_scoped3A_13 = arith.constant 0 : i32
    "tpu.region"() ({
      %run_scoped3A_116 = tpu.sem_alloc : memref<!tpu.dma_semaphore, #tpu.memory_space<semaphore_mem>>
      %dma_start3A_117 = arith.constant 0 : i32
      %dma_start3A_118 = arith.constant 0 : i32
      %dma_start3A_119 = tpu.memref_slice %arg8[%run_scoped3A_13, %dma_start3A_117, %dma_start3A_118] : memref<2x64x128xf32, #tpu.memory_space<vmem>> -> memref<1x64x128xf32, #tpu.memory_space<vmem>>
      %dma_start3A_120 = tpu.memref_squeeze %dma_start3A_119 : memref<1x64x128xf32, #tpu.memory_space<vmem>> -> memref<64x128xf32, #tpu.memory_space<vmem>>
      %dma_start3A_121 = arith.constant 0 : i32
      %dma_start3A_122 = tpu.memref_slice %arg9[%add3A_12, %dma_start3A_121] : memref<10240x128xf32, #tpu.memory_space<vmem_shared>> -> memref<64x128xf32, #tpu.memory_space<vmem_shared>>
      %dma_start3A_123 = arith.constant 0 : i32
      %dma_start3A_124 = tpu.memref_slice %arg9[%add3A_12, %dma_start3A_123] : memref<10240x128xf32, #tpu.memory_space<vmem_shared>> -> memref<64x128xf32, #tpu.memory_space<vmem_shared>>
      %dma_start3A_125 = arith.constant 0 : i32
      %dma_start3A_126 = arith.constant 0 : i32
      %dma_start3A_127 = tpu.memref_slice %arg8[%run_scoped3A_13, %dma_start3A_125, %dma_start3A_126] : memref<2x64x128xf32, #tpu.memory_space<vmem>> -> memref<1x64x128xf32, #tpu.memory_space<vmem>>
      %dma_start3A_128 = tpu.memref_squeeze %dma_start3A_127 : memref<1x64x128xf32, #tpu.memory_space<vmem>> -> memref<64x128xf32, #tpu.memory_space<vmem>>
      tpu.enqueue_dma source(%dma_start3A_128 : memref<64x128xf32, #tpu.memory_space<vmem>>) target(%dma_start3A_124 : memref<64x128xf32, #tpu.memory_space<vmem_shared>>) target_semaphore(%run_scoped3A_116 : memref<!tpu.dma_semaphore, #tpu.memory_space<semaphore_mem>>)
      %dma_wait3A = arith.constant 0 : i32
      %dma_wait3A_129 = arith.constant 0 : i32
      %dma_wait3A_130 = tpu.memref_slice %arg8[%run_scoped3A_13, %dma_wait3A, %dma_wait3A_129] : memref<2x64x128xf32, #tpu.memory_space<vmem>> -> memref<1x64x128xf32, #tpu.memory_space<vmem>>
      %dma_wait3A_131 = tpu.memref_squeeze %dma_wait3A_130 : memref<1x64x128xf32, #tpu.memory_space<vmem>> -> memref<64x128xf32, #tpu.memory_space<vmem>>
      %dma_wait3A_132 = arith.constant 0 : i32
      %dma_wait3A_133 = tpu.memref_slice %arg9[%add3A_12, %dma_wait3A_132] : memref<10240x128xf32, #tpu.memory_space<vmem_shared>> -> memref<64x128xf32, #tpu.memory_space<vmem_shared>>
      %dma_wait3A_134 = arith.constant 0 : i32
      %dma_wait3A_135 = tpu.memref_slice %arg9[%add3A_12, %dma_wait3A_134] : memref<10240x128xf32, #tpu.memory_space<vmem_shared>> -> memref<64x128xf32, #tpu.memory_space<vmem_shared>>
      %dma_wait3A_136 = arith.constant 0 : i32
      %dma_wait3A_137 = arith.constant 0 : i32
      %dma_wait3A_138 = tpu.memref_slice %arg8[%run_scoped3A_13, %dma_wait3A_136, %dma_wait3A_137] : memref<2x64x128xf32, #tpu.memory_space<vmem>> -> memref<1x64x128xf32, #tpu.memory_space<vmem>>
      %dma_wait3A_139 = tpu.memref_squeeze %dma_wait3A_138 : memref<1x64x128xf32, #tpu.memory_space<vmem>> -> memref<64x128xf32, #tpu.memory_space<vmem>>
      tpu.wait_dma2 semaphore(%run_scoped3A_116 : memref<!tpu.dma_semaphore, #tpu.memory_space<semaphore_mem>>) src(%dma_wait3A_139 : memref<64x128xf32, #tpu.memory_space<vmem>>) dst(%dma_wait3A_135 : memref<64x128xf32, #tpu.memory_space<vmem_shared>>)
      tpu.yield
    }) : () -> ()
    %mul3A_14 = arith.constant 640 : i32
    %mul3A_15 = arith.muli %arg1, %mul3A_14 : i32
    %add3A_16 = arith.constant 128 : i32
    %add3A_17 = arith.addi %mul3A_15, %add3A_16 : i32
    %run_scoped3A_18 = arith.constant 0 : i32
    "tpu.region"() ({
      %run_scoped3A_116 = tpu.sem_alloc : memref<!tpu.dma_semaphore, #tpu.memory_space<semaphore_mem>>
      %dma_start3A_117 = arith.constant 0 : i32
      %dma_start3A_118 = arith.constant 0 : i32
      %dma_start3A_119 = tpu.memref_slice %arg8[%run_scoped3A_18, %dma_start3A_117, %dma_start3A_118] : memref<2x64x128xf32, #tpu.memory_space<vmem>> -> memref<1x64x128xf32, #tpu.memory_space<vmem>>
      %dma_start3A_120 = tpu.memref_squeeze %dma_start3A_119 : memref<1x64x128xf32, #tpu.memory_space<vmem>> -> memref<64x128xf32, #tpu.memory_space<vmem>>
      %dma_start3A_121 = arith.constant 0 : i32
      %dma_start3A_122 = tpu.memref_slice %arg9[%add3A_17, %dma_start3A_121] : memref<10240x128xf32, #tpu.memory_space<vmem_shared>> -> memref<64x128xf32, #tpu.memory_space<vmem_shared>>
      %dma_start3A_123 = arith.constant 0 : i32
      %dma_start3A_124 = tpu.memref_slice %arg9[%add3A_17, %dma_start3A_123] : memref<10240x128xf32, #tpu.memory_space<vmem_shared>> -> memref<64x128xf32, #tpu.memory_space<vmem_shared>>
      %dma_start3A_125 = arith.constant 0 : i32
      %dma_start3A_126 = arith.constant 0 : i32
      %dma_start3A_127 = tpu.memref_slice %arg8[%run_scoped3A_18, %dma_start3A_125, %dma_start3A_126] : memref<2x64x128xf32, #tpu.memory_space<vmem>> -> memref<1x64x128xf32, #tpu.memory_space<vmem>>
      %dma_start3A_128 = tpu.memref_squeeze %dma_start3A_127 : memref<1x64x128xf32, #tpu.memory_space<vmem>> -> memref<64x128xf32, #tpu.memory_space<vmem>>
      tpu.enqueue_dma source(%dma_start3A_128 : memref<64x128xf32, #tpu.memory_space<vmem>>) target(%dma_start3A_124 : memref<64x128xf32, #tpu.memory_space<vmem_shared>>) target_semaphore(%run_scoped3A_116 : memref<!tpu.dma_semaphore, #tpu.memory_space<semaphore_mem>>)
      %dma_wait3A = arith.constant 0 : i32
      %dma_wait3A_129 = arith.constant 0 : i32
      %dma_wait3A_130 = tpu.memref_slice %arg8[%run_scoped3A_18, %dma_wait3A, %dma_wait3A_129] : memref<2x64x128xf32, #tpu.memory_space<vmem>> -> memref<1x64x128xf32, #tpu.memory_space<vmem>>
      %dma_wait3A_131 = tpu.memref_squeeze %dma_wait3A_130 : memref<1x64x128xf32, #tpu.memory_space<vmem>> -> memref<64x128xf32, #tpu.memory_space<vmem>>
      %dma_wait3A_132 = arith.constant 0 : i32
      %dma_wait3A_133 = tpu.memref_slice %arg9[%add3A_17, %dma_wait3A_132] : memref<10240x128xf32, #tpu.memory_space<vmem_shared>> -> memref<64x128xf32, #tpu.memory_space<vmem_shared>>
      %dma_wait3A_134 = arith.constant 0 : i32
      %dma_wait3A_135 = tpu.memref_slice %arg9[%add3A_17, %dma_wait3A_134] : memref<10240x128xf32, #tpu.memory_space<vmem_shared>> -> memref<64x128xf32, #tpu.memory_space<vmem_shared>>
      %dma_wait3A_136 = arith.constant 0 : i32
      %dma_wait3A_137 = arith.constant 0 : i32
      %dma_wait3A_138 = tpu.memref_slice %arg8[%run_scoped3A_18, %dma_wait3A_136, %dma_wait3A_137] : memref<2x64x128xf32, #tpu.memory_space<vmem>> -> memref<1x64x128xf32, #tpu.memory_space<vmem>>
      %dma_wait3A_139 = tpu.memref_squeeze %dma_wait3A_138 : memref<1x64x128xf32, #tpu.memory_space<vmem>> -> memref<64x128xf32, #tpu.memory_space<vmem>>
      tpu.wait_dma2 semaphore(%run_scoped3A_116 : memref<!tpu.dma_semaphore, #tpu.memory_space<semaphore_mem>>) src(%dma_wait3A_139 : memref<64x128xf32, #tpu.memory_space<vmem>>) dst(%dma_wait3A_135 : memref<64x128xf32, #tpu.memory_space<vmem_shared>>)
      tpu.yield
    }) : () -> ()
    %mul3A_19 = arith.constant 640 : i32
    %mul3A_20 = arith.muli %arg1, %mul3A_19 : i32
    %add3A_21 = arith.constant 192 : i32
    %add3A_22 = arith.addi %mul3A_20, %add3A_21 : i32
    %run_scoped3A_23 = arith.constant 0 : i32
    "tpu.region"() ({
      %run_scoped3A_116 = tpu.sem_alloc : memref<!tpu.dma_semaphore, #tpu.memory_space<semaphore_mem>>
      %dma_start3A_117 = arith.constant 0 : i32
      %dma_start3A_118 = arith.constant 0 : i32
      %dma_start3A_119 = tpu.memref_slice %arg8[%run_scoped3A_23, %dma_start3A_117, %dma_start3A_118] : memref<2x64x128xf32, #tpu.memory_space<vmem>> -> memref<1x64x128xf32, #tpu.memory_space<vmem>>
      %dma_start3A_120 = tpu.memref_squeeze %dma_start3A_119 : memref<1x64x128xf32, #tpu.memory_space<vmem>> -> memref<64x128xf32, #tpu.memory_space<vmem>>
      %dma_start3A_121 = arith.constant 0 : i32
      %dma_start3A_122 = tpu.memref_slice %arg9[%add3A_22, %dma_start3A_121] : memref<10240x128xf32, #tpu.memory_space<vmem_shared>> -> memref<64x128xf32, #tpu.memory_space<vmem_shared>>
      %dma_start3A_123 = arith.constant 0 : i32
      %dma_start3A_124 = tpu.memref_slice %arg9[%add3A_22, %dma_start3A_123] : memref<10240x128xf32, #tpu.memory_space<vmem_shared>> -> memref<64x128xf32, #tpu.memory_space<vmem_shared>>
      %dma_start3A_125 = arith.constant 0 : i32
      %dma_start3A_126 = arith.constant 0 : i32
      %dma_start3A_127 = tpu.memref_slice %arg8[%run_scoped3A_23, %dma_start3A_125, %dma_start3A_126] : memref<2x64x128xf32, #tpu.memory_space<vmem>> -> memref<1x64x128xf32, #tpu.memory_space<vmem>>
      %dma_start3A_128 = tpu.memref_squeeze %dma_start3A_127 : memref<1x64x128xf32, #tpu.memory_space<vmem>> -> memref<64x128xf32, #tpu.memory_space<vmem>>
      tpu.enqueue_dma source(%dma_start3A_128 : memref<64x128xf32, #tpu.memory_space<vmem>>) target(%dma_start3A_124 : memref<64x128xf32, #tpu.memory_space<vmem_shared>>) target_semaphore(%run_scoped3A_116 : memref<!tpu.dma_semaphore, #tpu.memory_space<semaphore_mem>>)
      %dma_wait3A = arith.constant 0 : i32
      %dma_wait3A_129 = arith.constant 0 : i32
      %dma_wait3A_130 = tpu.memref_slice %arg8[%run_scoped3A_23, %dma_wait3A, %dma_wait3A_129] : memref<2x64x128xf32, #tpu.memory_space<vmem>> -> memref<1x64x128xf32, #tpu.memory_space<vmem>>
      %dma_wait3A_131 = tpu.memref_squeeze %dma_wait3A_130 : memref<1x64x128xf32, #tpu.memory_space<vmem>> -> memref<64x128xf32, #tpu.memory_space<vmem>>
      %dma_wait3A_132 = arith.constant 0 : i32
      %dma_wait3A_133 = tpu.memref_slice %arg9[%add3A_22, %dma_wait3A_132] : memref<10240x128xf32, #tpu.memory_space<vmem_shared>> -> memref<64x128xf32, #tpu.memory_space<vmem_shared>>
      %dma_wait3A_134 = arith.constant 0 : i32
      %dma_wait3A_135 = tpu.memref_slice %arg9[%add3A_22, %dma_wait3A_134] : memref<10240x128xf32, #tpu.memory_space<vmem_shared>> -> memref<64x128xf32, #tpu.memory_space<vmem_shared>>
      %dma_wait3A_136 = arith.constant 0 : i32
      %dma_wait3A_137 = arith.constant 0 : i32
      %dma_wait3A_138 = tpu.memref_slice %arg8[%run_scoped3A_23, %dma_wait3A_136, %dma_wait3A_137] : memref<2x64x128xf32, #tpu.memory_space<vmem>> -> memref<1x64x128xf32, #tpu.memory_space<vmem>>
      %dma_wait3A_139 = tpu.memref_squeeze %dma_wait3A_138 : memref<1x64x128xf32, #tpu.memory_space<vmem>> -> memref<64x128xf32, #tpu.memory_space<vmem>>
      tpu.wait_dma2 semaphore(%run_scoped3A_116 : memref<!tpu.dma_semaphore, #tpu.memory_space<semaphore_mem>>) src(%dma_wait3A_139 : memref<64x128xf32, #tpu.memory_space<vmem>>) dst(%dma_wait3A_135 : memref<64x128xf32, #tpu.memory_space<vmem_shared>>)
      tpu.yield
    }) : () -> ()
    %mul3A_24 = arith.constant 640 : i32
    %mul3A_25 = arith.muli %arg1, %mul3A_24 : i32
    %add3A_26 = arith.constant 256 : i32
    %add3A_27 = arith.addi %mul3A_25, %add3A_26 : i32
    %run_scoped3A_28 = arith.constant 0 : i32
    "tpu.region"() ({
      %run_scoped3A_116 = tpu.sem_alloc : memref<!tpu.dma_semaphore, #tpu.memory_space<semaphore_mem>>
      %dma_start3A_117 = arith.constant 0 : i32
      %dma_start3A_118 = arith.constant 0 : i32
      %dma_start3A_119 = tpu.memref_slice %arg8[%run_scoped3A_28, %dma_start3A_117, %dma_start3A_118] : memref<2x64x128xf32, #tpu.memory_space<vmem>> -> memref<1x64x128xf32, #tpu.memory_space<vmem>>
      %dma_start3A_120 = tpu.memref_squeeze %dma_start3A_119 : memref<1x64x128xf32, #tpu.memory_space<vmem>> -> memref<64x128xf32, #tpu.memory_space<vmem>>
      %dma_start3A_121 = arith.constant 0 : i32
      %dma_start3A_122 = tpu.memref_slice %arg9[%add3A_27, %dma_start3A_121] : memref<10240x128xf32, #tpu.memory_space<vmem_shared>> -> memref<64x128xf32, #tpu.memory_space<vmem_shared>>
      %dma_start3A_123 = arith.constant 0 : i32
      %dma_start3A_124 = tpu.memref_slice %arg9[%add3A_27, %dma_start3A_123] : memref<10240x128xf32, #tpu.memory_space<vmem_shared>> -> memref<64x128xf32, #tpu.memory_space<vmem_shared>>
      %dma_start3A_125 = arith.constant 0 : i32
      %dma_start3A_126 = arith.constant 0 : i32
      %dma_start3A_127 = tpu.memref_slice %arg8[%run_scoped3A_28, %dma_start3A_125, %dma_start3A_126] : memref<2x64x128xf32, #tpu.memory_space<vmem>> -> memref<1x64x128xf32, #tpu.memory_space<vmem>>
      %dma_start3A_128 = tpu.memref_squeeze %dma_start3A_127 : memref<1x64x128xf32, #tpu.memory_space<vmem>> -> memref<64x128xf32, #tpu.memory_space<vmem>>
      tpu.enqueue_dma source(%dma_start3A_128 : memref<64x128xf32, #tpu.memory_space<vmem>>) target(%dma_start3A_124 : memref<64x128xf32, #tpu.memory_space<vmem_shared>>) target_semaphore(%run_scoped3A_116 : memref<!tpu.dma_semaphore, #tpu.memory_space<semaphore_mem>>)
      %dma_wait3A = arith.constant 0 : i32
      %dma_wait3A_129 = arith.constant 0 : i32
      %dma_wait3A_130 = tpu.memref_slice %arg8[%run_scoped3A_28, %dma_wait3A, %dma_wait3A_129] : memref<2x64x128xf32, #tpu.memory_space<vmem>> -> memref<1x64x128xf32, #tpu.memory_space<vmem>>
      %dma_wait3A_131 = tpu.memref_squeeze %dma_wait3A_130 : memref<1x64x128xf32, #tpu.memory_space<vmem>> -> memref<64x128xf32, #tpu.memory_space<vmem>>
      %dma_wait3A_132 = arith.constant 0 : i32
      %dma_wait3A_133 = tpu.memref_slice %arg9[%add3A_27, %dma_wait3A_132] : memref<10240x128xf32, #tpu.memory_space<vmem_shared>> -> memref<64x128xf32, #tpu.memory_space<vmem_shared>>
      %dma_wait3A_134 = arith.constant 0 : i32
      %dma_wait3A_135 = tpu.memref_slice %arg9[%add3A_27, %dma_wait3A_134] : memref<10240x128xf32, #tpu.memory_space<vmem_shared>> -> memref<64x128xf32, #tpu.memory_space<vmem_shared>>
      %dma_wait3A_136 = arith.constant 0 : i32
      %dma_wait3A_137 = arith.constant 0 : i32
      %dma_wait3A_138 = tpu.memref_slice %arg8[%run_scoped3A_28, %dma_wait3A_136, %dma_wait3A_137] : memref<2x64x128xf32, #tpu.memory_space<vmem>> -> memref<1x64x128xf32, #tpu.memory_space<vmem>>
      %dma_wait3A_139 = tpu.memref_squeeze %dma_wait3A_138 : memref<1x64x128xf32, #tpu.memory_space<vmem>> -> memref<64x128xf32, #tpu.memory_space<vmem>>
      tpu.wait_dma2 semaphore(%run_scoped3A_116 : memref<!tpu.dma_semaphore, #tpu.memory_space<semaphore_mem>>) src(%dma_wait3A_139 : memref<64x128xf32, #tpu.memory_space<vmem>>) dst(%dma_wait3A_135 : memref<64x128xf32, #tpu.memory_space<vmem_shared>>)
      tpu.yield
    }) : () -> ()
    %mul3A_29 = arith.constant 640 : i32
    %mul3A_30 = arith.muli %arg1, %mul3A_29 : i32
    %add3A_31 = arith.constant 320 : i32
    %add3A_32 = arith.addi %mul3A_30, %add3A_31 : i32
    %run_scoped3A_33 = arith.constant 0 : i32
    "tpu.region"() ({
      %run_scoped3A_116 = tpu.sem_alloc : memref<!tpu.dma_semaphore, #tpu.memory_space<semaphore_mem>>
      %dma_start3A_117 = arith.constant 0 : i32
      %dma_start3A_118 = arith.constant 0 : i32
      %dma_start3A_119 = tpu.memref_slice %arg8[%run_scoped3A_33, %dma_start3A_117, %dma_start3A_118] : memref<2x64x128xf32, #tpu.memory_space<vmem>> -> memref<1x64x128xf32, #tpu.memory_space<vmem>>
      %dma_start3A_120 = tpu.memref_squeeze %dma_start3A_119 : memref<1x64x128xf32, #tpu.memory_space<vmem>> -> memref<64x128xf32, #tpu.memory_space<vmem>>
      %dma_start3A_121 = arith.constant 0 : i32
      %dma_start3A_122 = tpu.memref_slice %arg9[%add3A_32, %dma_start3A_121] : memref<10240x128xf32, #tpu.memory_space<vmem_shared>> -> memref<64x128xf32, #tpu.memory_space<vmem_shared>>
      %dma_start3A_123 = arith.constant 0 : i32
      %dma_start3A_124 = tpu.memref_slice %arg9[%add3A_32, %dma_start3A_123] : memref<10240x128xf32, #tpu.memory_space<vmem_shared>> -> memref<64x128xf32, #tpu.memory_space<vmem_shared>>
      %dma_start3A_125 = arith.constant 0 : i32
      %dma_start3A_126 = arith.constant 0 : i32
      %dma_start3A_127 = tpu.memref_slice %arg8[%run_scoped3A_33, %dma_start3A_125, %dma_start3A_126] : memref<2x64x128xf32, #tpu.memory_space<vmem>> -> memref<1x64x128xf32, #tpu.memory_space<vmem>>
      %dma_start3A_128 = tpu.memref_squeeze %dma_start3A_127 : memref<1x64x128xf32, #tpu.memory_space<vmem>> -> memref<64x128xf32, #tpu.memory_space<vmem>>
      tpu.enqueue_dma source(%dma_start3A_128 : memref<64x128xf32, #tpu.memory_space<vmem>>) target(%dma_start3A_124 : memref<64x128xf32, #tpu.memory_space<vmem_shared>>) target_semaphore(%run_scoped3A_116 : memref<!tpu.dma_semaphore, #tpu.memory_space<semaphore_mem>>)
      %dma_wait3A = arith.constant 0 : i32
      %dma_wait3A_129 = arith.constant 0 : i32
      %dma_wait3A_130 = tpu.memref_slice %arg8[%run_scoped3A_33, %dma_wait3A, %dma_wait3A_129] : memref<2x64x128xf32, #tpu.memory_space<vmem>> -> memref<1x64x128xf32, #tpu.memory_space<vmem>>
      %dma_wait3A_131 = tpu.memref_squeeze %dma_wait3A_130 : memref<1x64x128xf32, #tpu.memory_space<vmem>> -> memref<64x128xf32, #tpu.memory_space<vmem>>
      %dma_wait3A_132 = arith.constant 0 : i32
      %dma_wait3A_133 = tpu.memref_slice %arg9[%add3A_32, %dma_wait3A_132] : memref<10240x128xf32, #tpu.memory_space<vmem_shared>> -> memref<64x128xf32, #tpu.memory_space<vmem_shared>>
      %dma_wait3A_134 = arith.constant 0 : i32
      %dma_wait3A_135 = tpu.memref_slice %arg9[%add3A_32, %dma_wait3A_134] : memref<10240x128xf32, #tpu.memory_space<vmem_shared>> -> memref<64x128xf32, #tpu.memory_space<vmem_shared>>
      %dma_wait3A_136 = arith.constant 0 : i32
      %dma_wait3A_137 = arith.constant 0 : i32
      %dma_wait3A_138 = tpu.memref_slice %arg8[%run_scoped3A_33, %dma_wait3A_136, %dma_wait3A_137] : memref<2x64x128xf32, #tpu.memory_space<vmem>> -> memref<1x64x128xf32, #tpu.memory_space<vmem>>
      %dma_wait3A_139 = tpu.memref_squeeze %dma_wait3A_138 : memref<1x64x128xf32, #tpu.memory_space<vmem>> -> memref<64x128xf32, #tpu.memory_space<vmem>>
      tpu.wait_dma2 semaphore(%run_scoped3A_116 : memref<!tpu.dma_semaphore, #tpu.memory_space<semaphore_mem>>) src(%dma_wait3A_139 : memref<64x128xf32, #tpu.memory_space<vmem>>) dst(%dma_wait3A_135 : memref<64x128xf32, #tpu.memory_space<vmem_shared>>)
      tpu.yield
    }) : () -> ()
    %mul3A_34 = arith.constant 640 : i32
    %mul3A_35 = arith.muli %arg1, %mul3A_34 : i32
    %add3A_36 = arith.constant 384 : i32
    %add3A_37 = arith.addi %mul3A_35, %add3A_36 : i32
    %run_scoped3A_38 = arith.constant 0 : i32
    "tpu.region"() ({
      %run_scoped3A_116 = tpu.sem_alloc : memref<!tpu.dma_semaphore, #tpu.memory_space<semaphore_mem>>
      %dma_start3A_117 = arith.constant 0 : i32
      %dma_start3A_118 = arith.constant 0 : i32
      %dma_start3A_119 = tpu.memref_slice %arg8[%run_scoped3A_38, %dma_start3A_117, %dma_start3A_118] : memref<2x64x128xf32, #tpu.memory_space<vmem>> -> memref<1x64x128xf32, #tpu.memory_space<vmem>>
      %dma_start3A_120 = tpu.memref_squeeze %dma_start3A_119 : memref<1x64x128xf32, #tpu.memory_space<vmem>> -> memref<64x128xf32, #tpu.memory_space<vmem>>
      %dma_start3A_121 = arith.constant 0 : i32
      %dma_start3A_122 = tpu.memref_slice %arg9[%add3A_37, %dma_start3A_121] : memref<10240x128xf32, #tpu.memory_space<vmem_shared>> -> memref<64x128xf32, #tpu.memory_space<vmem_shared>>
      %dma_start3A_123 = arith.constant 0 : i32
      %dma_start3A_124 = tpu.memref_slice %arg9[%add3A_37, %dma_start3A_123] : memref<10240x128xf32, #tpu.memory_space<vmem_shared>> -> memref<64x128xf32, #tpu.memory_space<vmem_shared>>
      %dma_start3A_125 = arith.constant 0 : i32
      %dma_start3A_126 = arith.constant 0 : i32
      %dma_start3A_127 = tpu.memref_slice %arg8[%run_scoped3A_38, %dma_start3A_125, %dma_start3A_126] : memref<2x64x128xf32, #tpu.memory_space<vmem>> -> memref<1x64x128xf32, #tpu.memory_space<vmem>>
      %dma_start3A_128 = tpu.memref_squeeze %dma_start3A_127 : memref<1x64x128xf32, #tpu.memory_space<vmem>> -> memref<64x128xf32, #tpu.memory_space<vmem>>
      tpu.enqueue_dma source(%dma_start3A_128 : memref<64x128xf32, #tpu.memory_space<vmem>>) target(%dma_start3A_124 : memref<64x128xf32, #tpu.memory_space<vmem_shared>>) target_semaphore(%run_scoped3A_116 : memref<!tpu.dma_semaphore, #tpu.memory_space<semaphore_mem>>)
      %dma_wait3A = arith.constant 0 : i32
      %dma_wait3A_129 = arith.constant 0 : i32
      %dma_wait3A_130 = tpu.memref_slice %arg8[%run_scoped3A_38, %dma_wait3A, %dma_wait3A_129] : memref<2x64x128xf32, #tpu.memory_space<vmem>> -> memref<1x64x128xf32, #tpu.memory_space<vmem>>
      %dma_wait3A_131 = tpu.memref_squeeze %dma_wait3A_130 : memref<1x64x128xf32, #tpu.memory_space<vmem>> -> memref<64x128xf32, #tpu.memory_space<vmem>>
      %dma_wait3A_132 = arith.constant 0 : i32
      %dma_wait3A_133 = tpu.memref_slice %arg9[%add3A_37, %dma_wait3A_132] : memref<10240x128xf32, #tpu.memory_space<vmem_shared>> -> memref<64x128xf32, #tpu.memory_space<vmem_shared>>
      %dma_wait3A_134 = arith.constant 0 : i32
      %dma_wait3A_135 = tpu.memref_slice %arg9[%add3A_37, %dma_wait3A_134] : memref<10240x128xf32, #tpu.memory_space<vmem_shared>> -> memref<64x128xf32, #tpu.memory_space<vmem_shared>>
      %dma_wait3A_136 = arith.constant 0 : i32
      %dma_wait3A_137 = arith.constant 0 : i32
      %dma_wait3A_138 = tpu.memref_slice %arg8[%run_scoped3A_38, %dma_wait3A_136, %dma_wait3A_137] : memref<2x64x128xf32, #tpu.memory_space<vmem>> -> memref<1x64x128xf32, #tpu.memory_space<vmem>>
      %dma_wait3A_139 = tpu.memref_squeeze %dma_wait3A_138 : memref<1x64x128xf32, #tpu.memory_space<vmem>> -> memref<64x128xf32, #tpu.memory_space<vmem>>
      tpu.wait_dma2 semaphore(%run_scoped3A_116 : memref<!tpu.dma_semaphore, #tpu.memory_space<semaphore_mem>>) src(%dma_wait3A_139 : memref<64x128xf32, #tpu.memory_space<vmem>>) dst(%dma_wait3A_135 : memref<64x128xf32, #tpu.memory_space<vmem_shared>>)
      tpu.yield
    }) : () -> ()
    %mul3A_39 = arith.constant 640 : i32
    %mul3A_40 = arith.muli %arg1, %mul3A_39 : i32
    %add3A_41 = arith.constant 448 : i32
    %add3A_42 = arith.addi %mul3A_40, %add3A_41 : i32
    %run_scoped3A_43 = arith.constant 0 : i32
    "tpu.region"() ({
      %run_scoped3A_116 = tpu.sem_alloc : memref<!tpu.dma_semaphore, #tpu.memory_space<semaphore_mem>>
      %dma_start3A_117 = arith.constant 0 : i32
      %dma_start3A_118 = arith.constant 0 : i32
      %dma_start3A_119 = tpu.memref_slice %arg8[%run_scoped3A_43, %dma_start3A_117, %dma_start3A_118] : memref<2x64x128xf32, #tpu.memory_space<vmem>> -> memref<1x64x128xf32, #tpu.memory_space<vmem>>
      %dma_start3A_120 = tpu.memref_squeeze %dma_start3A_119 : memref<1x64x128xf32, #tpu.memory_space<vmem>> -> memref<64x128xf32, #tpu.memory_space<vmem>>
      %dma_start3A_121 = arith.constant 0 : i32
      %dma_start3A_122 = tpu.memref_slice %arg9[%add3A_42, %dma_start3A_121] : memref<10240x128xf32, #tpu.memory_space<vmem_shared>> -> memref<64x128xf32, #tpu.memory_space<vmem_shared>>
      %dma_start3A_123 = arith.constant 0 : i32
      %dma_start3A_124 = tpu.memref_slice %arg9[%add3A_42, %dma_start3A_123] : memref<10240x128xf32, #tpu.memory_space<vmem_shared>> -> memref<64x128xf32, #tpu.memory_space<vmem_shared>>
      %dma_start3A_125 = arith.constant 0 : i32
      %dma_start3A_126 = arith.constant 0 : i32
      %dma_start3A_127 = tpu.memref_slice %arg8[%run_scoped3A_43, %dma_start3A_125, %dma_start3A_126] : memref<2x64x128xf32, #tpu.memory_space<vmem>> -> memref<1x64x128xf32, #tpu.memory_space<vmem>>
      %dma_start3A_128 = tpu.memref_squeeze %dma_start3A_127 : memref<1x64x128xf32, #tpu.memory_space<vmem>> -> memref<64x128xf32, #tpu.memory_space<vmem>>
      tpu.enqueue_dma source(%dma_start3A_128 : memref<64x128xf32, #tpu.memory_space<vmem>>) target(%dma_start3A_124 : memref<64x128xf32, #tpu.memory_space<vmem_shared>>) target_semaphore(%run_scoped3A_116 : memref<!tpu.dma_semaphore, #tpu.memory_space<semaphore_mem>>)
      %dma_wait3A = arith.constant 0 : i32
      %dma_wait3A_129 = arith.constant 0 : i32
      %dma_wait3A_130 = tpu.memref_slice %arg8[%run_scoped3A_43, %dma_wait3A, %dma_wait3A_129] : memref<2x64x128xf32, #tpu.memory_space<vmem>> -> memref<1x64x128xf32, #tpu.memory_space<vmem>>
      %dma_wait3A_131 = tpu.memref_squeeze %dma_wait3A_130 : memref<1x64x128xf32, #tpu.memory_space<vmem>> -> memref<64x128xf32, #tpu.memory_space<vmem>>
      %dma_wait3A_132 = arith.constant 0 : i32
      %dma_wait3A_133 = tpu.memref_slice %arg9[%add3A_42, %dma_wait3A_132] : memref<10240x128xf32, #tpu.memory_space<vmem_shared>> -> memref<64x128xf32, #tpu.memory_space<vmem_shared>>
      %dma_wait3A_134 = arith.constant 0 : i32
      %dma_wait3A_135 = tpu.memref_slice %arg9[%add3A_42, %dma_wait3A_134] : memref<10240x128xf32, #tpu.memory_space<vmem_shared>> -> memref<64x128xf32, #tpu.memory_space<vmem_shared>>
      %dma_wait3A_136 = arith.constant 0 : i32
      %dma_wait3A_137 = arith.constant 0 : i32
      %dma_wait3A_138 = tpu.memref_slice %arg8[%run_scoped3A_43, %dma_wait3A_136, %dma_wait3A_137] : memref<2x64x128xf32, #tpu.memory_space<vmem>> -> memref<1x64x128xf32, #tpu.memory_space<vmem>>
      %dma_wait3A_139 = tpu.memref_squeeze %dma_wait3A_138 : memref<1x64x128xf32, #tpu.memory_space<vmem>> -> memref<64x128xf32, #tpu.memory_space<vmem>>
      tpu.wait_dma2 semaphore(%run_scoped3A_116 : memref<!tpu.dma_semaphore, #tpu.memory_space<semaphore_mem>>) src(%dma_wait3A_139 : memref<64x128xf32, #tpu.memory_space<vmem>>) dst(%dma_wait3A_135 : memref<64x128xf32, #tpu.memory_space<vmem_shared>>)
      tpu.yield
    }) : () -> ()
    %mul3A_44 = arith.constant 640 : i32
    %mul3A_45 = arith.muli %arg1, %mul3A_44 : i32
    %add3A_46 = arith.constant 512 : i32
    %add3A_47 = arith.addi %mul3A_45, %add3A_46 : i32
    %run_scoped3A_48 = arith.constant 0 : i32
    "tpu.region"() ({
      %run_scoped3A_116 = tpu.sem_alloc : memref<!tpu.dma_semaphore, #tpu.memory_space<semaphore_mem>>
      %dma_start3A_117 = arith.constant 0 : i32
      %dma_start3A_118 = arith.constant 0 : i32
      %dma_start3A_119 = tpu.memref_slice %arg8[%run_scoped3A_48, %dma_start3A_117, %dma_start3A_118] : memref<2x64x128xf32, #tpu.memory_space<vmem>> -> memref<1x64x128xf32, #tpu.memory_space<vmem>>
      %dma_start3A_120 = tpu.memref_squeeze %dma_start3A_119 : memref<1x64x128xf32, #tpu.memory_space<vmem>> -> memref<64x128xf32, #tpu.memory_space<vmem>>
      %dma_start3A_121 = arith.constant 0 : i32
      %dma_start3A_122 = tpu.memref_slice %arg9[%add3A_47, %dma_start3A_121] : memref<10240x128xf32, #tpu.memory_space<vmem_shared>> -> memref<64x128xf32, #tpu.memory_space<vmem_shared>>
      %dma_start3A_123 = arith.constant 0 : i32
      %dma_start3A_124 = tpu.memref_slice %arg9[%add3A_47, %dma_start3A_123] : memref<10240x128xf32, #tpu.memory_space<vmem_shared>> -> memref<64x128xf32, #tpu.memory_space<vmem_shared>>
      %dma_start3A_125 = arith.constant 0 : i32
      %dma_start3A_126 = arith.constant 0 : i32
      %dma_start3A_127 = tpu.memref_slice %arg8[%run_scoped3A_48, %dma_start3A_125, %dma_start3A_126] : memref<2x64x128xf32, #tpu.memory_space<vmem>> -> memref<1x64x128xf32, #tpu.memory_space<vmem>>
      %dma_start3A_128 = tpu.memref_squeeze %dma_start3A_127 : memref<1x64x128xf32, #tpu.memory_space<vmem>> -> memref<64x128xf32, #tpu.memory_space<vmem>>
      tpu.enqueue_dma source(%dma_start3A_128 : memref<64x128xf32, #tpu.memory_space<vmem>>) target(%dma_start3A_124 : memref<64x128xf32, #tpu.memory_space<vmem_shared>>) target_semaphore(%run_scoped3A_116 : memref<!tpu.dma_semaphore, #tpu.memory_space<semaphore_mem>>)
      %dma_wait3A = arith.constant 0 : i32
      %dma_wait3A_129 = arith.constant 0 : i32
      %dma_wait3A_130 = tpu.memref_slice %arg8[%run_scoped3A_48, %dma_wait3A, %dma_wait3A_129] : memref<2x64x128xf32, #tpu.memory_space<vmem>> -> memref<1x64x128xf32, #tpu.memory_space<vmem>>
      %dma_wait3A_131 = tpu.memref_squeeze %dma_wait3A_130 : memref<1x64x128xf32, #tpu.memory_space<vmem>> -> memref<64x128xf32, #tpu.memory_space<vmem>>
      %dma_wait3A_132 = arith.constant 0 : i32
      %dma_wait3A_133 = tpu.memref_slice %arg9[%add3A_47, %dma_wait3A_132] : memref<10240x128xf32, #tpu.memory_space<vmem_shared>> -> memref<64x128xf32, #tpu.memory_space<vmem_shared>>
      %dma_wait3A_134 = arith.constant 0 : i32
      %dma_wait3A_135 = tpu.memref_slice %arg9[%add3A_47, %dma_wait3A_134] : memref<10240x128xf32, #tpu.memory_space<vmem_shared>> -> memref<64x128xf32, #tpu.memory_space<vmem_shared>>
      %dma_wait3A_136 = arith.constant 0 : i32
      %dma_wait3A_137 = arith.constant 0 : i32
      %dma_wait3A_138 = tpu.memref_slice %arg8[%run_scoped3A_48, %dma_wait3A_136, %dma_wait3A_137] : memref<2x64x128xf32, #tpu.memory_space<vmem>> -> memref<1x64x128xf32, #tpu.memory_space<vmem>>
      %dma_wait3A_139 = tpu.memref_squeeze %dma_wait3A_138 : memref<1x64x128xf32, #tpu.memory_space<vmem>> -> memref<64x128xf32, #tpu.memory_space<vmem>>
      tpu.wait_dma2 semaphore(%run_scoped3A_116 : memref<!tpu.dma_semaphore, #tpu.memory_space<semaphore_mem>>) src(%dma_wait3A_139 : memref<64x128xf32, #tpu.memory_space<vmem>>) dst(%dma_wait3A_135 : memref<64x128xf32, #tpu.memory_space<vmem_shared>>)
      tpu.yield
    }) : () -> ()
    %mul3A_49 = arith.constant 640 : i32
    %mul3A_50 = arith.muli %arg1, %mul3A_49 : i32
    %add3A_51 = arith.constant 576 : i32
    %add3A_52 = arith.addi %mul3A_50, %add3A_51 : i32
    %run_scoped3A_53 = arith.constant 0 : i32
    "tpu.region"() ({
      %run_scoped3A_116 = tpu.sem_alloc : memref<!tpu.dma_semaphore, #tpu.memory_space<semaphore_mem>>
      %dma_start3A_117 = arith.constant 0 : i32
      %dma_start3A_118 = arith.constant 0 : i32
      %dma_start3A_119 = tpu.memref_slice %arg8[%run_scoped3A_53, %dma_start3A_117, %dma_start3A_118] : memref<2x64x128xf32, #tpu.memory_space<vmem>> -> memref<1x64x128xf32, #tpu.memory_space<vmem>>
      %dma_start3A_120 = tpu.memref_squeeze %dma_start3A_119 : memref<1x64x128xf32, #tpu.memory_space<vmem>> -> memref<64x128xf32, #tpu.memory_space<vmem>>
      %dma_start3A_121 = arith.constant 0 : i32
      %dma_start3A_122 = tpu.memref_slice %arg9[%add3A_52, %dma_start3A_121] : memref<10240x128xf32, #tpu.memory_space<vmem_shared>> -> memref<64x128xf32, #tpu.memory_space<vmem_shared>>
      %dma_start3A_123 = arith.constant 0 : i32
      %dma_start3A_124 = tpu.memref_slice %arg9[%add3A_52, %dma_start3A_123] : memref<10240x128xf32, #tpu.memory_space<vmem_shared>> -> memref<64x128xf32, #tpu.memory_space<vmem_shared>>
      %dma_start3A_125 = arith.constant 0 : i32
      %dma_start3A_126 = arith.constant 0 : i32
      %dma_start3A_127 = tpu.memref_slice %arg8[%run_scoped3A_53, %dma_start3A_125, %dma_start3A_126] : memref<2x64x128xf32, #tpu.memory_space<vmem>> -> memref<1x64x128xf32, #tpu.memory_space<vmem>>
      %dma_start3A_128 = tpu.memref_squeeze %dma_start3A_127 : memref<1x64x128xf32, #tpu.memory_space<vmem>> -> memref<64x128xf32, #tpu.memory_space<vmem>>
      tpu.enqueue_dma source(%dma_start3A_128 : memref<64x128xf32, #tpu.memory_space<vmem>>) target(%dma_start3A_124 : memref<64x128xf32, #tpu.memory_space<vmem_shared>>) target_semaphore(%run_scoped3A_116 : memref<!tpu.dma_semaphore, #tpu.memory_space<semaphore_mem>>)
      %dma_wait3A = arith.constant 0 : i32
      %dma_wait3A_129 = arith.constant 0 : i32
      %dma_wait3A_130 = tpu.memref_slice %arg8[%run_scoped3A_53, %dma_wait3A, %dma_wait3A_129] : memref<2x64x128xf32, #tpu.memory_space<vmem>> -> memref<1x64x128xf32, #tpu.memory_space<vmem>>
      %dma_wait3A_131 = tpu.memref_squeeze %dma_wait3A_130 : memref<1x64x128xf32, #tpu.memory_space<vmem>> -> memref<64x128xf32, #tpu.memory_space<vmem>>
      %dma_wait3A_132 = arith.constant 0 : i32
      %dma_wait3A_133 = tpu.memref_slice %arg9[%add3A_52, %dma_wait3A_132] : memref<10240x128xf32, #tpu.memory_space<vmem_shared>> -> memref<64x128xf32, #tpu.memory_space<vmem_shared>>
      %dma_wait3A_134 = arith.constant 0 : i32
      %dma_wait3A_135 = tpu.memref_slice %arg9[%add3A_52, %dma_wait3A_134] : memref<10240x128xf32, #tpu.memory_space<vmem_shared>> -> memref<64x128xf32, #tpu.memory_space<vmem_shared>>
      %dma_wait3A_136 = arith.constant 0 : i32
      %dma_wait3A_137 = arith.constant 0 : i32
      %dma_wait3A_138 = tpu.memref_slice %arg8[%run_scoped3A_53, %dma_wait3A_136, %dma_wait3A_137] : memref<2x64x128xf32, #tpu.memory_space<vmem>> -> memref<1x64x128xf32, #tpu.memory_space<vmem>>
      %dma_wait3A_139 = tpu.memref_squeeze %dma_wait3A_138 : memref<1x64x128xf32, #tpu.memory_space<vmem>> -> memref<64x128xf32, #tpu.memory_space<vmem>>
      tpu.wait_dma2 semaphore(%run_scoped3A_116 : memref<!tpu.dma_semaphore, #tpu.memory_space<semaphore_mem>>) src(%dma_wait3A_139 : memref<64x128xf32, #tpu.memory_space<vmem>>) dst(%dma_wait3A_135 : memref<64x128xf32, #tpu.memory_space<vmem_shared>>)
      tpu.yield
    }) : () -> ()
    %barrier3A = arith.constant 0 : index
    tpu.barrier barrier_id(%barrier3A)
    "tpu.region"() ({
      %run_scoped3A_116 = tpu.sem_alloc : memref<!tpu.dma_semaphore, #tpu.memory_space<semaphore_mem>>
      %dma_start3A_117 = arith.constant 0 : i32
      %dma_start3A_118 = arith.constant 0 : i32
      %dma_start3A_119 = tpu.memref_slice %arg3[%add3A, %dma_start3A_117, %dma_start3A_118] : memref<32x160x64xi32, #tpu.memory_space<hbm>> -> memref<1x80x64xi32, #tpu.memory_space<hbm>>
      %dma_start3A_120 = tpu.memref_squeeze %dma_start3A_119 : memref<1x80x64xi32, #tpu.memory_space<hbm>> -> memref<80x64xi32, #tpu.memory_space<hbm>>
      %dma_start3A_121 = arith.constant 0 : i32
      %dma_start3A_122 = arith.constant 0 : i32
      %dma_start3A_123 = tpu.memref_slice %arg3[%add3A, %dma_start3A_121, %dma_start3A_122] : memref<32x160x64xi32, #tpu.memory_space<hbm>> -> memref<1x80x64xi32, #tpu.memory_space<hbm>>
      %dma_start3A_124 = tpu.memref_squeeze %dma_start3A_123 : memref<1x80x64xi32, #tpu.memory_space<hbm>> -> memref<80x64xi32, #tpu.memory_space<hbm>>
      tpu.enqueue_dma source(%dma_start3A_124 : memref<80x64xi32, #tpu.memory_space<hbm>>) target(%arg6 : memref<80x64xi32, #tpu.memory_space<vmem>>) target_semaphore(%run_scoped3A_116 : memref<!tpu.dma_semaphore, #tpu.memory_space<semaphore_mem>>)
      %dma_wait3A = arith.constant 0 : i32
      %dma_wait3A_125 = arith.constant 0 : i32
      %dma_wait3A_126 = tpu.memref_slice %arg3[%add3A, %dma_wait3A, %dma_wait3A_125] : memref<32x160x64xi32, #tpu.memory_space<hbm>> -> memref<1x80x64xi32, #tpu.memory_space<hbm>>
      %dma_wait3A_127 = tpu.memref_squeeze %dma_wait3A_126 : memref<1x80x64xi32, #tpu.memory_space<hbm>> -> memref<80x64xi32, #tpu.memory_space<hbm>>
      %dma_wait3A_128 = arith.constant 0 : i32
      %dma_wait3A_129 = arith.constant 0 : i32
      %dma_wait3A_130 = tpu.memref_slice %arg3[%add3A, %dma_wait3A_128, %dma_wait3A_129] : memref<32x160x64xi32, #tpu.memory_space<hbm>> -> memref<1x80x64xi32, #tpu.memory_space<hbm>>
      %dma_wait3A_131 = tpu.memref_squeeze %dma_wait3A_130 : memref<1x80x64xi32, #tpu.memory_space<hbm>> -> memref<80x64xi32, #tpu.memory_space<hbm>>
      tpu.wait_dma2 semaphore(%run_scoped3A_116 : memref<!tpu.dma_semaphore, #tpu.memory_space<semaphore_mem>>) src(%dma_wait3A_131 : memref<80x64xi32, #tpu.memory_space<hbm>>) dst(%arg6 : memref<80x64xi32, #tpu.memory_space<vmem>>)
      tpu.yield
    }) : () -> ()
    "tpu.region"() ({
      %run_scoped3A_116 = tpu.sem_alloc : memref<!tpu.dma_semaphore, #tpu.memory_space<semaphore_mem>>
      %dma_start3A_117 = arith.constant 0 : i32
      %dma_start3A_118 = arith.constant 0 : i32
      %dma_start3A_119 = tpu.memref_slice %arg4[%add3A, %dma_start3A_117, %dma_start3A_118] : memref<32x160x64xi32, #tpu.memory_space<hbm>> -> memref<1x80x64xi32, #tpu.memory_space<hbm>>
      %dma_start3A_120 = tpu.memref_squeeze %dma_start3A_119 : memref<1x80x64xi32, #tpu.memory_space<hbm>> -> memref<80x64xi32, #tpu.memory_space<hbm>>
      %dma_start3A_121 = arith.constant 0 : i32
      %dma_start3A_122 = arith.constant 0 : i32
      %dma_start3A_123 = tpu.memref_slice %arg4[%add3A, %dma_start3A_121, %dma_start3A_122] : memref<32x160x64xi32, #tpu.memory_space<hbm>> -> memref<1x80x64xi32, #tpu.memory_space<hbm>>
      %dma_start3A_124 = tpu.memref_squeeze %dma_start3A_123 : memref<1x80x64xi32, #tpu.memory_space<hbm>> -> memref<80x64xi32, #tpu.memory_space<hbm>>
      tpu.enqueue_dma source(%dma_start3A_124 : memref<80x64xi32, #tpu.memory_space<hbm>>) target(%arg7 : memref<80x64xi32, #tpu.memory_space<vmem>>) target_semaphore(%run_scoped3A_116 : memref<!tpu.dma_semaphore, #tpu.memory_space<semaphore_mem>>)
      %dma_wait3A = arith.constant 0 : i32
      %dma_wait3A_125 = arith.constant 0 : i32
      %dma_wait3A_126 = tpu.memref_slice %arg4[%add3A, %dma_wait3A, %dma_wait3A_125] : memref<32x160x64xi32, #tpu.memory_space<hbm>> -> memref<1x80x64xi32, #tpu.memory_space<hbm>>
      %dma_wait3A_127 = tpu.memref_squeeze %dma_wait3A_126 : memref<1x80x64xi32, #tpu.memory_space<hbm>> -> memref<80x64xi32, #tpu.memory_space<hbm>>
      %dma_wait3A_128 = arith.constant 0 : i32
      %dma_wait3A_129 = arith.constant 0 : i32
      %dma_wait3A_130 = tpu.memref_slice %arg4[%add3A, %dma_wait3A_128, %dma_wait3A_129] : memref<32x160x64xi32, #tpu.memory_space<hbm>> -> memref<1x80x64xi32, #tpu.memory_space<hbm>>
      %dma_wait3A_131 = tpu.memref_squeeze %dma_wait3A_130 : memref<1x80x64xi32, #tpu.memory_space<hbm>> -> memref<80x64xi32, #tpu.memory_space<hbm>>
      tpu.wait_dma2 semaphore(%run_scoped3A_116 : memref<!tpu.dma_semaphore, #tpu.memory_space<semaphore_mem>>) src(%dma_wait3A_131 : memref<80x64xi32, #tpu.memory_space<hbm>>) dst(%arg7 : memref<80x64xi32, #tpu.memory_space<vmem>>)
      tpu.yield
    }) : () -> ()
    %dma_start3A = arith.constant 0 : i32
    %dma_start3A_54 = arith.constant 0 : i32
    %dma_start3A_55 = arith.constant 0 : i32
    %dma_start3A_56 = arith.constant 0 : i32
    %dma_start3A_57 = tpu.memref_slice %arg8[%dma_start3A_54, %dma_start3A_55, %dma_start3A_56] : memref<2x64x128xf32, #tpu.memory_space<vmem>> -> memref<1x64x128xf32, #tpu.memory_space<vmem>>
    %dma_start3A_58 = tpu.memref_squeeze %dma_start3A_57 : memref<1x64x128xf32, #tpu.memory_space<vmem>> -> memref<64x128xf32, #tpu.memory_space<vmem>>
    %dma_start3A_59 = arith.constant 0 : i32
    %dma_start3A_60 = tpu.memref_slice %arg6[%dma_start3A, %dma_start3A_59] : memref<80x64xi32, #tpu.memory_space<vmem>> -> memref<1x64xi32, #tpu.memory_space<vmem>>
    %dma_start3A_61 = tpu.memref_squeeze %dma_start3A_60 : memref<1x64xi32, #tpu.memory_space<vmem>> -> memref<64xi32, #tpu.memory_space<vmem>>
    %dma_start3A_62 = arith.constant 0 : i32
    %dma_start3A_63 = arith.constant 0 : i32
    %dma_start3A_64 = tpu.memref_slice %arg2[%dma_start3A_62, %dma_start3A_63] : memref<10240x128xf32, #tpu.memory_space<hbm>> -> memref<10240x128xf32, #tpu.memory_space<hbm>>
    tpu.enqueue_indirect_dma source(%dma_start3A_64 : memref<10240x128xf32, #tpu.memory_space<hbm>>) target(%dma_start3A_58 : memref<64x128xf32, #tpu.memory_space<vmem>>) offsets(%dma_start3A_61 : memref<64xi32, #tpu.memory_space<vmem>>) semaphore(%arg10 : memref<!tpu.dma_semaphore, #tpu.memory_space<semaphore_mem>>)
    %dma_start3A_65 = arith.constant 1 : i32
    %dma_start3A_66 = arith.constant 1 : i32
    %dma_start3A_67 = arith.constant 0 : i32
    %dma_start3A_68 = arith.constant 0 : i32
    %dma_start3A_69 = tpu.memref_slice %arg8[%dma_start3A_66, %dma_start3A_67, %dma_start3A_68] : memref<2x64x128xf32, #tpu.memory_space<vmem>> -> memref<1x64x128xf32, #tpu.memory_space<vmem>>
    %dma_start3A_70 = tpu.memref_squeeze %dma_start3A_69 : memref<1x64x128xf32, #tpu.memory_space<vmem>> -> memref<64x128xf32, #tpu.memory_space<vmem>>
    %dma_start3A_71 = arith.constant 0 : i32
    %dma_start3A_72 = tpu.memref_slice %arg6[%dma_start3A_65, %dma_start3A_71] : memref<80x64xi32, #tpu.memory_space<vmem>> -> memref<1x64xi32, #tpu.memory_space<vmem>>
    %dma_start3A_73 = tpu.memref_squeeze %dma_start3A_72 : memref<1x64xi32, #tpu.memory_space<vmem>> -> memref<64xi32, #tpu.memory_space<vmem>>
    %dma_start3A_74 = arith.constant 0 : i32
    %dma_start3A_75 = arith.constant 0 : i32
    %dma_start3A_76 = tpu.memref_slice %arg2[%dma_start3A_74, %dma_start3A_75] : memref<10240x128xf32, #tpu.memory_space<hbm>> -> memref<10240x128xf32, #tpu.memory_space<hbm>>
    tpu.enqueue_indirect_dma source(%dma_start3A_76 : memref<10240x128xf32, #tpu.memory_space<hbm>>) target(%dma_start3A_70 : memref<64x128xf32, #tpu.memory_space<vmem>>) offsets(%dma_start3A_73 : memref<64xi32, #tpu.memory_space<vmem>>) semaphore(%arg11 : memref<!tpu.dma_semaphore, #tpu.memory_space<semaphore_mem>>)
    %scan3A_77 = arith.constant 0 : i32
    %scan3A_78 = arith.constant 40 : i32
    %scan3A_79 = arith.addi %scan3A_77, %scan3A_78 : i32
    %scan3A_80 = arith.constant 1 : i32
    scf.for %scan3A_116 = %scan3A_77 to %scan3A_79 step %scan3A_80  : i32 {
      %mul3A_117 = arith.constant 2 : i32
      %mul3A_118 = arith.muli %scan3A_116, %mul3A_117 : i32
      %add3A_119 = arith.constant 0 : i32
      %add3A_120 = arith.addi %add3A_119, %mul3A_118 : i32
      %add3A_121 = arith.constant 0 : i32
      %add3A_122 = arith.addi %add3A_120, %add3A_121 : i32
      %dma_wait3A = arith.constant 0 : i32
      %dma_wait3A_123 = arith.constant 0 : i32
      %dma_wait3A_124 = arith.constant 0 : i32
      %dma_wait3A_125 = tpu.memref_slice %arg8[%dma_wait3A, %dma_wait3A_123, %dma_wait3A_124] : memref<2x64x128xf32, #tpu.memory_space<vmem>> -> memref<1x64x128xf32, #tpu.memory_space<vmem>>
      %dma_wait3A_126 = tpu.memref_squeeze %dma_wait3A_125 : memref<1x64x128xf32, #tpu.memory_space<vmem>> -> memref<64x128xf32, #tpu.memory_space<vmem>>
      %dma_wait3A_127 = arith.constant 0 : i32
      %dma_wait3A_128 = tpu.memref_slice %arg6[%add3A_122, %dma_wait3A_127] : memref<80x64xi32, #tpu.memory_space<vmem>> -> memref<1x64xi32, #tpu.memory_space<vmem>>
      %dma_wait3A_129 = tpu.memref_squeeze %dma_wait3A_128 : memref<1x64xi32, #tpu.memory_space<vmem>> -> memref<64xi32, #tpu.memory_space<vmem>>
      %dma_wait3A_130 = arith.constant 0 : i32
      %dma_wait3A_131 = arith.constant 0 : i32
      %dma_wait3A_132 = tpu.memref_slice %arg2[%dma_wait3A_130, %dma_wait3A_131] : memref<10240x128xf32, #tpu.memory_space<hbm>> -> memref<10240x128xf32, #tpu.memory_space<hbm>>
      tpu.wait_indirect_dma semaphore(%arg10 : memref<!tpu.dma_semaphore, #tpu.memory_space<semaphore_mem>>) src(%dma_wait3A_132 : memref<10240x128xf32, #tpu.memory_space<hbm>>) dst(%dma_wait3A_126 : memref<64x128xf32, #tpu.memory_space<vmem>>)
      %dma_start3A_133 = arith.constant 0 : i32
      %dma_start3A_134 = arith.constant 0 : i32
      %dma_start3A_135 = arith.constant 0 : i32
      %dma_start3A_136 = tpu.memref_slice %arg8[%dma_start3A_133, %dma_start3A_134, %dma_start3A_135] : memref<2x64x128xf32, #tpu.memory_space<vmem>> -> memref<1x64x128xf32, #tpu.memory_space<vmem>>
      %dma_start3A_137 = tpu.memref_squeeze %dma_start3A_136 : memref<1x64x128xf32, #tpu.memory_space<vmem>> -> memref<64x128xf32, #tpu.memory_space<vmem>>
      %dma_start3A_138 = arith.constant 0 : i32
      %dma_start3A_139 = tpu.memref_slice %arg7[%add3A_122, %dma_start3A_138] : memref<80x64xi32, #tpu.memory_space<vmem>> -> memref<1x64xi32, #tpu.memory_space<vmem>>
      %dma_start3A_140 = tpu.memref_squeeze %dma_start3A_139 : memref<1x64xi32, #tpu.memory_space<vmem>> -> memref<64xi32, #tpu.memory_space<vmem>>
      %dma_start3A_141 = arith.constant 0 : i32
      %dma_start3A_142 = arith.constant 0 : i32
      %dma_start3A_143 = tpu.memref_slice %arg9[%dma_start3A_141, %dma_start3A_142] : memref<10240x128xf32, #tpu.memory_space<vmem_shared>> -> memref<10240x128xf32, #tpu.memory_space<vmem_shared>>
      tpu.enqueue_indirect_dma source(%dma_start3A_137 : memref<64x128xf32, #tpu.memory_space<vmem>>) target(%dma_start3A_143 : memref<10240x128xf32, #tpu.memory_space<vmem_shared>>) offsets(%dma_start3A_140 : memref<64xi32, #tpu.memory_space<vmem>>) semaphore(%arg12 : memref<!tpu.dma_semaphore, #tpu.memory_space<semaphore_mem>>) {add = true}
      %add3A_144 = arith.constant 1 : i32
      %add3A_145 = arith.addi %add3A_120, %add3A_144 : i32
      %dma_wait3A_146 = arith.constant 1 : i32
      %dma_wait3A_147 = arith.constant 0 : i32
      %dma_wait3A_148 = arith.constant 0 : i32
      %dma_wait3A_149 = tpu.memref_slice %arg8[%dma_wait3A_146, %dma_wait3A_147, %dma_wait3A_148] : memref<2x64x128xf32, #tpu.memory_space<vmem>> -> memref<1x64x128xf32, #tpu.memory_space<vmem>>
      %dma_wait3A_150 = tpu.memref_squeeze %dma_wait3A_149 : memref<1x64x128xf32, #tpu.memory_space<vmem>> -> memref<64x128xf32, #tpu.memory_space<vmem>>
      %dma_wait3A_151 = arith.constant 0 : i32
      %dma_wait3A_152 = tpu.memref_slice %arg6[%add3A_145, %dma_wait3A_151] : memref<80x64xi32, #tpu.memory_space<vmem>> -> memref<1x64xi32, #tpu.memory_space<vmem>>
      %dma_wait3A_153 = tpu.memref_squeeze %dma_wait3A_152 : memref<1x64xi32, #tpu.memory_space<vmem>> -> memref<64xi32, #tpu.memory_space<vmem>>
      %dma_wait3A_154 = arith.constant 0 : i32
      %dma_wait3A_155 = arith.constant 0 : i32
      %dma_wait3A_156 = tpu.memref_slice %arg2[%dma_wait3A_154, %dma_wait3A_155] : memref<10240x128xf32, #tpu.memory_space<hbm>> -> memref<10240x128xf32, #tpu.memory_space<hbm>>
      tpu.wait_indirect_dma semaphore(%arg11 : memref<!tpu.dma_semaphore, #tpu.memory_space<semaphore_mem>>) src(%dma_wait3A_156 : memref<10240x128xf32, #tpu.memory_space<hbm>>) dst(%dma_wait3A_150 : memref<64x128xf32, #tpu.memory_space<vmem>>)
      %dma_start3A_157 = arith.constant 1 : i32
      %dma_start3A_158 = arith.constant 0 : i32
      %dma_start3A_159 = arith.constant 0 : i32
      %dma_start3A_160 = tpu.memref_slice %arg8[%dma_start3A_157, %dma_start3A_158, %dma_start3A_159] : memref<2x64x128xf32, #tpu.memory_space<vmem>> -> memref<1x64x128xf32, #tpu.memory_space<vmem>>
      %dma_start3A_161 = tpu.memref_squeeze %dma_start3A_160 : memref<1x64x128xf32, #tpu.memory_space<vmem>> -> memref<64x128xf32, #tpu.memory_space<vmem>>
      %dma_start3A_162 = arith.constant 0 : i32
      %dma_start3A_163 = tpu.memref_slice %arg7[%add3A_145, %dma_start3A_162] : memref<80x64xi32, #tpu.memory_space<vmem>> -> memref<1x64xi32, #tpu.memory_space<vmem>>
      %dma_start3A_164 = tpu.memref_squeeze %dma_start3A_163 : memref<1x64xi32, #tpu.memory_space<vmem>> -> memref<64xi32, #tpu.memory_space<vmem>>
      %dma_start3A_165 = arith.constant 0 : i32
      %dma_start3A_166 = arith.constant 0 : i32
      %dma_start3A_167 = tpu.memref_slice %arg9[%dma_start3A_165, %dma_start3A_166] : memref<10240x128xf32, #tpu.memory_space<vmem_shared>> -> memref<10240x128xf32, #tpu.memory_space<vmem_shared>>
      tpu.enqueue_indirect_dma source(%dma_start3A_161 : memref<64x128xf32, #tpu.memory_space<vmem>>) target(%dma_start3A_167 : memref<10240x128xf32, #tpu.memory_space<vmem_shared>>) offsets(%dma_start3A_164 : memref<64xi32, #tpu.memory_space<vmem>>) semaphore(%arg13 : memref<!tpu.dma_semaphore, #tpu.memory_space<semaphore_mem>>) {add = true}
      %add3A_168 = arith.constant 0 : i32
      %add3A_169 = arith.addi %add3A_120, %add3A_168 : i32
      %dma_wait3A_170 = arith.constant 0 : i32
      %dma_wait3A_171 = arith.constant 0 : i32
      %dma_wait3A_172 = arith.constant 0 : i32
      %dma_wait3A_173 = tpu.memref_slice %arg8[%dma_wait3A_170, %dma_wait3A_171, %dma_wait3A_172] : memref<2x64x128xf32, #tpu.memory_space<vmem>> -> memref<1x64x128xf32, #tpu.memory_space<vmem>>
      %dma_wait3A_174 = tpu.memref_squeeze %dma_wait3A_173 : memref<1x64x128xf32, #tpu.memory_space<vmem>> -> memref<64x128xf32, #tpu.memory_space<vmem>>
      %dma_wait3A_175 = arith.constant 0 : i32
      %dma_wait3A_176 = tpu.memref_slice %arg7[%add3A_169, %dma_wait3A_175] : memref<80x64xi32, #tpu.memory_space<vmem>> -> memref<1x64xi32, #tpu.memory_space<vmem>>
      %dma_wait3A_177 = tpu.memref_squeeze %dma_wait3A_176 : memref<1x64xi32, #tpu.memory_space<vmem>> -> memref<64xi32, #tpu.memory_space<vmem>>
      %dma_wait3A_178 = arith.constant 0 : i32
      %dma_wait3A_179 = arith.constant 0 : i32
      %dma_wait3A_180 = tpu.memref_slice %arg9[%dma_wait3A_178, %dma_wait3A_179] : memref<10240x128xf32, #tpu.memory_space<vmem_shared>> -> memref<10240x128xf32, #tpu.memory_space<vmem_shared>>
      tpu.wait_indirect_dma semaphore(%arg12 : memref<!tpu.dma_semaphore, #tpu.memory_space<semaphore_mem>>) src(%dma_wait3A_174 : memref<64x128xf32, #tpu.memory_space<vmem>>) dst(%dma_wait3A_180 : memref<10240x128xf32, #tpu.memory_space<vmem_shared>>)
      %add3A_181 = arith.constant 2 : i32
      %add3A_182 = arith.addi %add3A_169, %add3A_181 : i32
      %lt3A = arith.constant 80 : i32
      %lt3A_183 = arith.cmpi slt, %add3A_182, %lt3A : i32
      %convert_element_type3A = arith.extui %lt3A_183 : i1 to i32
      %cond3A = arith.constant 0 : i32
      %cond3A_184 = arith.cmpi ne, %convert_element_type3A, %cond3A : i32
      scf.if %cond3A_184 {
        %add3A_205 = arith.constant 2 : i32
        %add3A_206 = arith.addi %add3A_169, %add3A_205 : i32
        %dma_start3A_207 = arith.constant 0 : i32
        %dma_start3A_208 = arith.constant 0 : i32
        %dma_start3A_209 = arith.constant 0 : i32
        %dma_start3A_210 = tpu.memref_slice %arg8[%dma_start3A_207, %dma_start3A_208, %dma_start3A_209] : memref<2x64x128xf32, #tpu.memory_space<vmem>> -> memref<1x64x128xf32, #tpu.memory_space<vmem>>
        %dma_start3A_211 = tpu.memref_squeeze %dma_start3A_210 : memref<1x64x128xf32, #tpu.memory_space<vmem>> -> memref<64x128xf32, #tpu.memory_space<vmem>>
        %dma_start3A_212 = arith.constant 0 : i32
        %dma_start3A_213 = tpu.memref_slice %arg6[%add3A_206, %dma_start3A_212] : memref<80x64xi32, #tpu.memory_space<vmem>> -> memref<1x64xi32, #tpu.memory_space<vmem>>
        %dma_start3A_214 = tpu.memref_squeeze %dma_start3A_213 : memref<1x64xi32, #tpu.memory_space<vmem>> -> memref<64xi32, #tpu.memory_space<vmem>>
        %dma_start3A_215 = arith.constant 0 : i32
        %dma_start3A_216 = arith.constant 0 : i32
        %dma_start3A_217 = tpu.memref_slice %arg2[%dma_start3A_215, %dma_start3A_216] : memref<10240x128xf32, #tpu.memory_space<hbm>> -> memref<10240x128xf32, #tpu.memory_space<hbm>>
        tpu.enqueue_indirect_dma source(%dma_start3A_217 : memref<10240x128xf32, #tpu.memory_space<hbm>>) target(%dma_start3A_211 : memref<64x128xf32, #tpu.memory_space<vmem>>) offsets(%dma_start3A_214 : memref<64xi32, #tpu.memory_space<vmem>>) semaphore(%arg10 : memref<!tpu.dma_semaphore, #tpu.memory_space<semaphore_mem>>)
      } else {
      }
      %add3A_185 = arith.constant 1 : i32
      %add3A_186 = arith.addi %add3A_120, %add3A_185 : i32
      %dma_wait3A_187 = arith.constant 1 : i32
      %dma_wait3A_188 = arith.constant 0 : i32
      %dma_wait3A_189 = arith.constant 0 : i32
      %dma_wait3A_190 = tpu.memref_slice %arg8[%dma_wait3A_187, %dma_wait3A_188, %dma_wait3A_189] : memref<2x64x128xf32, #tpu.memory_space<vmem>> -> memref<1x64x128xf32, #tpu.memory_space<vmem>>
      %dma_wait3A_191 = tpu.memref_squeeze %dma_wait3A_190 : memref<1x64x128xf32, #tpu.memory_space<vmem>> -> memref<64x128xf32, #tpu.memory_space<vmem>>
      %dma_wait3A_192 = arith.constant 0 : i32
      %dma_wait3A_193 = tpu.memref_slice %arg7[%add3A_186, %dma_wait3A_192] : memref<80x64xi32, #tpu.memory_space<vmem>> -> memref<1x64xi32, #tpu.memory_space<vmem>>
      %dma_wait3A_194 = tpu.memref_squeeze %dma_wait3A_193 : memref<1x64xi32, #tpu.memory_space<vmem>> -> memref<64xi32, #tpu.memory_space<vmem>>
      %dma_wait3A_195 = arith.constant 0 : i32
      %dma_wait3A_196 = arith.constant 0 : i32
      %dma_wait3A_197 = tpu.memref_slice %arg9[%dma_wait3A_195, %dma_wait3A_196] : memref<10240x128xf32, #tpu.memory_space<vmem_shared>> -> memref<10240x128xf32, #tpu.memory_space<vmem_shared>>
      tpu.wait_indirect_dma semaphore(%arg13 : memref<!tpu.dma_semaphore, #tpu.memory_space<semaphore_mem>>) src(%dma_wait3A_191 : memref<64x128xf32, #tpu.memory_space<vmem>>) dst(%dma_wait3A_197 : memref<10240x128xf32, #tpu.memory_space<vmem_shared>>)
      %add3A_198 = arith.constant 2 : i32
      %add3A_199 = arith.addi %add3A_186, %add3A_198 : i32
      %lt3A_200 = arith.constant 80 : i32
      %lt3A_201 = arith.cmpi slt, %add3A_199, %lt3A_200 : i32
      %convert_element_type3A_202 = arith.extui %lt3A_201 : i1 to i32
      %cond3A_203 = arith.constant 0 : i32
      %cond3A_204 = arith.cmpi ne, %convert_element_type3A_202, %cond3A_203 : i32
      scf.if %cond3A_204 {
        %add3A_205 = arith.constant 2 : i32
        %add3A_206 = arith.addi %add3A_186, %add3A_205 : i32
        %dma_start3A_207 = arith.constant 1 : i32
        %dma_start3A_208 = arith.constant 0 : i32
        %dma_start3A_209 = arith.constant 0 : i32
        %dma_start3A_210 = tpu.memref_slice %arg8[%dma_start3A_207, %dma_start3A_208, %dma_start3A_209] : memref<2x64x128xf32, #tpu.memory_space<vmem>> -> memref<1x64x128xf32, #tpu.memory_space<vmem>>
        %dma_start3A_211 = tpu.memref_squeeze %dma_start3A_210 : memref<1x64x128xf32, #tpu.memory_space<vmem>> -> memref<64x128xf32, #tpu.memory_space<vmem>>
        %dma_start3A_212 = arith.constant 0 : i32
        %dma_start3A_213 = tpu.memref_slice %arg6[%add3A_206, %dma_start3A_212] : memref<80x64xi32, #tpu.memory_space<vmem>> -> memref<1x64xi32, #tpu.memory_space<vmem>>
        %dma_start3A_214 = tpu.memref_squeeze %dma_start3A_213 : memref<1x64xi32, #tpu.memory_space<vmem>> -> memref<64xi32, #tpu.memory_space<vmem>>
        %dma_start3A_215 = arith.constant 0 : i32
        %dma_start3A_216 = arith.constant 0 : i32
        %dma_start3A_217 = tpu.memref_slice %arg2[%dma_start3A_215, %dma_start3A_216] : memref<10240x128xf32, #tpu.memory_space<hbm>> -> memref<10240x128xf32, #tpu.memory_space<hbm>>
        tpu.enqueue_indirect_dma source(%dma_start3A_217 : memref<10240x128xf32, #tpu.memory_space<hbm>>) target(%dma_start3A_211 : memref<64x128xf32, #tpu.memory_space<vmem>>) offsets(%dma_start3A_214 : memref<64xi32, #tpu.memory_space<vmem>>) semaphore(%arg11 : memref<!tpu.dma_semaphore, #tpu.memory_space<semaphore_mem>>)
      } else {
      }
    }
    %scan3A_81 = arith.constant 40 : i32
    "tpu.region"() ({
      %run_scoped3A_116 = tpu.sem_alloc : memref<!tpu.dma_semaphore, #tpu.memory_space<semaphore_mem>>
      %dma_start3A_117 = arith.constant 80 : i32
      %dma_start3A_118 = arith.constant 0 : i32
      %dma_start3A_119 = tpu.memref_slice %arg3[%add3A, %dma_start3A_117, %dma_start3A_118] : memref<32x160x64xi32, #tpu.memory_space<hbm>> -> memref<1x80x64xi32, #tpu.memory_space<hbm>>
      %dma_start3A_120 = tpu.memref_squeeze %dma_start3A_119 : memref<1x80x64xi32, #tpu.memory_space<hbm>> -> memref<80x64xi32, #tpu.memory_space<hbm>>
      %dma_start3A_121 = arith.constant 80 : i32
      %dma_start3A_122 = arith.constant 0 : i32
      %dma_start3A_123 = tpu.memref_slice %arg3[%add3A, %dma_start3A_121, %dma_start3A_122] : memref<32x160x64xi32, #tpu.memory_space<hbm>> -> memref<1x80x64xi32, #tpu.memory_space<hbm>>
      %dma_start3A_124 = tpu.memref_squeeze %dma_start3A_123 : memref<1x80x64xi32, #tpu.memory_space<hbm>> -> memref<80x64xi32, #tpu.memory_space<hbm>>
      tpu.enqueue_dma source(%dma_start3A_124 : memref<80x64xi32, #tpu.memory_space<hbm>>) target(%arg6 : memref<80x64xi32, #tpu.memory_space<vmem>>) target_semaphore(%run_scoped3A_116 : memref<!tpu.dma_semaphore, #tpu.memory_space<semaphore_mem>>)
      %dma_wait3A = arith.constant 80 : i32
      %dma_wait3A_125 = arith.constant 0 : i32
      %dma_wait3A_126 = tpu.memref_slice %arg3[%add3A, %dma_wait3A, %dma_wait3A_125] : memref<32x160x64xi32, #tpu.memory_space<hbm>> -> memref<1x80x64xi32, #tpu.memory_space<hbm>>
      %dma_wait3A_127 = tpu.memref_squeeze %dma_wait3A_126 : memref<1x80x64xi32, #tpu.memory_space<hbm>> -> memref<80x64xi32, #tpu.memory_space<hbm>>
      %dma_wait3A_128 = arith.constant 80 : i32
      %dma_wait3A_129 = arith.constant 0 : i32
      %dma_wait3A_130 = tpu.memref_slice %arg3[%add3A, %dma_wait3A_128, %dma_wait3A_129] : memref<32x160x64xi32, #tpu.memory_space<hbm>> -> memref<1x80x64xi32, #tpu.memory_space<hbm>>
      %dma_wait3A_131 = tpu.memref_squeeze %dma_wait3A_130 : memref<1x80x64xi32, #tpu.memory_space<hbm>> -> memref<80x64xi32, #tpu.memory_space<hbm>>
      tpu.wait_dma2 semaphore(%run_scoped3A_116 : memref<!tpu.dma_semaphore, #tpu.memory_space<semaphore_mem>>) src(%dma_wait3A_131 : memref<80x64xi32, #tpu.memory_space<hbm>>) dst(%arg6 : memref<80x64xi32, #tpu.memory_space<vmem>>)
      tpu.yield
    }) : () -> ()
    "tpu.region"() ({
      %run_scoped3A_116 = tpu.sem_alloc : memref<!tpu.dma_semaphore, #tpu.memory_space<semaphore_mem>>
      %dma_start3A_117 = arith.constant 80 : i32
      %dma_start3A_118 = arith.constant 0 : i32
      %dma_start3A_119 = tpu.memref_slice %arg4[%add3A, %dma_start3A_117, %dma_start3A_118] : memref<32x160x64xi32, #tpu.memory_space<hbm>> -> memref<1x80x64xi32, #tpu.memory_space<hbm>>
      %dma_start3A_120 = tpu.memref_squeeze %dma_start3A_119 : memref<1x80x64xi32, #tpu.memory_space<hbm>> -> memref<80x64xi32, #tpu.memory_space<hbm>>
      %dma_start3A_121 = arith.constant 80 : i32
      %dma_start3A_122 = arith.constant 0 : i32
      %dma_start3A_123 = tpu.memref_slice %arg4[%add3A, %dma_start3A_121, %dma_start3A_122] : memref<32x160x64xi32, #tpu.memory_space<hbm>> -> memref<1x80x64xi32, #tpu.memory_space<hbm>>
      %dma_start3A_124 = tpu.memref_squeeze %dma_start3A_123 : memref<1x80x64xi32, #tpu.memory_space<hbm>> -> memref<80x64xi32, #tpu.memory_space<hbm>>
      tpu.enqueue_dma source(%dma_start3A_124 : memref<80x64xi32, #tpu.memory_space<hbm>>) target(%arg7 : memref<80x64xi32, #tpu.memory_space<vmem>>) target_semaphore(%run_scoped3A_116 : memref<!tpu.dma_semaphore, #tpu.memory_space<semaphore_mem>>)
      %dma_wait3A = arith.constant 80 : i32
      %dma_wait3A_125 = arith.constant 0 : i32
      %dma_wait3A_126 = tpu.memref_slice %arg4[%add3A, %dma_wait3A, %dma_wait3A_125] : memref<32x160x64xi32, #tpu.memory_space<hbm>> -> memref<1x80x64xi32, #tpu.memory_space<hbm>>
      %dma_wait3A_127 = tpu.memref_squeeze %dma_wait3A_126 : memref<1x80x64xi32, #tpu.memory_space<hbm>> -> memref<80x64xi32, #tpu.memory_space<hbm>>
      %dma_wait3A_128 = arith.constant 80 : i32
      %dma_wait3A_129 = arith.constant 0 : i32
      %dma_wait3A_130 = tpu.memref_slice %arg4[%add3A, %dma_wait3A_128, %dma_wait3A_129] : memref<32x160x64xi32, #tpu.memory_space<hbm>> -> memref<1x80x64xi32, #tpu.memory_space<hbm>>
      %dma_wait3A_131 = tpu.memref_squeeze %dma_wait3A_130 : memref<1x80x64xi32, #tpu.memory_space<hbm>> -> memref<80x64xi32, #tpu.memory_space<hbm>>
      tpu.wait_dma2 semaphore(%run_scoped3A_116 : memref<!tpu.dma_semaphore, #tpu.memory_space<semaphore_mem>>) src(%dma_wait3A_131 : memref<80x64xi32, #tpu.memory_space<hbm>>) dst(%arg7 : memref<80x64xi32, #tpu.memory_space<vmem>>)
      tpu.yield
    }) : () -> ()
    %dma_start3A_82 = arith.constant 0 : i32
    %dma_start3A_83 = arith.constant 0 : i32
    %dma_start3A_84 = arith.constant 0 : i32
    %dma_start3A_85 = arith.constant 0 : i32
    %dma_start3A_86 = tpu.memref_slice %arg8[%dma_start3A_83, %dma_start3A_84, %dma_start3A_85] : memref<2x64x128xf32, #tpu.memory_space<vmem>> -> memref<1x64x128xf32, #tpu.memory_space<vmem>>
    %dma_start3A_87 = tpu.memref_squeeze %dma_start3A_86 : memref<1x64x128xf32, #tpu.memory_space<vmem>> -> memref<64x128xf32, #tpu.memory_space<vmem>>
    %dma_start3A_88 = arith.constant 0 : i32
    %dma_start3A_89 = tpu.memref_slice %arg6[%dma_start3A_82, %dma_start3A_88] : memref<80x64xi32, #tpu.memory_space<vmem>> -> memref<1x64xi32, #tpu.memory_space<vmem>>
    %dma_start3A_90 = tpu.memref_squeeze %dma_start3A_89 : memref<1x64xi32, #tpu.memory_space<vmem>> -> memref<64xi32, #tpu.memory_space<vmem>>
    %dma_start3A_91 = arith.constant 0 : i32
    %dma_start3A_92 = arith.constant 0 : i32
    %dma_start3A_93 = tpu.memref_slice %arg2[%dma_start3A_91, %dma_start3A_92] : memref<10240x128xf32, #tpu.memory_space<hbm>> -> memref<10240x128xf32, #tpu.memory_space<hbm>>
    tpu.enqueue_indirect_dma source(%dma_start3A_93 : memref<10240x128xf32, #tpu.memory_space<hbm>>) target(%dma_start3A_87 : memref<64x128xf32, #tpu.memory_space<vmem>>) offsets(%dma_start3A_90 : memref<64xi32, #tpu.memory_space<vmem>>) semaphore(%arg10 : memref<!tpu.dma_semaphore, #tpu.memory_space<semaphore_mem>>)
    %dma_start3A_94 = arith.constant 1 : i32
    %dma_start3A_95 = arith.constant 1 : i32
    %dma_start3A_96 = arith.constant 0 : i32
    %dma_start3A_97 = arith.constant 0 : i32
    %dma_start3A_98 = tpu.memref_slice %arg8[%dma_start3A_95, %dma_start3A_96, %dma_start3A_97] : memref<2x64x128xf32, #tpu.memory_space<vmem>> -> memref<1x64x128xf32, #tpu.memory_space<vmem>>
    %dma_start3A_99 = tpu.memref_squeeze %dma_start3A_98 : memref<1x64x128xf32, #tpu.memory_space<vmem>> -> memref<64x128xf32, #tpu.memory_space<vmem>>
    %dma_start3A_100 = arith.constant 0 : i32
    %dma_start3A_101 = tpu.memref_slice %arg6[%dma_start3A_94, %dma_start3A_100] : memref<80x64xi32, #tpu.memory_space<vmem>> -> memref<1x64xi32, #tpu.memory_space<vmem>>
    %dma_start3A_102 = tpu.memref_squeeze %dma_start3A_101 : memref<1x64xi32, #tpu.memory_space<vmem>> -> memref<64xi32, #tpu.memory_space<vmem>>
    %dma_start3A_103 = arith.constant 0 : i32
    %dma_start3A_104 = arith.constant 0 : i32
    %dma_start3A_105 = tpu.memref_slice %arg2[%dma_start3A_103, %dma_start3A_104] : memref<10240x128xf32, #tpu.memory_space<hbm>> -> memref<10240x128xf32, #tpu.memory_space<hbm>>
    tpu.enqueue_indirect_dma source(%dma_start3A_105 : memref<10240x128xf32, #tpu.memory_space<hbm>>) target(%dma_start3A_99 : memref<64x128xf32, #tpu.memory_space<vmem>>) offsets(%dma_start3A_102 : memref<64xi32, #tpu.memory_space<vmem>>) semaphore(%arg11 : memref<!tpu.dma_semaphore, #tpu.memory_space<semaphore_mem>>)
    %scan3A_106 = arith.constant 0 : i32
    %scan3A_107 = arith.constant 40 : i32
    %scan3A_108 = arith.addi %scan3A_106, %scan3A_107 : i32
    %scan3A_109 = arith.constant 1 : i32
    scf.for %scan3A_116 = %scan3A_106 to %scan3A_108 step %scan3A_109  : i32 {
      %mul3A_117 = arith.constant 2 : i32
      %mul3A_118 = arith.muli %scan3A_116, %mul3A_117 : i32
      %add3A_119 = arith.constant 0 : i32
      %add3A_120 = arith.addi %add3A_119, %mul3A_118 : i32
      %add3A_121 = arith.constant 0 : i32
      %add3A_122 = arith.addi %add3A_120, %add3A_121 : i32
      %dma_wait3A = arith.constant 0 : i32
      %dma_wait3A_123 = arith.constant 0 : i32
      %dma_wait3A_124 = arith.constant 0 : i32
      %dma_wait3A_125 = tpu.memref_slice %arg8[%dma_wait3A, %dma_wait3A_123, %dma_wait3A_124] : memref<2x64x128xf32, #tpu.memory_space<vmem>> -> memref<1x64x128xf32, #tpu.memory_space<vmem>>
      %dma_wait3A_126 = tpu.memref_squeeze %dma_wait3A_125 : memref<1x64x128xf32, #tpu.memory_space<vmem>> -> memref<64x128xf32, #tpu.memory_space<vmem>>
      %dma_wait3A_127 = arith.constant 0 : i32
      %dma_wait3A_128 = tpu.memref_slice %arg6[%add3A_122, %dma_wait3A_127] : memref<80x64xi32, #tpu.memory_space<vmem>> -> memref<1x64xi32, #tpu.memory_space<vmem>>
      %dma_wait3A_129 = tpu.memref_squeeze %dma_wait3A_128 : memref<1x64xi32, #tpu.memory_space<vmem>> -> memref<64xi32, #tpu.memory_space<vmem>>
      %dma_wait3A_130 = arith.constant 0 : i32
      %dma_wait3A_131 = arith.constant 0 : i32
      %dma_wait3A_132 = tpu.memref_slice %arg2[%dma_wait3A_130, %dma_wait3A_131] : memref<10240x128xf32, #tpu.memory_space<hbm>> -> memref<10240x128xf32, #tpu.memory_space<hbm>>
      tpu.wait_indirect_dma semaphore(%arg10 : memref<!tpu.dma_semaphore, #tpu.memory_space<semaphore_mem>>) src(%dma_wait3A_132 : memref<10240x128xf32, #tpu.memory_space<hbm>>) dst(%dma_wait3A_126 : memref<64x128xf32, #tpu.memory_space<vmem>>)
      %dma_start3A_133 = arith.constant 0 : i32
      %dma_start3A_134 = arith.constant 0 : i32
      %dma_start3A_135 = arith.constant 0 : i32
      %dma_start3A_136 = tpu.memref_slice %arg8[%dma_start3A_133, %dma_start3A_134, %dma_start3A_135] : memref<2x64x128xf32, #tpu.memory_space<vmem>> -> memref<1x64x128xf32, #tpu.memory_space<vmem>>
      %dma_start3A_137 = tpu.memref_squeeze %dma_start3A_136 : memref<1x64x128xf32, #tpu.memory_space<vmem>> -> memref<64x128xf32, #tpu.memory_space<vmem>>
      %dma_start3A_138 = arith.constant 0 : i32
      %dma_start3A_139 = tpu.memref_slice %arg7[%add3A_122, %dma_start3A_138] : memref<80x64xi32, #tpu.memory_space<vmem>> -> memref<1x64xi32, #tpu.memory_space<vmem>>
      %dma_start3A_140 = tpu.memref_squeeze %dma_start3A_139 : memref<1x64xi32, #tpu.memory_space<vmem>> -> memref<64xi32, #tpu.memory_space<vmem>>
      %dma_start3A_141 = arith.constant 0 : i32
      %dma_start3A_142 = arith.constant 0 : i32
      %dma_start3A_143 = tpu.memref_slice %arg9[%dma_start3A_141, %dma_start3A_142] : memref<10240x128xf32, #tpu.memory_space<vmem_shared>> -> memref<10240x128xf32, #tpu.memory_space<vmem_shared>>
      tpu.enqueue_indirect_dma source(%dma_start3A_137 : memref<64x128xf32, #tpu.memory_space<vmem>>) target(%dma_start3A_143 : memref<10240x128xf32, #tpu.memory_space<vmem_shared>>) offsets(%dma_start3A_140 : memref<64xi32, #tpu.memory_space<vmem>>) semaphore(%arg12 : memref<!tpu.dma_semaphore, #tpu.memory_space<semaphore_mem>>) {add = true}
      %add3A_144 = arith.constant 1 : i32
      %add3A_145 = arith.addi %add3A_120, %add3A_144 : i32
      %dma_wait3A_146 = arith.constant 1 : i32
      %dma_wait3A_147 = arith.constant 0 : i32
      %dma_wait3A_148 = arith.constant 0 : i32
      %dma_wait3A_149 = tpu.memref_slice %arg8[%dma_wait3A_146, %dma_wait3A_147, %dma_wait3A_148] : memref<2x64x128xf32, #tpu.memory_space<vmem>> -> memref<1x64x128xf32, #tpu.memory_space<vmem>>
      %dma_wait3A_150 = tpu.memref_squeeze %dma_wait3A_149 : memref<1x64x128xf32, #tpu.memory_space<vmem>> -> memref<64x128xf32, #tpu.memory_space<vmem>>
      %dma_wait3A_151 = arith.constant 0 : i32
      %dma_wait3A_152 = tpu.memref_slice %arg6[%add3A_145, %dma_wait3A_151] : memref<80x64xi32, #tpu.memory_space<vmem>> -> memref<1x64xi32, #tpu.memory_space<vmem>>
      %dma_wait3A_153 = tpu.memref_squeeze %dma_wait3A_152 : memref<1x64xi32, #tpu.memory_space<vmem>> -> memref<64xi32, #tpu.memory_space<vmem>>
      %dma_wait3A_154 = arith.constant 0 : i32
      %dma_wait3A_155 = arith.constant 0 : i32
      %dma_wait3A_156 = tpu.memref_slice %arg2[%dma_wait3A_154, %dma_wait3A_155] : memref<10240x128xf32, #tpu.memory_space<hbm>> -> memref<10240x128xf32, #tpu.memory_space<hbm>>
      tpu.wait_indirect_dma semaphore(%arg11 : memref<!tpu.dma_semaphore, #tpu.memory_space<semaphore_mem>>) src(%dma_wait3A_156 : memref<10240x128xf32, #tpu.memory_space<hbm>>) dst(%dma_wait3A_150 : memref<64x128xf32, #tpu.memory_space<vmem>>)
      %dma_start3A_157 = arith.constant 1 : i32
      %dma_start3A_158 = arith.constant 0 : i32
      %dma_start3A_159 = arith.constant 0 : i32
      %dma_start3A_160 = tpu.memref_slice %arg8[%dma_start3A_157, %dma_start3A_158, %dma_start3A_159] : memref<2x64x128xf32, #tpu.memory_space<vmem>> -> memref<1x64x128xf32, #tpu.memory_space<vmem>>
      %dma_start3A_161 = tpu.memref_squeeze %dma_start3A_160 : memref<1x64x128xf32, #tpu.memory_space<vmem>> -> memref<64x128xf32, #tpu.memory_space<vmem>>
      %dma_start3A_162 = arith.constant 0 : i32
      %dma_start3A_163 = tpu.memref_slice %arg7[%add3A_145, %dma_start3A_162] : memref<80x64xi32, #tpu.memory_space<vmem>> -> memref<1x64xi32, #tpu.memory_space<vmem>>
      %dma_start3A_164 = tpu.memref_squeeze %dma_start3A_163 : memref<1x64xi32, #tpu.memory_space<vmem>> -> memref<64xi32, #tpu.memory_space<vmem>>
      %dma_start3A_165 = arith.constant 0 : i32
      %dma_start3A_166 = arith.constant 0 : i32
      %dma_start3A_167 = tpu.memref_slice %arg9[%dma_start3A_165, %dma_start3A_166] : memref<10240x128xf32, #tpu.memory_space<vmem_shared>> -> memref<10240x128xf32, #tpu.memory_space<vmem_shared>>
      tpu.enqueue_indirect_dma source(%dma_start3A_161 : memref<64x128xf32, #tpu.memory_space<vmem>>) target(%dma_start3A_167 : memref<10240x128xf32, #tpu.memory_space<vmem_shared>>) offsets(%dma_start3A_164 : memref<64xi32, #tpu.memory_space<vmem>>) semaphore(%arg13 : memref<!tpu.dma_semaphore, #tpu.memory_space<semaphore_mem>>) {add = true}
      %add3A_168 = arith.constant 0 : i32
      %add3A_169 = arith.addi %add3A_120, %add3A_168 : i32
      %dma_wait3A_170 = arith.constant 0 : i32
      %dma_wait3A_171 = arith.constant 0 : i32
      %dma_wait3A_172 = arith.constant 0 : i32
      %dma_wait3A_173 = tpu.memref_slice %arg8[%dma_wait3A_170, %dma_wait3A_171, %dma_wait3A_172] : memref<2x64x128xf32, #tpu.memory_space<vmem>> -> memref<1x64x128xf32, #tpu.memory_space<vmem>>
      %dma_wait3A_174 = tpu.memref_squeeze %dma_wait3A_173 : memref<1x64x128xf32, #tpu.memory_space<vmem>> -> memref<64x128xf32, #tpu.memory_space<vmem>>
      %dma_wait3A_175 = arith.constant 0 : i32
      %dma_wait3A_176 = tpu.memref_slice %arg7[%add3A_169, %dma_wait3A_175] : memref<80x64xi32, #tpu.memory_space<vmem>> -> memref<1x64xi32, #tpu.memory_space<vmem>>
      %dma_wait3A_177 = tpu.memref_squeeze %dma_wait3A_176 : memref<1x64xi32, #tpu.memory_space<vmem>> -> memref<64xi32, #tpu.memory_space<vmem>>
      %dma_wait3A_178 = arith.constant 0 : i32
      %dma_wait3A_179 = arith.constant 0 : i32
      %dma_wait3A_180 = tpu.memref_slice %arg9[%dma_wait3A_178, %dma_wait3A_179] : memref<10240x128xf32, #tpu.memory_space<vmem_shared>> -> memref<10240x128xf32, #tpu.memory_space<vmem_shared>>
      tpu.wait_indirect_dma semaphore(%arg12 : memref<!tpu.dma_semaphore, #tpu.memory_space<semaphore_mem>>) src(%dma_wait3A_174 : memref<64x128xf32, #tpu.memory_space<vmem>>) dst(%dma_wait3A_180 : memref<10240x128xf32, #tpu.memory_space<vmem_shared>>)
      %add3A_181 = arith.constant 2 : i32
      %add3A_182 = arith.addi %add3A_169, %add3A_181 : i32
      %lt3A = arith.constant 80 : i32
      %lt3A_183 = arith.cmpi slt, %add3A_182, %lt3A : i32
      %convert_element_type3A = arith.extui %lt3A_183 : i1 to i32
      %cond3A = arith.constant 0 : i32
      %cond3A_184 = arith.cmpi ne, %convert_element_type3A, %cond3A : i32
      scf.if %cond3A_184 {
        %add3A_205 = arith.constant 2 : i32
        %add3A_206 = arith.addi %add3A_169, %add3A_205 : i32
        %dma_start3A_207 = arith.constant 0 : i32
        %dma_start3A_208 = arith.constant 0 : i32
        %dma_start3A_209 = arith.constant 0 : i32
        %dma_start3A_210 = tpu.memref_slice %arg8[%dma_start3A_207, %dma_start3A_208, %dma_start3A_209] : memref<2x64x128xf32, #tpu.memory_space<vmem>> -> memref<1x64x128xf32, #tpu.memory_space<vmem>>
        %dma_start3A_211 = tpu.memref_squeeze %dma_start3A_210 : memref<1x64x128xf32, #tpu.memory_space<vmem>> -> memref<64x128xf32, #tpu.memory_space<vmem>>
        %dma_start3A_212 = arith.constant 0 : i32
        %dma_start3A_213 = tpu.memref_slice %arg6[%add3A_206, %dma_start3A_212] : memref<80x64xi32, #tpu.memory_space<vmem>> -> memref<1x64xi32, #tpu.memory_space<vmem>>
        %dma_start3A_214 = tpu.memref_squeeze %dma_start3A_213 : memref<1x64xi32, #tpu.memory_space<vmem>> -> memref<64xi32, #tpu.memory_space<vmem>>
        %dma_start3A_215 = arith.constant 0 : i32
        %dma_start3A_216 = arith.constant 0 : i32
        %dma_start3A_217 = tpu.memref_slice %arg2[%dma_start3A_215, %dma_start3A_216] : memref<10240x128xf32, #tpu.memory_space<hbm>> -> memref<10240x128xf32, #tpu.memory_space<hbm>>
        tpu.enqueue_indirect_dma source(%dma_start3A_217 : memref<10240x128xf32, #tpu.memory_space<hbm>>) target(%dma_start3A_211 : memref<64x128xf32, #tpu.memory_space<vmem>>) offsets(%dma_start3A_214 : memref<64xi32, #tpu.memory_space<vmem>>) semaphore(%arg10 : memref<!tpu.dma_semaphore, #tpu.memory_space<semaphore_mem>>)
      } else {
      }
      %add3A_185 = arith.constant 1 : i32
      %add3A_186 = arith.addi %add3A_120, %add3A_185 : i32
      %dma_wait3A_187 = arith.constant 1 : i32
      %dma_wait3A_188 = arith.constant 0 : i32
      %dma_wait3A_189 = arith.constant 0 : i32
      %dma_wait3A_190 = tpu.memref_slice %arg8[%dma_wait3A_187, %dma_wait3A_188, %dma_wait3A_189] : memref<2x64x128xf32, #tpu.memory_space<vmem>> -> memref<1x64x128xf32, #tpu.memory_space<vmem>>
      %dma_wait3A_191 = tpu.memref_squeeze %dma_wait3A_190 : memref<1x64x128xf32, #tpu.memory_space<vmem>> -> memref<64x128xf32, #tpu.memory_space<vmem>>
      %dma_wait3A_192 = arith.constant 0 : i32
      %dma_wait3A_193 = tpu.memref_slice %arg7[%add3A_186, %dma_wait3A_192] : memref<80x64xi32, #tpu.memory_space<vmem>> -> memref<1x64xi32, #tpu.memory_space<vmem>>
      %dma_wait3A_194 = tpu.memref_squeeze %dma_wait3A_193 : memref<1x64xi32, #tpu.memory_space<vmem>> -> memref<64xi32, #tpu.memory_space<vmem>>
      %dma_wait3A_195 = arith.constant 0 : i32
      %dma_wait3A_196 = arith.constant 0 : i32
      %dma_wait3A_197 = tpu.memref_slice %arg9[%dma_wait3A_195, %dma_wait3A_196] : memref<10240x128xf32, #tpu.memory_space<vmem_shared>> -> memref<10240x128xf32, #tpu.memory_space<vmem_shared>>
      tpu.wait_indirect_dma semaphore(%arg13 : memref<!tpu.dma_semaphore, #tpu.memory_space<semaphore_mem>>) src(%dma_wait3A_191 : memref<64x128xf32, #tpu.memory_space<vmem>>) dst(%dma_wait3A_197 : memref<10240x128xf32, #tpu.memory_space<vmem_shared>>)
      %add3A_198 = arith.constant 2 : i32
      %add3A_199 = arith.addi %add3A_186, %add3A_198 : i32
      %lt3A_200 = arith.constant 80 : i32
      %lt3A_201 = arith.cmpi slt, %add3A_199, %lt3A_200 : i32
      %convert_element_type3A_202 = arith.extui %lt3A_201 : i1 to i32
      %cond3A_203 = arith.constant 0 : i32
      %cond3A_204 = arith.cmpi ne, %convert_element_type3A_202, %cond3A_203 : i32
      scf.if %cond3A_204 {
        %add3A_205 = arith.constant 2 : i32
        %add3A_206 = arith.addi %add3A_186, %add3A_205 : i32
        %dma_start3A_207 = arith.constant 1 : i32
        %dma_start3A_208 = arith.constant 0 : i32
        %dma_start3A_209 = arith.constant 0 : i32
        %dma_start3A_210 = tpu.memref_slice %arg8[%dma_start3A_207, %dma_start3A_208, %dma_start3A_209] : memref<2x64x128xf32, #tpu.memory_space<vmem>> -> memref<1x64x128xf32, #tpu.memory_space<vmem>>
        %dma_start3A_211 = tpu.memref_squeeze %dma_start3A_210 : memref<1x64x128xf32, #tpu.memory_space<vmem>> -> memref<64x128xf32, #tpu.memory_space<vmem>>
        %dma_start3A_212 = arith.constant 0 : i32
        %dma_start3A_213 = tpu.memref_slice %arg6[%add3A_206, %dma_start3A_212] : memref<80x64xi32, #tpu.memory_space<vmem>> -> memref<1x64xi32, #tpu.memory_space<vmem>>
        %dma_start3A_214 = tpu.memref_squeeze %dma_start3A_213 : memref<1x64xi32, #tpu.memory_space<vmem>> -> memref<64xi32, #tpu.memory_space<vmem>>
        %dma_start3A_215 = arith.constant 0 : i32
        %dma_start3A_216 = arith.constant 0 : i32
        %dma_start3A_217 = tpu.memref_slice %arg2[%dma_start3A_215, %dma_start3A_216] : memref<10240x128xf32, #tpu.memory_space<hbm>> -> memref<10240x128xf32, #tpu.memory_space<hbm>>
        tpu.enqueue_indirect_dma source(%dma_start3A_217 : memref<10240x128xf32, #tpu.memory_space<hbm>>) target(%dma_start3A_211 : memref<64x128xf32, #tpu.memory_space<vmem>>) offsets(%dma_start3A_214 : memref<64xi32, #tpu.memory_space<vmem>>) semaphore(%arg11 : memref<!tpu.dma_semaphore, #tpu.memory_space<semaphore_mem>>)
      } else {
      }
    }
    %scan3A_110 = arith.constant 40 : i32
    %barrier3A_111 = arith.constant 0 : index
    tpu.barrier barrier_id(%barrier3A_111)
    %mul3A_112 = arith.constant 640 : i32
    %mul3A_113 = arith.muli %arg1, %mul3A_112 : i32
    %mul3A_114 = arith.constant 640 : i32
    %mul3A_115 = arith.muli %arg1, %mul3A_114 : i32
    "tpu.region"() ({
      %run_scoped3A_116 = tpu.sem_alloc : memref<!tpu.dma_semaphore, #tpu.memory_space<semaphore_mem>>
      %dma_start3A_117 = arith.constant 0 : i32
      %dma_start3A_118 = tpu.memref_slice %arg5[%arg0, %mul3A_115, %dma_start3A_117] : memref<2x10240x128xf32, #tpu.memory_space<hbm>> -> memref<1x640x128xf32, #tpu.memory_space<hbm>>
      %dma_start3A_119 = tpu.memref_squeeze %dma_start3A_118 : memref<1x640x128xf32, #tpu.memory_space<hbm>> -> memref<640x128xf32, #tpu.memory_space<hbm>>
      %dma_start3A_120 = arith.constant 0 : i32
      %dma_start3A_121 = tpu.memref_slice %arg9[%mul3A_113, %dma_start3A_120] : memref<10240x128xf32, #tpu.memory_space<vmem_shared>> -> memref<640x128xf32, #tpu.memory_space<vmem_shared>>
      tpu.enqueue_dma source(%dma_start3A_121 : memref<640x128xf32, #tpu.memory_space<vmem_shared>>) target(%dma_start3A_119 : memref<640x128xf32, #tpu.memory_space<hbm>>) target_semaphore(%run_scoped3A_116 : memref<!tpu.dma_semaphore, #tpu.memory_space<semaphore_mem>>)
      %dma_wait3A = arith.constant 0 : i32
      %dma_wait3A_122 = tpu.memref_slice %arg5[%arg0, %mul3A_115, %dma_wait3A] : memref<2x10240x128xf32, #tpu.memory_space<hbm>> -> memref<1x640x128xf32, #tpu.memory_space<hbm>>
      %dma_wait3A_123 = tpu.memref_squeeze %dma_wait3A_122 : memref<1x640x128xf32, #tpu.memory_space<hbm>> -> memref<640x128xf32, #tpu.memory_space<hbm>>
      %dma_wait3A_124 = arith.constant 0 : i32
      %dma_wait3A_125 = tpu.memref_slice %arg9[%mul3A_113, %dma_wait3A_124] : memref<10240x128xf32, #tpu.memory_space<vmem_shared>> -> memref<640x128xf32, #tpu.memory_space<vmem_shared>>
      tpu.wait_dma2 semaphore(%run_scoped3A_116 : memref<!tpu.dma_semaphore, #tpu.memory_space<semaphore_mem>>) src(%dma_wait3A_125 : memref<640x128xf32, #tpu.memory_space<vmem_shared>>) dst(%dma_wait3A_123 : memref<640x128xf32, #tpu.memory_space<hbm>>)
      tpu.yield
    }) : () -> ()
    return
  }
}

module attributes {stable_mosaic.version = 14 : i64} {
  func.func @body(%arg0: i32, %arg1: memref<2x512x128xf32, #tpu.memory_space<vmem>>, %arg2: memref<512x128xf32, #tpu.memory_space<vmem>>, %arg3: memref<512x1xf32, #tpu.memory_space<vmem>>, %arg4: memref<128x256xf32, #tpu.memory_space<vmem>>, %arg5: memref<1x256xf32, #tpu.memory_space<vmem>>, %arg6: memref<256x128xf32, #tpu.memory_space<vmem>>, %arg7: memref<1x128xf32, #tpu.memory_space<vmem>>, %arg8: memref<512x128xf32, #tpu.memory_space<vmem>>, %arg9: memref<512x128xf32, #tpu.memory_space<vmem>>) attributes {dimension_semantics = [#tpu.dimension_semantics<arbitrary>], iteration_bounds = array<i64: 20>, scalar_prefetch = 0 : i64, scratch_operands = 0 : i64, tpu.core_type = #tpu.core_type<tc>, window_params = [{transform_indices = @transform_0, window_bounds = array<i64: 2, 512, 128>}, {transform_indices = @transform_1, window_bounds = array<i64: 512, 128>}, {transform_indices = @transform_2, window_bounds = array<i64: 512, 1>}, {pipeline_mode = #tpu.pipeline_mode<synchronous>, transform_indices = @transform_3, window_bounds = array<i64: 128, 256>}, {pipeline_mode = #tpu.pipeline_mode<synchronous>, transform_indices = @transform_4, window_bounds = array<i64: 1, 256>}, {pipeline_mode = #tpu.pipeline_mode<synchronous>, transform_indices = @transform_5, window_bounds = array<i64: 256, 128>}, {pipeline_mode = #tpu.pipeline_mode<synchronous>, transform_indices = @transform_6, window_bounds = array<i64: 1, 128>}, {transform_indices = @transform_7, window_bounds = array<i64: 512, 128>}, {transform_indices = @transform_8, window_bounds = array<i64: 512, 128>}]} {
    %get3A = arith.constant 0 : index
    %get3A_0 = arith.constant 0 : index
    %get3A_1 = vector.load %arg3[%get3A, %get3A_0] : memref<512x1xf32, #tpu.memory_space<vmem>>, vector<512x1xf32>
    %mul3A = arith.mulf %get3A_1, %get3A_1 : vector<512x1xf32>
    %get3A_2 = arith.constant 0 : index
    %get3A_3 = arith.constant 0 : index
    %get3A_4 = arith.constant 0 : index
    %get3A_5 = vector.load %arg1[%get3A_2, %get3A_3, %get3A_4] : memref<2x512x128xf32, #tpu.memory_space<vmem>>, vector<1x512x128xf32>
    %get3A_6 = vector.shape_cast %get3A_5 : vector<1x512x128xf32> to vector<512x128xf32>
    %get3A_7 = arith.constant 1 : index
    %get3A_8 = arith.constant 0 : index
    %get3A_9 = arith.constant 0 : index
    %get3A_10 = vector.load %arg1[%get3A_7, %get3A_8, %get3A_9] : memref<2x512x128xf32, #tpu.memory_space<vmem>>, vector<1x512x128xf32>
    %get3A_11 = vector.shape_cast %get3A_10 : vector<1x512x128xf32> to vector<512x128xf32>
    %add3A = arith.addf %get3A_6, %get3A_11 : vector<512x128xf32>
    %mul3A_12 = vector.broadcast %get3A_1 : vector<512x1xf32> to vector<512x128xf32>
    %mul3A_13 = arith.mulf %mul3A_12, %add3A : vector<512x128xf32>
    %get3A_14 = arith.constant 0 : index
    %get3A_15 = arith.constant 0 : index
    %get3A_16 = vector.load %arg2[%get3A_14, %get3A_15] : memref<512x128xf32, #tpu.memory_space<vmem>>, vector<512x128xf32>
    %mul3A_17 = vector.broadcast %mul3A : vector<512x1xf32> to vector<512x128xf32>
    %mul3A_18 = arith.mulf %mul3A_17, %get3A_16 : vector<512x128xf32>
    %add3A_19 = arith.addf %mul3A_13, %mul3A_18 : vector<512x128xf32>
    %get3A_20 = arith.constant 0 : index
    %get3A_21 = arith.constant 0 : index
    %get3A_22 = vector.load %arg4[%get3A_20, %get3A_21] : memref<128x256xf32, #tpu.memory_space<vmem>>, vector<128x256xf32>
    %dot_general3A = arith.constant dense<0.000000e+00> : vector<512x256xf32>
    %dot_general3A_23 = tpu.matmul %add3A_19, %get3A_22, %dot_general3A {dimension_numbers = #tpu.dot_dimension_numbers<[1], [0], [0], [1], [0, 0, 1, 1], [], []>, transpose_lhs_hint = false} : vector<512x128xf32>, vector<128x256xf32>, vector<512x256xf32> -> vector<512x256xf32>
    %get3A_24 = arith.constant 0 : index
    %get3A_25 = arith.constant 0 : index
    %get3A_26 = vector.load %arg5[%get3A_24, %get3A_25] : memref<1x256xf32, #tpu.memory_space<vmem>>, vector<1x256xf32>
    %add3A_27 = vector.broadcast %get3A_26 : vector<1x256xf32> to vector<512x256xf32>
    %add3A_28 = arith.addf %dot_general3A_23, %add3A_27 : vector<512x256xf32>
    %max3A = arith.constant 0.000000e+00 : f32
    %max3A_29 = vector.broadcast %max3A : f32 to vector<512x256xf32>
    %max3A_30 = arith.maximumf %add3A_28, %max3A_29 : vector<512x256xf32>
    %get3A_31 = arith.constant 0 : index
    %get3A_32 = arith.constant 0 : index
    %get3A_33 = vector.load %arg6[%get3A_31, %get3A_32] : memref<256x128xf32, #tpu.memory_space<vmem>>, vector<256x128xf32>
    %dot_general3A_34 = arith.constant dense<0.000000e+00> : vector<512x128xf32>
    %dot_general3A_35 = tpu.matmul %max3A_30, %get3A_33, %dot_general3A_34 {dimension_numbers = #tpu.dot_dimension_numbers<[1], [0], [0], [1], [0, 0, 1, 1], [], []>, transpose_lhs_hint = false} : vector<512x256xf32>, vector<256x128xf32>, vector<512x128xf32> -> vector<512x128xf32>
    %mul3A_36 = vector.broadcast %get3A_1 : vector<512x1xf32> to vector<512x128xf32>
    %mul3A_37 = arith.mulf %mul3A_36, %dot_general3A_35 : vector<512x128xf32>
    %swap3A = arith.constant 0 : index
    %swap3A_38 = arith.constant 0 : index
    %swap3A_39 = vector.load %arg8[%swap3A, %swap3A_38] : memref<512x128xf32, #tpu.memory_space<vmem>>, vector<512x128xf32>
    tpu.vector_store %arg8[%swap3A, %swap3A_38], %mul3A_37 {strides = array<i32>} : memref<512x128xf32, #tpu.memory_space<vmem>>, vector<512x128xf32>,
    %mul3A_40 = vector.broadcast %mul3A : vector<512x1xf32> to vector<512x128xf32>
    %mul3A_41 = arith.mulf %mul3A_40, %dot_general3A_35 : vector<512x128xf32>
    %get3A_42 = arith.constant 0 : index
    %get3A_43 = arith.constant 0 : index
    %get3A_44 = vector.load %arg7[%get3A_42, %get3A_43] : memref<1x128xf32, #tpu.memory_space<vmem>>, vector<1x128xf32>
    %add3A_45 = vector.broadcast %get3A_44 : vector<1x128xf32> to vector<512x128xf32>
    %add3A_46 = arith.addf %mul3A_41, %add3A_45 : vector<512x128xf32>
    %swap3A_47 = arith.constant 0 : index
    %swap3A_48 = arith.constant 0 : index
    %swap3A_49 = vector.load %arg9[%swap3A_47, %swap3A_48] : memref<512x128xf32, #tpu.memory_space<vmem>>, vector<512x128xf32>
    tpu.vector_store %arg9[%swap3A_47, %swap3A_48], %add3A_46 {strides = array<i32>} : memref<512x128xf32, #tpu.memory_space<vmem>>, vector<512x128xf32>,
    return
  }
  func.func @transform_0(%arg0: i32) -> (i32, i32, i32) {
    %c0_i32 = arith.constant 0 : i32
    %c0_i32_0 = arith.constant 0 : i32
    %c0_i32_1 = arith.constant 0 : i32
    return %c0_i32, %arg0, %c0_i32_0 : i32, i32, i32
  }
  func.func @transform_1(%arg0: i32) -> (i32, i32) {
    %c0_i32 = arith.constant 0 : i32
    %c0_i32_0 = arith.constant 0 : i32
    return %arg0, %c0_i32 : i32, i32
  }
  func.func @transform_2(%arg0: i32) -> (i32, i32) {
    %c0_i32 = arith.constant 0 : i32
    %c0_i32_0 = arith.constant 0 : i32
    return %arg0, %c0_i32 : i32, i32
  }
  func.func @transform_3(%arg0: i32) -> (i32, i32) {
    %c0_i32 = arith.constant 0 : i32
    %c0_i32_0 = arith.constant 0 : i32
    %c0_i32_1 = arith.constant 0 : i32
    return %c0_i32, %c0_i32_0 : i32, i32
  }
  func.func @transform_4(%arg0: i32) -> (i32, i32) {
    %c0_i32 = arith.constant 0 : i32
    %c0_i32_0 = arith.constant 0 : i32
    %c0_i32_1 = arith.constant 0 : i32
    return %c0_i32, %c0_i32_0 : i32, i32
  }
  func.func @transform_5(%arg0: i32) -> (i32, i32) {
    %c0_i32 = arith.constant 0 : i32
    %c0_i32_0 = arith.constant 0 : i32
    %c0_i32_1 = arith.constant 0 : i32
    return %c0_i32, %c0_i32_0 : i32, i32
  }
  func.func @transform_6(%arg0: i32) -> (i32, i32) {
    %c0_i32 = arith.constant 0 : i32
    %c0_i32_0 = arith.constant 0 : i32
    %c0_i32_1 = arith.constant 0 : i32
    return %c0_i32, %c0_i32_0 : i32, i32
  }
  func.func @transform_7(%arg0: i32) -> (i32, i32) {
    %c0_i32 = arith.constant 0 : i32
    %c0_i32_0 = arith.constant 0 : i32
    return %arg0, %c0_i32 : i32, i32
  }
  func.func @transform_8(%arg0: i32) -> (i32, i32) {
    %c0_i32 = arith.constant 0 : i32
    %c0_i32_0 = arith.constant 0 : i32
    return %arg0, %c0_i32 : i32, i32
  }
}

module attributes {stable_mosaic.version = 14 : i64} {
  func.func @body(%arg0: i32, %arg1: memref<2x512x128xf32, #tpu.memory_space<vmem>>, %arg2: memref<512x1xf32, #tpu.memory_space<vmem>>, %arg3: memref<512x128xf32, #tpu.memory_space<vmem>>, %arg4: memref<512x128xf32, #tpu.memory_space<vmem>>) attributes {dimension_semantics = [#tpu.dimension_semantics<arbitrary>], iteration_bounds = array<i64: 20>, scalar_prefetch = 0 : i64, scratch_operands = 0 : i64, tpu.core_type = #tpu.core_type<tc>, window_params = [{transform_indices = @transform_0, window_bounds = array<i64: 2, 512, 128>}, {transform_indices = @transform_1, window_bounds = array<i64: 512, 1>}, {transform_indices = @transform_2, window_bounds = array<i64: 512, 128>}, {transform_indices = @transform_3, window_bounds = array<i64: 512, 128>}]} {
    %get3A = arith.constant 0 : index
    %get3A_0 = arith.constant 0 : index
    %get3A_1 = vector.load %arg2[%get3A, %get3A_0] : memref<512x1xf32, #tpu.memory_space<vmem>>, vector<512x1xf32>
    %get3A_2 = arith.constant 0 : index
    %get3A_3 = arith.constant 0 : index
    %get3A_4 = arith.constant 0 : index
    %get3A_5 = vector.load %arg1[%get3A_2, %get3A_3, %get3A_4] : memref<2x512x128xf32, #tpu.memory_space<vmem>>, vector<1x512x128xf32>
    %get3A_6 = vector.shape_cast %get3A_5 : vector<1x512x128xf32> to vector<512x128xf32>
    %get3A_7 = arith.constant 1 : index
    %get3A_8 = arith.constant 0 : index
    %get3A_9 = arith.constant 0 : index
    %get3A_10 = vector.load %arg1[%get3A_7, %get3A_8, %get3A_9] : memref<2x512x128xf32, #tpu.memory_space<vmem>>, vector<1x512x128xf32>
    %get3A_11 = vector.shape_cast %get3A_10 : vector<1x512x128xf32> to vector<512x128xf32>
    %add3A = arith.addf %get3A_6, %get3A_11 : vector<512x128xf32>
    %mul3A = vector.broadcast %get3A_1 : vector<512x1xf32> to vector<512x128xf32>
    %mul3A_12 = arith.mulf %mul3A, %add3A : vector<512x128xf32>
    %get3A_13 = arith.constant 0 : index
    %get3A_14 = arith.constant 0 : index
    %get3A_15 = vector.load %arg3[%get3A_13, %get3A_14] : memref<512x128xf32, #tpu.memory_space<vmem>>, vector<512x128xf32>
    %add3A_16 = arith.addf %mul3A_12, %get3A_15 : vector<512x128xf32>
    %swap3A = arith.constant 0 : index
    %swap3A_17 = arith.constant 0 : index
    %swap3A_18 = vector.load %arg4[%swap3A, %swap3A_17] : memref<512x128xf32, #tpu.memory_space<vmem>>, vector<512x128xf32>
    tpu.vector_store %arg4[%swap3A, %swap3A_17], %add3A_16 {strides = array<i32>} : memref<512x128xf32, #tpu.memory_space<vmem>>, vector<512x128xf32>,
    return
  }
  func.func @transform_0(%arg0: i32) -> (i32, i32, i32) {
    %c0_i32 = arith.constant 0 : i32
    %c0_i32_0 = arith.constant 0 : i32
    %c0_i32_1 = arith.constant 0 : i32
    return %c0_i32, %arg0, %c0_i32_0 : i32, i32, i32
  }
  func.func @transform_1(%arg0: i32) -> (i32, i32) {
    %c0_i32 = arith.constant 0 : i32
    %c0_i32_0 = arith.constant 0 : i32
    return %arg0, %c0_i32 : i32, i32
  }
  func.func @transform_2(%arg0: i32) -> (i32, i32) {
    %c0_i32 = arith.constant 0 : i32
    %c0_i32_0 = arith.constant 0 : i32
    return %arg0, %c0_i32 : i32, i32
  }
  func.func @transform_3(%arg0: i32) -> (i32, i32) {
    %c0_i32 = arith.constant 0 : i32
    %c0_i32_0 = arith.constant 0 : i32
    return %arg0, %c0_i32 : i32, i32
  }
}

</mosaic_0001>

<sc_bundles>
// kernel: kernel.10.cloned.1.call-start
scs
__scs_entry_jumppad:
0x0: {  	(pc) =	sbr.rel $0x88, $3  }
0x1: {  	(tag) =	ssettag $0x0;
	lr =	simm.s32 $0x1  }
0x2: {  	[smem:$0x3F9B] =	sst lr;
	_ =	strace $0xD0000000  }
0x3: {  	_ = 	snop  }
0x4: {  	_ = 	snop  }
0x5: {  	_ = 	snop  }
0x6: {  	_ = 	snop  }
0x7: {  	_ = 	snop  }
__scs_overlays_trampoline_lowered:
0x8: {  	[smem:$0x3FAA] =	sst s0  }
0x9: {  	[smem:$0x3FAB] =	sst s1  }
0xa: {  	[smem:$0x3FAC] =	sst s2  }
0xb: {  	[smem:$0x3FAD] =	sst s3  }
0xc: {  	[smem:$0x3FAE] =	sst s4  }
0xd: {  	[smem:$0x3FAF] =	sst s5  }
0xe: {  	[smem:$0x3FB0] =	sst s6  }
0xf: {  	[smem:$0x3FB1] =	sst s7  }
0x10: {  	[smem:$0x3FB2] =	sst s8  }
0x11: {  	[smem:$0x3FB3] =	sst s9;
	s0 =	simm.s32 @!p0 $0x0  }
0x12: {  	s1 =	sld [smem:$0x3F99];
	s0 =	simm.s32 @p0 $0x1  }
0x13: {  	[smem:$0x3FB4] =	sst s0;
	s0 =	simm.s32 @!p1 $0x0  }
0x14: {  	s2 =	sld [smem:$0x3F98];
	s0 =	simm.s32 @p1 $0x1  }
0x15: {  	[smem:$0x3FB5] =	sst s0;
	s0 =	simm.s32 @!p2 $0x0  }
0x16: {  	s3 =	sld [smem:$0x3FDB];
	s0 =	simm.s32 @p2 $0x1  }
0x17: {  	s4 =	simm.s32 $0x1BF5;
	[smem:$0x3FB7] =	sst s0  }
0x18: {  	s0 =	sld [smem:$0x3F9A];
	_ =	swait.ge [sflag:s4], $0x0  }
0x19: {  	s7 =	sld [smem:$0x3F9B]  }
0x1a: {  	s8 =	sadd.s32 $0xFFFFE003, lr  }
0x1b: {  	s9 =	sadd.s32 $0xFFFFFEF7, lr;
	s5 =	simm.s32 $0xFFFFFFFF;
	p2 =	slt.u32 s8, $0xFFFFF086  }
0x1c: {  	p1 =	slt.u32 s9, $0xF7A;
	s5 =	simm.s32 @!p2 $0x0  }
0x1d: {  	s5 =	simm.s32 @p1 $0x1;
	p0 =	seq.s32 s7, s2  }
0x1e: {  	s7 =	smul.u32 @!p0 $0xF7A, s2;
	p2 =	seq.s32 @!p0 s5, $0x0  }
0x1f: {  	s9 =	smul.u32 $0xF7A, s1;
	s8 =	simm.s32 @!p0 $0x1BF5;
	p2 =	por !p2, p0  }
0x20: {  	[sflag:s8] =	ssyncset.s32 @!p0 $0xFFFFF086;
	s6 =	sadd.s32 @!p0 s3, s7;
	s7 =	simm.s32 @!p0 $0x108  }
0x21: {  	s3 =	sadd.s32 s3, s9;
	s6 =	sadd.s32 @!p0 $0x88, s6;
	s7 =	simm.s32 @p2 $0x1082  }
0x22: {  	[simem:s7], [sflag:s8] =	dma.local @!p0 [hbm:s6], $0xF7A  }
0x23: {  	s9 =	sor.u32 $0xD0000000, s2;
	s6 =	simm.s32 $0x108;
	_ =	swait.ge @!p0 [sflag:s8], $0x0  }
0x24: {  	s3 =	sadd.s32 $0x88, s3;
	s6 =	simm.s32 @!p1 $0x1082;
	[sflag:s4] =	ssyncset.s32 $0xFFFFF086  }
0x25: {  	[simem:s6], [sflag:s4] =	dma.local [hbm:s3], $0xF7A  }
0x26: {  	[smem:$0x3F9B] =	sst s1;
	(tag) =	ssettag s2;
	_ =	strace s9  }
0x27: {  	s1 =	sld [smem:$0x3FAB]  }
0x28: {  	s2 =	sld [smem:$0x3FAC]  }
0x29: {  	s4 =	sld [smem:$0x3FAE]  }
0x2a: {  	p0 =	seq.s32 s5, $0x0;
	s5 =	sld [smem:$0x3FAF]  }
0x2b: {  	s6 =	sld [smem:$0x3FB0]  }
0x2c: {  	s7 =	sld [smem:$0x3FB1]  }
0x2d: {  	s3 =	simm.s32 $0x108;
	s8 =	sld [smem:$0x3FB2]  }
0x2e: {  	s3 =	simm.s32 @!p0 $0x1082;
	s9 =	sld [smem:$0x3FB3]  }
0x2f: {  	lr =	sadd.s32 s0, s3;
	s0 =	sld [smem:$0x3FAA]  }
0x30: {  	s3 =	sld [smem:$0x3FAD]  }
0x31: {  	[smem:$0x3FB6] =	sst s10  }
0x32: {  	s10 =	sld [smem:$0x3FB4];
	_ =	sdelay $0x3  }
0x33: {  	p0 =	seq.s32 s10, $0x1;
	s10 =	sld [smem:$0x3FB6];
	_ =	sdelay $0x3  }
0x34: {  	[smem:$0x3FB6] =	sst s10  }
0x35: {  	s10 =	sld [smem:$0x3FB5];
	_ =	sdelay $0x3  }
0x36: {  	p1 =	seq.s32 s10, $0x1;
	s10 =	sld [smem:$0x3FB6];
	_ =	sdelay $0x3  }
0x37: {  	[smem:$0x3FB6] =	sst s10  }
0x38: {  	s10 =	sld [smem:$0x3FB7]  }
0x39: {  	_ = 	snop;
	(pc) =	sbr.ind lr, $3  }
0x3a: {  	_ = 	snop  }
0x3b: {  	_ = 	snop  }
0x3c: {  	p2 =	seq.s32 s10, $0x1;
	s10 =	sld [smem:$0x3FB6]  }
0x3d: {  	_ =	shalt  }
0x3e: {  	_ =	shalt  }
0x3f: {  	_ =	shalt  }
0x40: {  	_ =	shalt  }
0x41: {  	_ =	shalt  }
0x42: {  	_ =	shalt  }
0x43: {  	_ =	shalt  }
0x44: {  	_ =	shalt  }
0x45: {  	_ =	shalt  }
0x46: {  	_ =	shalt  }
0x47: {  	_ =	shalt  }
0x48: {  	_ =	shalt  }
0x49: {  	_ =	shalt  }
0x4a: {  	_ =	shalt  }
0x4b: {  	_ =	shalt  }
0x4c: {  	_ =	shalt  }
0x4d: {  	_ =	shalt  }
0x4e: {  	_ =	shalt  }
0x4f: {  	_ =	shalt  }
0x50: {  	_ =	shalt  }
0x51: {  	_ =	shalt  }
0x52: {  	_ =	shalt  }
0x53: {  	_ =	shalt  }
0x54: {  	_ =	shalt  }
0x55: {  	_ =	shalt  }
0x56: {  	_ =	shalt  }
0x57: {  	_ =	shalt  }
0x58: {  	_ =	shalt  }
0x59: {  	_ =	shalt  }
0x5a: {  	_ =	shalt  }
0x5b: {  	_ =	shalt  }
0x5c: {  	_ =	shalt  }
0x5d: {  	_ =	shalt  }
0x5e: {  	_ =	shalt  }
0x5f: {  	_ =	shalt  }
0x60: {  	_ =	shalt  }
0x61: {  	_ =	shalt  }
0x62: {  	_ =	shalt  }
0x63: {  	_ =	shalt  }
0x64: {  	_ =	shalt  }
0x65: {  	_ =	shalt  }
0x66: {  	_ =	shalt  }
0x67: {  	_ =	shalt  }
0x68: {  	_ =	shalt  }
0x69: {  	_ =	shalt  }
0x6a: {  	_ =	shalt  }
0x6b: {  	_ =	shalt  }
0x6c: {  	_ =	shalt  }
0x6d: {  	_ =	shalt  }
0x6e: {  	_ =	shalt  }
0x6f: {  	_ =	shalt  }
0x70: {  	_ =	shalt  }
0x71: {  	_ =	shalt  }
0x72: {  	_ =	shalt  }
0x73: {  	_ =	shalt  }
0x74: {  	_ =	shalt  }
0x75: {  	_ =	shalt  }
0x76: {  	_ =	shalt  }
0x77: {  	_ =	shalt  }
0x78: {  	_ =	shalt  }
0x79: {  	_ =	shalt  }
0x7a: {  	_ =	shalt  }
0x7b: {  	_ =	shalt  }
0x7c: {  	_ =	shalt  }
0x7d: {  	_ =	shalt  }
0x7e: {  	_ =	shalt  }
0x7f: {  	_ =	shalt  }
0x80: {  	_ =	shalt  }
0x81: {  	_ =	shalt  }
0x82: {  	_ =	shalt  }
0x83: {  	_ =	shalt  }
0x84: {  	_ =	shalt  }
0x85: {  	_ =	shalt  }
0x86: {  	_ =	shalt  }
0x87: {  	_ =	shalt  }
.Lfunc_end0:
.L_simem_size_0:
called_computation.1_lowered:
.L_overlay_start_0:
0x88: {  	s2 =	sld [smem:$0x3FD9]  }
0x89: {  	s3 =	sld [smem:$0x3FFE];
	_ =	sdelay $0x1  }
0x8a: {  	s1 =	srdreg.scid  }
0x8b: {  	s0 =	sand.u32 $0x1, s1  }
0x8c: {  	s17 =	sshll.u32 s0, $0xA;
	s2 =	sadd.s32 s3, s2  }
0x8d: {  	s2 =	sadd.s32 s2, s17  }
0x8e: {  	[smem:$0x3FC2] =	sst s2  }
0x8f: {  	_ = 	snop  }
0x90: {  	s2 =	sld [smem:$0x3FD0];
	(tm) =	ssettm $0x1  }
0x91: {  	s18 =	sld [smem:$0x3FFB];
	_ =	sdelay $0x3  }
0x92: {  	_ =	strace s18  }
0x93: {  	s3 =	sld [smem:$0x3FFC];
	_ =	sdelay $0x3  }
0x94: {  	_ =	strace s3  }
0x95: {  	s3 =	sld [smem:$0x3FFD];
	_ =	sdelay $0x3  }
0x96: {  	_ =	strace s3  }
0x97: {  	_ =	strace $0x8FFFFFFF  }
0x98: {  	s19 =	sld [smem:$0x3FDB];
	_ =	sdelay $0x1  }
0x99: {  	s4 =	simm.s32 $_scs_section_size  }
0x9a: {  	s5 =	simm.s32 $_size__tile_overlayer_lowered;
	s6 =	simm.s32 $_tile_overlayer_lowered  }
0x9b: {  	s22 =	simm.s32 $0x1BFF;
	s21 =	sshll.u32 s6, $0x1;
	s3 =	sadd.s32 s4, s19  }
0x9c: {  	s7 =	simm.s32 $0x0;
	s20 =	sshll.u32 s5, $0x1;
	s5 =	sadd.s32 s21, s3  }
0x9d: {  	[timem:s7], [sflag:s22] =	dma.local [hbm:s5], s20  }
0x9e: {  	_ =	swait.ge [sflag:s22], s20  }
0x9f: {  	s4 =	ssub.s32 $0x0, s20;
	[sflag:s22] =	ssyncset.done $0x0  }
0xa0: {  	[sflag:s22] =	ssyncadd.s32 s4;
	_ =	sdelay $0x1  }
0xa1: {  	s23 =	simm.s32 $0x1B8B  }
0xa2: {  	_ =	swait.ge [sflag:s23], $0x1  }
0xa3: {  	[sflag:s23] =	ssyncset.done $0x0  }
0xa4: {  	s25 =	simm.s32 $0x1B8E;
	s24 =	sld [smem:$0x3FFE];
	[sflag:s23] =	ssyncadd.s32 $0xFFFFFFFF  }
0xa5: {  	s26 =	simm.s32 $execute0_lowered;
	[smem:$0x3FD2] =	sst s25  }
0xa6: {  	s5 =	sshll.u32 s26, $0x1;
	_ =	strace $0x80000049;
	[dreg:$0x1] =	wrdreg $0xFFFFFFFF  }
0xa7: {  	s28 =	simm.s32 $_size_execute0_lowered;
	s3 =	sadd.s32 s3, s5;
	[dreg:$0x0] =	wrdreg $0x0  }
0xa8: {  	s5 =	sshll.u32 s28, $0x1;
	[dreg:$0x2] =	wrdreg s3  }
0xa9: {  	[dreg:$0x3] =	wrdreg s5  }
0xaa: {  	[dreg:$0x4] =	wrdreg $0xC0  }
0xab: {  	_ =	task [dreg:s7], $0x5FFFF  }
0xac: {  	[dreg:$0x1] =	wrdreg $0xFFFFFFFF  }
0xad: {  	[dreg:$0x0] =	wrdreg $0x60  }
0xae: {  	[dreg:$0x2] =	wrdreg s24  }
0xaf: {  	[dreg:$0x3] =	wrdreg s2  }
0xb0: {  	[dreg:$0x4] =	wrdreg $0x90000  }
0xb1: {  	[dreg:$0x5] =	wrdreg $0x9  }
0xb2: {  	_ =	task.clear_ibuf [dreg:s7], $0x6FFFF;
	_ =	strace $0x90000049  }
0xb3: {  	s29 =	simm.s32 $0x9;
	_ =	strace $0x8000004B  }
0xb4: {  	_ =	swait.ge [sflag:s29], $0x1  }
0xb5: {  	[sflag:s29] =	ssyncadd.s32 $0xFFFFFFFF  }
0xb6: {  	_ =	strace $0x9000004B  }
0xb7: {  	_ =	sfence  }
0xb8: {  	s30 =	sld [smem:$0x0];
	_ =	sdelay $0x2  }
0xb9: {  	s31 =	sshll.u32 s1, $0xD;
	s1 =	sshrl.u32 s1, $0x2  }
0xba: {  	s3 =	sand.u32 $0x4000, s31;
	s1 =	sadd.s32 s1, s30  }
0xbb: {  	s0 =	sor.u32 s3, s0;
	s1 =	sshll.u32 s1, $0x11  }
0xbc: {  	s0 =	sor.u32 s1, s0  }
0xbd: {  	s0 =	sadd.s32 $0x8F2B, s0  }
0xbe: {  	[sflag:s0] =	ssyncadd.remote.s32 $0x1  }
0xbf: {  	_ =	sfence.sel $0xFFFF  }
0xc0: {  	[dreg:$0x0] =	wrdreg $0xFFFFFFFF;
	(pc) =	sbr.abs _section_cstart, $3  }
0xc1: {  	[dreg:$0x1] =	wrdreg $0xFFFFFFFF  }
0xc2: {  	_ =	task.clear_ibuf [dreg:s7], $0x2FFFF;
	_ =	strace $0x9FFFFFFF  }
0xc3: {  	(tm) =	ssettm $0x7FFFFFFF  }
tec
execute0_lowered:
.L_overlay_start_1:
0x0: {  	(tag) =	ssettag $0x1  }
0x1: {  	s0 =	rddreg [dreg:$0x0]  }
0x2: {  	s1 =	rddreg [dreg:$0x1];
	s3 =	srdreg.scid  }
0x3: {  	s2 =	rddreg [dreg:$0x2];
	s9 =	stileid.u32;
	s21 =	simm.s32 $0x5000  }
0x4: {  	s28 =	simm.s32 $0x1;
	s29 =	simm.s32 $0x2;
	s30 =	simm.s32 $0x3  }
0x5: {  	s31 =	simm.s32 $0x4;
	s5 =	sand.u32 $0x1, s3;
	s6 =	smul.u32 $0x14000, s9  }
0x6: {  	s3 =	simm.s32 $0x0;
	s7 =	smul.u32 $0x50000, s9;
	s18 =	sadd.s32 $0x5C800, s0  }
0x7: {  	s4 =	smul.u32 $0x140000, s5;
	[smem:$0x7FF] =	sst s3;
	s22 =	ssub.s32 $0x2, s5  }
0x8: {  	s5 =	sshll.u32 s5, $0x4;
	_ =	strace $0x8000004A;
	s8 =	sshrl.u32 s22, $0x1  }
0x9: {  	s7 =	sshrl.u32 s7, $0x2;
	s23 =	sor.u32 s9, s5;
	s6 =	sadd.s32 s6, s4  }
0xa: {  	s4 =	sadd.s32 $0x34800, s0;
	s5 =	sadd.s32 s7, s2;
	s25 =	smul.u32 $0x5000, s23  }
0xb: {  	s23 =	simm.s32 $0x2800;
	s6 =	sshrl.u32 s6, $0x3;
	s7 =	sadd.s32 $0x2000, s5  }
0xc: {  	s24 =	sadd.s32 $0x4000, s5;
	s26 =	sadd.s32 $0x6000, s5;
	s9 =	sadd.s32 $0x8000, s5  }
0xd: {  	s10 =	sadd.s32 $0xA000, s5;
	s11 =	sadd.s32 $0xC000, s5;
	s12 =	sadd.s32 $0xE000, s5  }
0xe: {  	s13 =	sadd.s32 $0x10000, s5;
	s14 =	sadd.s32 $0x12000, s5;
	[dreg:$0x4] =	wrdreg s7  }
0xf: {  	s0 =	sadd.s32 s6, s0;
	s6 =	ssub.s32 s22, s8;
	[dreg:$0x5] =	wrdreg s24  }
0x10: {  	[dreg:$0x6] =	wrdreg s26;
	s7 =	sshrl.u32 s25, $0x3;
	s22 =	simm.s32 $0x5  }
0x11: {  	s24 =	simm.s32 $0x40;
	s25 =	simm.s32 $0x80;
	s26 =	simm.s32 $0x7000  }
0x12: {  	s19 =	sadd.s32 $0x500, s7;
	s15 =	sadd.s32 s1, s7;
	s16 =	sadd.s32 s18, s7  }
0x13: {  	s20 =	smax.u32 s6, $0x1;
	s17 =	sadd.s32 s1, s19;
	s18 =	sadd.s32 s18, s19  }
0x14: {  	v0 =	vimm.f32 $0.0e+00;
	s19 =	sadd.s32 $0x70800, s0;
	s0 =	simm.s32 $0x4F00;
	s1 =	simm.s32 $0x4F80  }
.LBB2_1:
0x15: {  	s6 =	simm.s32 $0x0;
	s7 =	simm.s32 $0x200  }
.LBB2_2:
0x16: {  	p0 =	sne.s32 s7, $0x7E00;
	[tilespmem:s6+$0x5070] =	vst v0  }
0x17: {  	[tilespmem:s6+$0x5000] =	vst v0  }
0x18: {  	[tilespmem:s6+$0x5010] =	vst v0  }
.Ltmp0:
0x19: {  	[tilespmem:s6+$0x5020] =	vst v0;
	(pc) =	sbr.rel @p0 .LBB2_2-.Ltmp0, $4  }
0x1a: {  	[tilespmem:s6+$0x5030] =	vst v0  }
0x1b: {  	[tilespmem:s6+$0x5040] =	vst v0  }
0x1c: {  	[tilespmem:s6+$0x5050] =	vst v0  }
0x1d: {  	[tilespmem:s6+$0x5060] =	vst v0;
	s6 =	sshra.s32 s7, $0x2;
	s7 =	sadd.s32 $0x200, s7  }
0x1e: {  	[tilespmem:s6+$0x5070] =	vst v0  }
0x1f: {  	[tilespmem:s6+$0x5000] =	vst v0  }
0x20: {  	[tilespmem:s6+$0x5010] =	vst v0  }
0x21: {  	[tilespmem:s6+$0x5020] =	vst v0  }
0x22: {  	[tilespmem:s6+$0x5030] =	vst v0  }
0x23: {  	[tilespmem:s6+$0x5040] =	vst v0  }
0x24: {  	[tilespmem:s6+$0x5050] =	vst v0  }
0x25: {  	[tilespmem:s6+$0x5060] =	vst v0  }
0x26: {  	[spmem:s5] =	stream.linear.scatter [tilespmem:s21], [sflag:$0x5], $0x2000, $0x38;
	[tilespmem:$0x1D000] =	vst v63  }
0x27: {  	_ =	swait.ge [sflag:s22], $0x2000  }
0x28: {  	[sflag:s22] =	ssyncset.done $0x0  }
0x29: {  	s8 =	rddreg [dreg:$0x4];
	[sflag:s22] =	ssyncadd.s32 $0xFFFFE000  }
0x2a: {  	[spmem:s8] =	stream.linear.scatter [tilespmem:s21], [sflag:$0x5], $0x2000, $0x38;
	[tilespmem:$0x1D000] =	vst v63  }
0x2b: {  	_ =	swait.ge [sflag:s22], $0x2000  }
0x2c: {  	[sflag:s22] =	ssyncset.done $0x0  }
0x2d: {  	s7 =	rddreg [dreg:$0x5];
	[sflag:s22] =	ssyncadd.s32 $0xFFFFE000  }
0x2e: {  	[spmem:s7] =	stream.linear.scatter [tilespmem:s21], [sflag:$0x5], $0x2000, $0x38;
	[tilespmem:$0x1D000] =	vst v63  }
0x2f: {  	_ =	swait.ge [sflag:s22], $0x2000  }
0x30: {  	[sflag:s22] =	ssyncset.done $0x0  }
0x31: {  	s8 =	rddreg [dreg:$0x6];
	[sflag:s22] =	ssyncadd.s32 $0xFFFFE000  }
0x32: {  	[spmem:s8] =	stream.linear.scatter [tilespmem:s21], [sflag:$0x5], $0x2000, $0x38;
	[tilespmem:$0x1D000] =	vst v63  }
0x33: {  	_ =	swait.ge [sflag:s22], $0x2000  }
0x34: {  	[sflag:s22] =	ssyncset.done $0x0  }
0x35: {  	[sflag:s22] =	ssyncadd.s32 $0xFFFFE000  }
0x36: {  	[spmem:s9] =	stream.linear.scatter [tilespmem:s21], [sflag:$0x5], $0x2000, $0x38;
	[tilespmem:$0x1D000] =	vst v63  }
0x37: {  	_ =	swait.ge [sflag:s22], $0x2000  }
0x38: {  	[sflag:s22] =	ssyncset.done $0x0  }
0x39: {  	[sflag:s22] =	ssyncadd.s32 $0xFFFFE000  }
0x3a: {  	[spmem:s10] =	stream.linear.scatter [tilespmem:s21], [sflag:$0x5], $0x2000, $0x38;
	[tilespmem:$0x1D000] =	vst v63  }
0x3b: {  	_ =	swait.ge [sflag:s22], $0x2000  }
0x3c: {  	[sflag:s22] =	ssyncset.done $0x0  }
0x3d: {  	[sflag:s22] =	ssyncadd.s32 $0xFFFFE000  }
0x3e: {  	[spmem:s11] =	stream.linear.scatter [tilespmem:s21], [sflag:$0x5], $0x2000, $0x38;
	[tilespmem:$0x1D000] =	vst v63  }
0x3f: {  	_ =	swait.ge [sflag:s22], $0x2000  }
0x40: {  	[sflag:s22] =	ssyncset.done $0x0  }
0x41: {  	[sflag:s22] =	ssyncadd.s32 $0xFFFFE000  }
0x42: {  	[spmem:s12] =	stream.linear.scatter [tilespmem:s21], [sflag:$0x5], $0x2000, $0x38;
	[tilespmem:$0x1D000] =	vst v63  }
0x43: {  	_ =	swait.ge [sflag:s22], $0x2000  }
0x44: {  	[sflag:s22] =	ssyncset.done $0x0  }
0x45: {  	[sflag:s22] =	ssyncadd.s32 $0xFFFFE000  }
0x46: {  	[spmem:s13] =	stream.linear.scatter [tilespmem:s21], [sflag:$0x5], $0x2000, $0x38;
	[tilespmem:$0x1D000] =	vst v63  }
0x47: {  	_ =	swait.ge [sflag:s22], $0x2000  }
0x48: {  	[sflag:s22] =	ssyncset.done $0x0  }
0x49: {  	[sflag:s22] =	ssyncadd.s32 $0xFFFFE000  }
0x4a: {  	[spmem:s14] =	stream.linear.scatter [tilespmem:s21], [sflag:$0x5], $0x2000, $0x38;
	[tilespmem:$0x1D000] =	vst v63  }
0x4b: {  	_ =	swait.ge [sflag:s22], $0x2000  }
0x4c: {  	[sflag:s22] =	ssyncset.done $0x0  }
0x4d: {  	[sflag:s22] =	ssyncadd.s32 $0xFFFFE000  }
0x4e: {  	s7 =	simm.s32 $0x0;
	[bflag:$0x0] =	sbarrier.arrive $0xFFFF  }
0x4f: {  	[tilespmem:s7], [sflag:$0x5] =	stream.linear.gather [hbm4b:s15+s7], $0x2800, $0x38;
	[tilespmem:$0x1D000] =	vst v63  }
0x50: {  	_ =	swait.ge [sflag:s22], $0x2800  }
0x51: {  	[sflag:s22] =	ssyncset.done $0x0  }
0x52: {  	[sflag:s22] =	ssyncadd.s32 $0xFFFFD800  }
0x53: {  	[tilespmem:s23], [sflag:$0x5] =	stream.linear.gather [hbm4b:s16+s7], $0x2800, $0x38;
	[tilespmem:$0x1D000] =	vst v63  }
0x54: {  	_ =	swait.ge [sflag:s22], $0x2800  }
0x55: {  	[sflag:s22] =	ssyncset.done $0x0  }
0x56: {  	[sflag:s22] =	ssyncadd.s32 $0xFFFFD800  }
0x57: {  	[tilespmem:s21], [sflag:$0x1] =	stream.indirect.gather [hbm4b:s4+s24], $0x80, s7, s24, $0xb8;
	[tilespmem:$0x1D000] =	vst v63  }
0x58: {  	_ = 	snop  }
0x59: {  	[tilespmem:s26], [sflag:$0x2] =	stream.indirect.gather [hbm4b:s4+s24], $0x80, s25, s24, $0xb8;
	[tilespmem:$0x1D000] =	vst v63  }
0x5a: {  	_ =	swait.ge [sflag:s28], $0x2000  }
0x5b: {  	[sflag:s28] =	ssyncset.done $0x0  }
0x5c: {  	s8 =	simm.s32 $0x2800;
	[sflag:s28] =	ssyncadd.s32 $0xFFFFE000  }
0x5d: {  	[spmem:s2] =	stream.indirect.scatter.add.f32 [tilespmem:s21], [sflag:$0x3], $0x80, s8, s24, $0xb8;
	[tilespmem:$0x1D000] =	vst v63  }
0x5e: {  	_ =	swait.ge [sflag:s29], $0x2000  }
0x5f: {  	[sflag:s29] =	ssyncset.done $0x0  }
0x60: {  	s7 =	simm.s32 $0x2880;
	[sflag:s29] =	ssyncadd.s32 $0xFFFFE000  }
0x61: {  	[spmem:s2] =	stream.indirect.scatter.add.f32 [tilespmem:s26], [sflag:$0x4], $0x80, s7, s24, $0xb8;
	[tilespmem:$0x1D000] =	vst v63  }
0x62: {  	_ =	swait.ge [sflag:s30], $0x2000  }
0x63: {  	[sflag:s30] =	ssyncset.done $0x0  }
0x64: {  	s8 =	simm.s32 $0x100;
	[sflag:s30] =	ssyncadd.s32 $0xFFFFE000  }
0x65: {  	[tilespmem:s21], [sflag:$0x1] =	stream.indirect.gather [hbm4b:s4+s24], $0x80, s8, s24, $0xb8;
	[tilespmem:$0x1D000] =	vst v63  }
0x66: {  	_ =	swait.ge [sflag:s31], $0x2000  }
0x67: {  	[sflag:s31] =	ssyncset.done $0x0  }
0x68: {  	s6 =	simm.s32 $0x400;
	s7 =	simm.s32 $0x180;
	[sflag:s31] =	ssyncadd.s32 $0xFFFFE000  }
.LBB2_4:
0x69: {  	[tilespmem:s26], [sflag:$0x2] =	stream.indirect.gather [hbm4b:s4+s24], $0x80, s7, s24, $0xb8;
	[tilespmem:$0x1D000] =	vst v63  }
0x6a: {  	s7 =	smov.u32 s6  }
0x6b: {  	p0 =	sne.s32 s6, $0x9800;
	s6 =	sadd.s32 $0x400, s6;
	_ =	swait.ge [sflag:s28], $0x2000  }
0x6c: {  	s7 =	sshra.s32 s7, $0x2;
	[sflag:s28] =	ssyncset.done $0x0  }
0x6d: {  	s8 =	sadd.s32 $0x2800, s7;
	[sflag:s28] =	ssyncadd.s32 $0xFFFFE000  }
0x6e: {  	[spmem:s2] =	stream.indirect.scatter.add.f32 [tilespmem:s21], [sflag:$0x3], $0x80, s8, s24, $0xb8;
	[tilespmem:$0x1D000] =	vst v63  }
0x6f: {  	_ =	swait.ge [sflag:s29], $0x2000  }
0x70: {  	[sflag:s29] =	ssyncset.done $0x0  }
0x71: {  	s8 =	sadd.s32 $0x2880, s7;
	[sflag:s29] =	ssyncadd.s32 $0xFFFFE000  }
0x72: {  	[spmem:s2] =	stream.indirect.scatter.add.f32 [tilespmem:s26], [sflag:$0x4], $0x80, s8, s24, $0xb8;
	[tilespmem:$0x1D000] =	vst v63  }
0x73: {  	_ =	swait.ge [sflag:s30], $0x2000  }
0x74: {  	[sflag:s30] =	ssyncset.done $0x0  }
.Ltmp1:
0x75: {  	s8 =	sadd.s32 $0x100, s7;
	[sflag:s30] =	ssyncadd.s32 $0xFFFFE000;
	(pc) =	sbr.rel @p0 .LBB2_4-.Ltmp1, $4  }
0x76: {  	[tilespmem:s21], [sflag:$0x1] =	stream.indirect.gather [hbm4b:s4+s24], $0x80, s8, s24, $0xb8;
	[tilespmem:$0x1D000] =	vst v63  }
0x77: {  	_ =	swait.ge [sflag:s31], $0x2000  }
0x78: {  	[sflag:s31] =	ssyncset.done $0x0  }
0x79: {  	s7 =	sadd.s32 $0x180, s7;
	[sflag:s31] =	ssyncadd.s32 $0xFFFFE000  }
0x7a: {  	[tilespmem:s26], [sflag:$0x2] =	stream.indirect.gather [hbm4b:s4+s24], $0x80, s7, s24, $0xb8;
	[tilespmem:$0x1D000] =	vst v63  }
0x7b: {  	_ =	swait.ge [sflag:s28], $0x2000  }
0x7c: {  	[sflag:s28] =	ssyncset.done $0x0  }
0x7d: {  	[sflag:s28] =	ssyncadd.s32 $0xFFFFE000  }
0x7e: {  	[spmem:s2] =	stream.indirect.scatter.add.f32 [tilespmem:s21], [sflag:$0x3], $0x80, s0, s24, $0xb8;
	[tilespmem:$0x1D000] =	vst v63  }
0x7f: {  	_ =	swait.ge [sflag:s29], $0x2000  }
0x80: {  	[sflag:s29] =	ssyncset.done $0x0  }
0x81: {  	[sflag:s29] =	ssyncadd.s32 $0xFFFFE000  }
0x82: {  	[spmem:s2] =	stream.indirect.scatter.add.f32 [tilespmem:s26], [sflag:$0x4], $0x80, s1, s24, $0xb8;
	[tilespmem:$0x1D000] =	vst v63  }
0x83: {  	_ =	swait.ge [sflag:s30], $0x2000  }
0x84: {  	[sflag:s30] =	ssyncset.done $0x0  }
0x85: {  	[sflag:s30] =	ssyncadd.s32 $0xFFFFE000  }
0x86: {  	_ =	swait.ge [sflag:s31], $0x2000  }
0x87: {  	[sflag:s31] =	ssyncset.done $0x0  }
0x88: {  	s6 =	simm.s32 $0x0;
	[sflag:s31] =	ssyncadd.s32 $0xFFFFE000  }
0x89: {  	[tilespmem:s6], [sflag:$0x5] =	stream.linear.gather [hbm4b:s17+s6], $0x2800, $0x38;
	[tilespmem:$0x1D000] =	vst v63  }
0x8a: {  	_ =	swait.ge [sflag:s22], $0x2800  }
0x8b: {  	[sflag:s22] =	ssyncset.done $0x0  }
0x8c: {  	[sflag:s22] =	ssyncadd.s32 $0xFFFFD800  }
0x8d: {  	[tilespmem:s23], [sflag:$0x5] =	stream.linear.gather [hbm4b:s18+s6], $0x2800, $0x38;
	[tilespmem:$0x1D000] =	vst v63  }
0x8e: {  	_ =	swait.ge [sflag:s22], $0x2800  }
0x8f: {  	[sflag:s22] =	ssyncset.done $0x0  }
0x90: {  	[sflag:s22] =	ssyncadd.s32 $0xFFFFD800  }
0x91: {  	[tilespmem:s21], [sflag:$0x1] =	stream.indirect.gather [hbm4b:s4+s24], $0x80, s6, s24, $0xb8;
	[tilespmem:$0x1D000] =	vst v63  }
0x92: {  	_ = 	snop  }
0x93: {  	[tilespmem:s26], [sflag:$0x2] =	stream.indirect.gather [hbm4b:s4+s24], $0x80, s25, s24, $0xb8;
	[tilespmem:$0x1D000] =	vst v63  }
0x94: {  	_ =	swait.ge [sflag:s28], $0x2000  }
0x95: {  	[sflag:s28] =	ssyncset.done $0x0  }
0x96: {  	s8 =	simm.s32 $0x2800;
	[sflag:s28] =	ssyncadd.s32 $0xFFFFE000  }
0x97: {  	[spmem:s2] =	stream.indirect.scatter.add.f32 [tilespmem:s21], [sflag:$0x3], $0x80, s8, s24, $0xb8;
	[tilespmem:$0x1D000] =	vst v63  }
0x98: {  	_ =	swait.ge [sflag:s29], $0x2000  }
0x99: {  	[sflag:s29] =	ssyncset.done $0x0  }
0x9a: {  	s7 =	simm.s32 $0x2880;
	[sflag:s29] =	ssyncadd.s32 $0xFFFFE000  }
0x9b: {  	[spmem:s2] =	stream.indirect.scatter.add.f32 [tilespmem:s26], [sflag:$0x4], $0x80, s7, s24, $0xb8;
	[tilespmem:$0x1D000] =	vst v63  }
0x9c: {  	_ =	swait.ge [sflag:s30], $0x2000  }
0x9d: {  	[sflag:s30] =	ssyncset.done $0x0  }
0x9e: {  	s8 =	simm.s32 $0x100;
	[sflag:s30] =	ssyncadd.s32 $0xFFFFE000  }
0x9f: {  	[tilespmem:s21], [sflag:$0x1] =	stream.indirect.gather [hbm4b:s4+s24], $0x80, s8, s24, $0xb8;
	[tilespmem:$0x1D000] =	vst v63  }
0xa0: {  	_ =	swait.ge [sflag:s31], $0x2000  }
0xa1: {  	[sflag:s31] =	ssyncset.done $0x0  }
0xa2: {  	s6 =	simm.s32 $0x400;
	s7 =	simm.s32 $0x180;
	[sflag:s31] =	ssyncadd.s32 $0xFFFFE000  }
.LBB2_6:
0xa3: {  	[tilespmem:s26], [sflag:$0x2] =	stream.indirect.gather [hbm4b:s4+s24], $0x80, s7, s24, $0xb8;
	[tilespmem:$0x1D000] =	vst v63  }
0xa4: {  	s7 =	smov.u32 s6  }
0xa5: {  	p0 =	sne.s32 s6, $0x9800;
	s6 =	sadd.s32 $0x400, s6;
	_ =	swait.ge [sflag:s28], $0x2000  }
0xa6: {  	s7 =	sshra.s32 s7, $0x2;
	[sflag:s28] =	ssyncset.done $0x0  }
0xa7: {  	s8 =	sadd.s32 $0x2800, s7;
	[sflag:s28] =	ssyncadd.s32 $0xFFFFE000  }
0xa8: {  	[spmem:s2] =	stream.indirect.scatter.add.f32 [tilespmem:s21], [sflag:$0x3], $0x80, s8, s24, $0xb8;
	[tilespmem:$0x1D000] =	vst v63  }
0xa9: {  	_ =	swait.ge [sflag:s29], $0x2000  }
0xaa: {  	[sflag:s29] =	ssyncset.done $0x0  }
0xab: {  	s8 =	sadd.s32 $0x2880, s7;
	[sflag:s29] =	ssyncadd.s32 $0xFFFFE000  }
0xac: {  	[spmem:s2] =	stream.indirect.scatter.add.f32 [tilespmem:s26], [sflag:$0x4], $0x80, s8, s24, $0xb8;
	[tilespmem:$0x1D000] =	vst v63  }
0xad: {  	_ =	swait.ge [sflag:s30], $0x2000  }
0xae: {  	[sflag:s30] =	ssyncset.done $0x0  }
.Ltmp2:
0xaf: {  	s8 =	sadd.s32 $0x100, s7;
	[sflag:s30] =	ssyncadd.s32 $0xFFFFE000;
	(pc) =	sbr.rel @p0 .LBB2_6-.Ltmp2, $4  }
0xb0: {  	[tilespmem:s21], [sflag:$0x1] =	stream.indirect.gather [hbm4b:s4+s24], $0x80, s8, s24, $0xb8;
	[tilespmem:$0x1D000] =	vst v63  }
0xb1: {  	_ =	swait.ge [sflag:s31], $0x2000  }
0xb2: {  	[sflag:s31] =	ssyncset.done $0x0  }
0xb3: {  	s7 =	sadd.s32 $0x180, s7;
	[sflag:s31] =	ssyncadd.s32 $0xFFFFE000  }
0xb4: {  	[tilespmem:s26], [sflag:$0x2] =	stream.indirect.gather [hbm4b:s4+s24], $0x80, s7, s24, $0xb8;
	[tilespmem:$0x1D000] =	vst v63  }
0xb5: {  	_ =	swait.ge [sflag:s28], $0x2000  }
0xb6: {  	[sflag:s28] =	ssyncset.done $0x0  }
0xb7: {  	[sflag:s28] =	ssyncadd.s32 $0xFFFFE000  }
0xb8: {  	[spmem:s2] =	stream.indirect.scatter.add.f32 [tilespmem:s21], [sflag:$0x3], $0x80, s0, s24, $0xb8;
	[tilespmem:$0x1D000] =	vst v63  }
0xb9: {  	_ =	swait.ge [sflag:s29], $0x2000  }
0xba: {  	[sflag:s29] =	ssyncset.done $0x0  }
0xbb: {  	[sflag:s29] =	ssyncadd.s32 $0xFFFFE000  }
0xbc: {  	[spmem:s2] =	stream.indirect.scatter.add.f32 [tilespmem:s26], [sflag:$0x4], $0x80, s1, s24, $0xb8;
	[tilespmem:$0x1D000] =	vst v63  }
0xbd: {  	_ =	swait.ge [sflag:s30], $0x2000  }
0xbe: {  	[sflag:s30] =	ssyncset.done $0x0  }
0xbf: {  	[sflag:s30] =	ssyncadd.s32 $0xFFFFE000  }
0xc0: {  	s6 =	stileid.u32;
	_ =	swait.ge [sflag:s31], $0x2000  }
0xc1: {  	s8 =	sshrl.u32 s5, $0x3;
	s3 =	sadd.s32 $0x1, s3;
	[sflag:s31] =	ssyncset.done $0x0  }
0xc2: {  	s6 =	sshll.u32 s6, $0x6;
	p0 =	sne.s32 s3, s20;
	[sflag:s31] =	ssyncadd.s32 $0xFFFFE000  }
.Ltmp3:
0xc3: {  	s6 =	sor.u32 $0x1C05, s6;
	[bflag:$0x0] =	sbarrier.arrive $0xFFFF;
	(pc) =	sbr.rel @p0 .LBB2_1-.Ltmp3, $4  }
0xc4: {  	[hbm:s19], [sflag:s6] =	dma.local [spmem:s8], $0x2800  }
0xc5: {  	_ =	swait.ge [sflag:s22], $0x2800  }
0xc6: {  	[sflag:s22] =	ssyncset.done $0x0  }
0xc7: {  	[sflag:s22] =	ssyncadd.s32 $0xFFFFD800  }
0xc8: {  	_ =	sfence.sel $0x180000  }
0xc9: {  	[bflag:$0x0] =	sbarrier.arrive $0xFFFF  }
0xca: {  	_ =	strace $0x9000004A  }
0xcb: {  	s0 =	stileid.u32;
	[bflag:$0x2] =	sbarrier.arrive $0xFFFF  }
0xcc: {  	p0 =	sne.s32 s0, $0x0;
	s0 =	rddreg [dreg:$0x3]  }
0xcd: {  	s0 =	sadd.s32 @!p0 $0x100000, s0  }
0xce: {  	[sflag:s0] =	ssyncadd.tile.s32 @!p0 $0x1;
	_ =	shalt  }
.Lfunc_end2:
_tile_overlayer_lowered:
.L_overlay_start_2:
0xcf: {  	(tag) =	ssettag $0x2  }
0xd0: {  	s0 =	rddreg [dreg:$0x0];
	s2 =	stileid.u32  }
0xd1: {  	s1 =	rddreg [dreg:$0x1];
	p0 =	sne.s32 s2, $0x0  }
0xd2: {  	s3 =	rddreg [dreg:$0x2];
	[bflag:$0x3] =	sbarrier.arrive $0xFFFF;
	s2 =	simm.s32 @!p0 $0x1C05  }
0xd3: {  	[timem:s3], [sflag:s2] =	dma.local @!p0 [hbm:s0], s1  }
0xd4: {  	s0 =	simm.s32 @!p0 $0x5  }
0xd5: {  	_ =	swait.ge @!p0 [sflag:s0], s1  }
0xd6: {  	s1 =	ssub.s32 @!p0 $0x0, s1;
	[sflag:s0] =	ssyncset.done @!p0 $0x0  }
0xd7: {  	[sflag:s0] =	ssyncadd.s32 @!p0 s1  }
0xd8: {  	[bflag:$0x3] =	sbarrier.arrive $0xFFFF  }
0xd9: {  	_ =	shalt  }

// kernel: kernel.13.cloned.1.call-start
scs
__scs_entry_jumppad:
0x0: {  	(pc) =	sbr.rel $0x88, $3  }
0x1: {  	(tag) =	ssettag $0x0;
	lr =	simm.s32 $0x1  }
0x2: {  	[smem:$0x3F9B] =	sst lr;
	_ =	strace $0xD0000000  }
0x3: {  	_ = 	snop  }
0x4: {  	_ = 	snop  }
0x5: {  	_ = 	snop  }
0x6: {  	_ = 	snop  }
0x7: {  	_ = 	snop  }
__scs_overlays_trampoline_lowered:
0x8: {  	[smem:$0x3FAA] =	sst s0  }
0x9: {  	[smem:$0x3FAB] =	sst s1  }
0xa: {  	[smem:$0x3FAC] =	sst s2  }
0xb: {  	[smem:$0x3FAD] =	sst s3  }
0xc: {  	[smem:$0x3FAE] =	sst s4  }
0xd: {  	[smem:$0x3FAF] =	sst s5  }
0xe: {  	[smem:$0x3FB0] =	sst s6  }
0xf: {  	[smem:$0x3FB1] =	sst s7  }
0x10: {  	[smem:$0x3FB2] =	sst s8  }
0x11: {  	[smem:$0x3FB3] =	sst s9;
	s0 =	simm.s32 @!p0 $0x0  }
0x12: {  	s1 =	sld [smem:$0x3F99];
	s0 =	simm.s32 @p0 $0x1  }
0x13: {  	[smem:$0x3FB4] =	sst s0;
	s0 =	simm.s32 @!p1 $0x0  }
0x14: {  	s2 =	sld [smem:$0x3F98];
	s0 =	simm.s32 @p1 $0x1  }
0x15: {  	[smem:$0x3FB5] =	sst s0;
	s0 =	simm.s32 @!p2 $0x0  }
0x16: {  	s3 =	sld [smem:$0x3FDB];
	s0 =	simm.s32 @p2 $0x1  }
0x17: {  	s4 =	simm.s32 $0x1BF5;
	[smem:$0x3FB7] =	sst s0  }
0x18: {  	s0 =	sld [smem:$0x3F9A];
	_ =	swait.ge [sflag:s4], $0x0  }
0x19: {  	s7 =	sld [smem:$0x3F9B]  }
0x1a: {  	s8 =	sadd.s32 $0xFFFFE003, lr  }
0x1b: {  	s9 =	sadd.s32 $0xFFFFFEF7, lr;
	s5 =	simm.s32 $0xFFFFFFFF;
	p2 =	slt.u32 s8, $0xFFFFF086  }
0x1c: {  	p1 =	slt.u32 s9, $0xF7A;
	s5 =	simm.s32 @!p2 $0x0  }
0x1d: {  	s5 =	simm.s32 @p1 $0x1;
	p0 =	seq.s32 s7, s2  }
0x1e: {  	s7 =	smul.u32 @!p0 $0xF7A, s2;
	p2 =	seq.s32 @!p0 s5, $0x0  }
0x1f: {  	s9 =	smul.u32 $0xF7A, s1;
	s8 =	simm.s32 @!p0 $0x1BF5;
	p2 =	por !p2, p0  }
0x20: {  	[sflag:s8] =	ssyncset.s32 @!p0 $0xFFFFF086;
	s6 =	sadd.s32 @!p0 s3, s7;
	s7 =	simm.s32 @!p0 $0x108  }
0x21: {  	s3 =	sadd.s32 s3, s9;
	s6 =	sadd.s32 @!p0 $0x88, s6;
	s7 =	simm.s32 @p2 $0x1082  }
0x22: {  	[simem:s7], [sflag:s8] =	dma.local @!p0 [hbm:s6], $0xF7A  }
0x23: {  	s9 =	sor.u32 $0xD0000000, s2;
	s6 =	simm.s32 $0x108;
	_ =	swait.ge @!p0 [sflag:s8], $0x0  }
0x24: {  	s3 =	sadd.s32 $0x88, s3;
	s6 =	simm.s32 @!p1 $0x1082;
	[sflag:s4] =	ssyncset.s32 $0xFFFFF086  }
0x25: {  	[simem:s6], [sflag:s4] =	dma.local [hbm:s3], $0xF7A  }
0x26: {  	[smem:$0x3F9B] =	sst s1;
	(tag) =	ssettag s2;
	_ =	strace s9  }
0x27: {  	s1 =	sld [smem:$0x3FAB]  }
0x28: {  	s2 =	sld [smem:$0x3FAC]  }
0x29: {  	s4 =	sld [smem:$0x3FAE]  }
0x2a: {  	p0 =	seq.s32 s5, $0x0;
	s5 =	sld [smem:$0x3FAF]  }
0x2b: {  	s6 =	sld [smem:$0x3FB0]  }
0x2c: {  	s7 =	sld [smem:$0x3FB1]  }
0x2d: {  	s3 =	simm.s32 $0x108;
	s8 =	sld [smem:$0x3FB2]  }
0x2e: {  	s3 =	simm.s32 @!p0 $0x1082;
	s9 =	sld [smem:$0x3FB3]  }
0x2f: {  	lr =	sadd.s32 s0, s3;
	s0 =	sld [smem:$0x3FAA]  }
0x30: {  	s3 =	sld [smem:$0x3FAD]  }
0x31: {  	[smem:$0x3FB6] =	sst s10  }
0x32: {  	s10 =	sld [smem:$0x3FB4];
	_ =	sdelay $0x3  }
0x33: {  	p0 =	seq.s32 s10, $0x1;
	s10 =	sld [smem:$0x3FB6];
	_ =	sdelay $0x3  }
0x34: {  	[smem:$0x3FB6] =	sst s10  }
0x35: {  	s10 =	sld [smem:$0x3FB5];
	_ =	sdelay $0x3  }
0x36: {  	p1 =	seq.s32 s10, $0x1;
	s10 =	sld [smem:$0x3FB6];
	_ =	sdelay $0x3  }
0x37: {  	[smem:$0x3FB6] =	sst s10  }
0x38: {  	s10 =	sld [smem:$0x3FB7]  }
0x39: {  	_ = 	snop;
	(pc) =	sbr.ind lr, $3  }
0x3a: {  	_ = 	snop  }
0x3b: {  	_ = 	snop  }
0x3c: {  	p2 =	seq.s32 s10, $0x1;
	s10 =	sld [smem:$0x3FB6]  }
0x3d: {  	_ =	shalt  }
0x3e: {  	_ =	shalt  }
0x3f: {  	_ =	shalt  }
0x40: {  	_ =	shalt  }
0x41: {  	_ =	shalt  }
0x42: {  	_ =	shalt  }
0x43: {  	_ =	shalt  }
0x44: {  	_ =	shalt  }
0x45: {  	_ =	shalt  }
0x46: {  	_ =	shalt  }
0x47: {  	_ =	shalt  }
0x48: {  	_ =	shalt  }
0x49: {  	_ =	shalt  }
0x4a: {  	_ =	shalt  }
0x4b: {  	_ =	shalt  }
0x4c: {  	_ =	shalt  }
0x4d: {  	_ =	shalt  }
0x4e: {  	_ =	shalt  }
0x4f: {  	_ =	shalt  }
0x50: {  	_ =	shalt  }
0x51: {  	_ =	shalt  }
0x52: {  	_ =	shalt  }
0x53: {  	_ =	shalt  }
0x54: {  	_ =	shalt  }
0x55: {  	_ =	shalt  }
0x56: {  	_ =	shalt  }
0x57: {  	_ =	shalt  }
0x58: {  	_ =	shalt  }
0x59: {  	_ =	shalt  }
0x5a: {  	_ =	shalt  }
0x5b: {  	_ =	shalt  }
0x5c: {  	_ =	shalt  }
0x5d: {  	_ =	shalt  }
0x5e: {  	_ =	shalt  }
0x5f: {  	_ =	shalt  }
0x60: {  	_ =	shalt  }
0x61: {  	_ =	shalt  }
0x62: {  	_ =	shalt  }
0x63: {  	_ =	shalt  }
0x64: {  	_ =	shalt  }
0x65: {  	_ =	shalt  }
0x66: {  	_ =	shalt  }
0x67: {  	_ =	shalt  }
0x68: {  	_ =	shalt  }
0x69: {  	_ =	shalt  }
0x6a: {  	_ =	shalt  }
0x6b: {  	_ =	shalt  }
0x6c: {  	_ =	shalt  }
0x6d: {  	_ =	shalt  }
0x6e: {  	_ =	shalt  }
0x6f: {  	_ =	shalt  }
0x70: {  	_ =	shalt  }
0x71: {  	_ =	shalt  }
0x72: {  	_ =	shalt  }
0x73: {  	_ =	shalt  }
0x74: {  	_ =	shalt  }
0x75: {  	_ =	shalt  }
0x76: {  	_ =	shalt  }
0x77: {  	_ =	shalt  }
0x78: {  	_ =	shalt  }
0x79: {  	_ =	shalt  }
0x7a: {  	_ =	shalt  }
0x7b: {  	_ =	shalt  }
0x7c: {  	_ =	shalt  }
0x7d: {  	_ =	shalt  }
0x7e: {  	_ =	shalt  }
0x7f: {  	_ =	shalt  }
0x80: {  	_ =	shalt  }
0x81: {  	_ =	shalt  }
0x82: {  	_ =	shalt  }
0x83: {  	_ =	shalt  }
0x84: {  	_ =	shalt  }
0x85: {  	_ =	shalt  }
0x86: {  	_ =	shalt  }
0x87: {  	_ =	shalt  }
.Lfunc_end0:
.L_simem_size_0:
called_computation.2_lowered:
.L_overlay_start_0:
0x88: {  	s2 =	sld [smem:$0x3FD9]  }
0x89: {  	s3 =	sld [smem:$0x3FFE];
	_ =	sdelay $0x1  }
0x8a: {  	s1 =	srdreg.scid  }
0x8b: {  	s0 =	sand.u32 $0x1, s1  }
0x8c: {  	s17 =	sshll.u32 s0, $0xA;
	s2 =	sadd.s32 s3, s2  }
0x8d: {  	s2 =	sadd.s32 s2, s17  }
0x8e: {  	[smem:$0x3FC2] =	sst s2  }
0x8f: {  	_ = 	snop  }
0x90: {  	s2 =	sld [smem:$0x3FD0];
	(tm) =	ssettm $0x1  }
0x91: {  	s18 =	sld [smem:$0x3FFB];
	_ =	sdelay $0x3  }
0x92: {  	_ =	strace s18  }
0x93: {  	s3 =	sld [smem:$0x3FFC];
	_ =	sdelay $0x3  }
0x94: {  	_ =	strace s3  }
0x95: {  	s3 =	sld [smem:$0x3FFD];
	_ =	sdelay $0x3  }
0x96: {  	_ =	strace s3  }
0x97: {  	_ =	strace $0x8FFFFFFF  }
0x98: {  	s19 =	sld [smem:$0x3FDB];
	_ =	sdelay $0x1  }
0x99: {  	s4 =	simm.s32 $_scs_section_size  }
0x9a: {  	s5 =	simm.s32 $_size__tile_overlayer_lowered;
	s6 =	simm.s32 $_tile_overlayer_lowered  }
0x9b: {  	s22 =	simm.s32 $0x1BFF;
	s21 =	sshll.u32 s6, $0x1;
	s3 =	sadd.s32 s4, s19  }
0x9c: {  	s7 =	simm.s32 $0x0;
	s20 =	sshll.u32 s5, $0x1;
	s5 =	sadd.s32 s21, s3  }
0x9d: {  	[timem:s7], [sflag:s22] =	dma.local [hbm:s5], s20  }
0x9e: {  	_ =	swait.ge [sflag:s22], s20  }
0x9f: {  	s4 =	ssub.s32 $0x0, s20;
	[sflag:s22] =	ssyncset.done $0x0  }
0xa0: {  	[sflag:s22] =	ssyncadd.s32 s4;
	_ =	sdelay $0x1  }
0xa1: {  	s23 =	simm.s32 $0x1B8B  }
0xa2: {  	_ =	swait.ge [sflag:s23], $0x1  }
0xa3: {  	[sflag:s23] =	ssyncset.done $0x0  }
0xa4: {  	s25 =	simm.s32 $0x1B8E;
	s24 =	sld [smem:$0x3FFE];
	[sflag:s23] =	ssyncadd.s32 $0xFFFFFFFF  }
0xa5: {  	s26 =	simm.s32 $execute0_lowered;
	[smem:$0x3FD2] =	sst s25  }
0xa6: {  	s5 =	sshll.u32 s26, $0x1;
	_ =	strace $0x8000004C;
	[dreg:$0x1] =	wrdreg $0xFFFFFFFF  }
0xa7: {  	s28 =	simm.s32 $_size_execute0_lowered;
	s3 =	sadd.s32 s3, s5;
	[dreg:$0x0] =	wrdreg $0x0  }
0xa8: {  	s5 =	sshll.u32 s28, $0x1;
	[dreg:$0x2] =	wrdreg s3  }
0xa9: {  	[dreg:$0x3] =	wrdreg s5  }
0xaa: {  	[dreg:$0x4] =	wrdreg $0xC0  }
0xab: {  	_ =	task [dreg:s7], $0x5FFFF  }
0xac: {  	[dreg:$0x1] =	wrdreg $0xFFFFFFFF  }
0xad: {  	[dreg:$0x0] =	wrdreg $0x60  }
0xae: {  	[dreg:$0x2] =	wrdreg s24  }
0xaf: {  	[dreg:$0x3] =	wrdreg s2  }
0xb0: {  	[dreg:$0x4] =	wrdreg $0x90000  }
0xb1: {  	[dreg:$0x5] =	wrdreg $0x9  }
0xb2: {  	_ =	task.clear_ibuf [dreg:s7], $0x6FFFF;
	_ =	strace $0x9000004C  }
0xb3: {  	s29 =	simm.s32 $0x9;
	_ =	strace $0x8000004E  }
0xb4: {  	_ =	swait.ge [sflag:s29], $0x1  }
0xb5: {  	[sflag:s29] =	ssyncadd.s32 $0xFFFFFFFF  }
0xb6: {  	_ =	strace $0x9000004E  }
0xb7: {  	_ =	sfence  }
0xb8: {  	s30 =	sld [smem:$0x0];
	_ =	sdelay $0x2  }
0xb9: {  	s31 =	sshll.u32 s1, $0xD;
	s1 =	sshrl.u32 s1, $0x2  }
0xba: {  	s3 =	sand.u32 $0x4000, s31;
	s1 =	sadd.s32 s1, s30  }
0xbb: {  	s0 =	sor.u32 s3, s0;
	s1 =	sshll.u32 s1, $0x11  }
0xbc: {  	s0 =	sor.u32 s1, s0  }
0xbd: {  	s0 =	sadd.s32 $0x8F2B, s0  }
0xbe: {  	[sflag:s0] =	ssyncadd.remote.s32 $0x1  }
0xbf: {  	_ =	sfence.sel $0xFFFF  }
0xc0: {  	[dreg:$0x0] =	wrdreg $0xFFFFFFFF;
	(pc) =	sbr.abs _section_cstart, $3  }
0xc1: {  	[dreg:$0x1] =	wrdreg $0xFFFFFFFF  }
0xc2: {  	_ =	task.clear_ibuf [dreg:s7], $0x2FFFF;
	_ =	strace $0x9FFFFFFF  }
0xc3: {  	(tm) =	ssettm $0x7FFFFFFF  }
tec
execute0_lowered:
.L_overlay_start_1:
0x0: {  	(tag) =	ssettag $0x1  }
0x1: {  	s0 =	rddreg [dreg:$0x0]  }
0x2: {  	s1 =	rddreg [dreg:$0x1];
	s3 =	srdreg.scid  }
0x3: {  	s2 =	rddreg [dreg:$0x2];
	s9 =	stileid.u32;
	s21 =	simm.s32 $0x5000  }
0x4: {  	s28 =	simm.s32 $0x1;
	s29 =	simm.s32 $0x2;
	s30 =	simm.s32 $0x3  }
0x5: {  	s31 =	simm.s32 $0x4;
	s5 =	sand.u32 $0x1, s3;
	s6 =	smul.u32 $0x14000, s9  }
0x6: {  	s3 =	simm.s32 $0x0;
	s7 =	smul.u32 $0x50000, s9;
	s18 =	sadd.s32 $0x5C800, s0  }
0x7: {  	s4 =	smul.u32 $0x140000, s5;
	[smem:$0x7FF] =	sst s3;
	s22 =	ssub.s32 $0x2, s5  }
0x8: {  	s5 =	sshll.u32 s5, $0x4;
	_ =	strace $0x8000004D;
	s8 =	sshrl.u32 s22, $0x1  }
0x9: {  	s7 =	sshrl.u32 s7, $0x2;
	s23 =	sor.u32 s9, s5;
	s6 =	sadd.s32 s6, s4  }
0xa: {  	s4 =	sadd.s32 $0x2200, s0;
	s5 =	sadd.s32 s7, s2;
	s25 =	smul.u32 $0x5000, s23  }
0xb: {  	s23 =	simm.s32 $0x2800;
	s6 =	sshrl.u32 s6, $0x3;
	s7 =	sadd.s32 $0x2000, s5  }
0xc: {  	s24 =	sadd.s32 $0x4000, s5;
	s26 =	sadd.s32 $0x6000, s5;
	s9 =	sadd.s32 $0x8000, s5  }
0xd: {  	s10 =	sadd.s32 $0xA000, s5;
	s11 =	sadd.s32 $0xC000, s5;
	s12 =	sadd.s32 $0xE000, s5  }
0xe: {  	s13 =	sadd.s32 $0x10000, s5;
	s14 =	sadd.s32 $0x12000, s5;
	[dreg:$0x4] =	wrdreg s7  }
0xf: {  	s0 =	sadd.s32 s6, s0;
	s6 =	ssub.s32 s22, s8;
	[dreg:$0x5] =	wrdreg s24  }
0x10: {  	[dreg:$0x6] =	wrdreg s26;
	s7 =	sshrl.u32 s25, $0x3;
	s22 =	simm.s32 $0x5  }
0x11: {  	s24 =	simm.s32 $0x40;
	s25 =	simm.s32 $0x80;
	s26 =	simm.s32 $0x7000  }
0x12: {  	s19 =	sadd.s32 $0x500, s7;
	s15 =	sadd.s32 s1, s7;
	s16 =	sadd.s32 s18, s7  }
0x13: {  	s20 =	smax.u32 s6, $0x1;
	s17 =	sadd.s32 s1, s19;
	s18 =	sadd.s32 s18, s19  }
0x14: {  	v0 =	vimm.f32 $0.0e+00;
	s19 =	sadd.s32 $0x70800, s0;
	s0 =	simm.s32 $0x4F00;
	s1 =	simm.s32 $0x4F80  }
.LBB2_1:
0x15: {  	s6 =	simm.s32 $0x0;
	s7 =	simm.s32 $0x200  }
.LBB2_2:
0x16: {  	p0 =	sne.s32 s7, $0x7E00;
	[tilespmem:s6+$0x5070] =	vst v0  }
0x17: {  	[tilespmem:s6+$0x5000] =	vst v0  }
0x18: {  	[tilespmem:s6+$0x5010] =	vst v0  }
.Ltmp0:
0x19: {  	[tilespmem:s6+$0x5020] =	vst v0;
	(pc) =	sbr.rel @p0 .LBB2_2-.Ltmp0, $4  }
0x1a: {  	[tilespmem:s6+$0x5030] =	vst v0  }
0x1b: {  	[tilespmem:s6+$0x5040] =	vst v0  }
0x1c: {  	[tilespmem:s6+$0x5050] =	vst v0  }
0x1d: {  	[tilespmem:s6+$0x5060] =	vst v0;
	s6 =	sshra.s32 s7, $0x2;
	s7 =	sadd.s32 $0x200, s7  }
0x1e: {  	[tilespmem:s6+$0x5070] =	vst v0  }
0x1f: {  	[tilespmem:s6+$0x5000] =	vst v0  }
0x20: {  	[tilespmem:s6+$0x5010] =	vst v0  }
0x21: {  	[tilespmem:s6+$0x5020] =	vst v0  }
0x22: {  	[tilespmem:s6+$0x5030] =	vst v0  }
0x23: {  	[tilespmem:s6+$0x5040] =	vst v0  }
0x24: {  	[tilespmem:s6+$0x5050] =	vst v0  }
0x25: {  	[tilespmem:s6+$0x5060] =	vst v0  }
0x26: {  	[spmem:s5] =	stream.linear.scatter [tilespmem:s21], [sflag:$0x5], $0x2000, $0x38;
	[tilespmem:$0x1D000] =	vst v63  }
0x27: {  	_ =	swait.ge [sflag:s22], $0x2000  }
0x28: {  	[sflag:s22] =	ssyncset.done $0x0  }
0x29: {  	s8 =	rddreg [dreg:$0x4];
	[sflag:s22] =	ssyncadd.s32 $0xFFFFE000  }
0x2a: {  	[spmem:s8] =	stream.linear.scatter [tilespmem:s21], [sflag:$0x5], $0x2000, $0x38;
	[tilespmem:$0x1D000] =	vst v63  }
0x2b: {  	_ =	swait.ge [sflag:s22], $0x2000  }
0x2c: {  	[sflag:s22] =	ssyncset.done $0x0  }
0x2d: {  	s7 =	rddreg [dreg:$0x5];
	[sflag:s22] =	ssyncadd.s32 $0xFFFFE000  }
0x2e: {  	[spmem:s7] =	stream.linear.scatter [tilespmem:s21], [sflag:$0x5], $0x2000, $0x38;
	[tilespmem:$0x1D000] =	vst v63  }
0x2f: {  	_ =	swait.ge [sflag:s22], $0x2000  }
0x30: {  	[sflag:s22] =	ssyncset.done $0x0  }
0x31: {  	s8 =	rddreg [dreg:$0x6];
	[sflag:s22] =	ssyncadd.s32 $0xFFFFE000  }
0x32: {  	[spmem:s8] =	stream.linear.scatter [tilespmem:s21], [sflag:$0x5], $0x2000, $0x38;
	[tilespmem:$0x1D000] =	vst v63  }
0x33: {  	_ =	swait.ge [sflag:s22], $0x2000  }
0x34: {  	[sflag:s22] =	ssyncset.done $0x0  }
0x35: {  	[sflag:s22] =	ssyncadd.s32 $0xFFFFE000  }
0x36: {  	[spmem:s9] =	stream.linear.scatter [tilespmem:s21], [sflag:$0x5], $0x2000, $0x38;
	[tilespmem:$0x1D000] =	vst v63  }
0x37: {  	_ =	swait.ge [sflag:s22], $0x2000  }
0x38: {  	[sflag:s22] =	ssyncset.done $0x0  }
0x39: {  	[sflag:s22] =	ssyncadd.s32 $0xFFFFE000  }
0x3a: {  	[spmem:s10] =	stream.linear.scatter [tilespmem:s21], [sflag:$0x5], $0x2000, $0x38;
	[tilespmem:$0x1D000] =	vst v63  }
0x3b: {  	_ =	swait.ge [sflag:s22], $0x2000  }
0x3c: {  	[sflag:s22] =	ssyncset.done $0x0  }
0x3d: {  	[sflag:s22] =	ssyncadd.s32 $0xFFFFE000  }
0x3e: {  	[spmem:s11] =	stream.linear.scatter [tilespmem:s21], [sflag:$0x5], $0x2000, $0x38;
	[tilespmem:$0x1D000] =	vst v63  }
0x3f: {  	_ =	swait.ge [sflag:s22], $0x2000  }
0x40: {  	[sflag:s22] =	ssyncset.done $0x0  }
0x41: {  	[sflag:s22] =	ssyncadd.s32 $0xFFFFE000  }
0x42: {  	[spmem:s12] =	stream.linear.scatter [tilespmem:s21], [sflag:$0x5], $0x2000, $0x38;
	[tilespmem:$0x1D000] =	vst v63  }
0x43: {  	_ =	swait.ge [sflag:s22], $0x2000  }
0x44: {  	[sflag:s22] =	ssyncset.done $0x0  }
0x45: {  	[sflag:s22] =	ssyncadd.s32 $0xFFFFE000  }
0x46: {  	[spmem:s13] =	stream.linear.scatter [tilespmem:s21], [sflag:$0x5], $0x2000, $0x38;
	[tilespmem:$0x1D000] =	vst v63  }
0x47: {  	_ =	swait.ge [sflag:s22], $0x2000  }
0x48: {  	[sflag:s22] =	ssyncset.done $0x0  }
0x49: {  	[sflag:s22] =	ssyncadd.s32 $0xFFFFE000  }
0x4a: {  	[spmem:s14] =	stream.linear.scatter [tilespmem:s21], [sflag:$0x5], $0x2000, $0x38;
	[tilespmem:$0x1D000] =	vst v63  }
0x4b: {  	_ =	swait.ge [sflag:s22], $0x2000  }
0x4c: {  	[sflag:s22] =	ssyncset.done $0x0  }
0x4d: {  	[sflag:s22] =	ssyncadd.s32 $0xFFFFE000  }
0x4e: {  	s7 =	simm.s32 $0x0;
	[bflag:$0x0] =	sbarrier.arrive $0xFFFF  }
0x4f: {  	[tilespmem:s7], [sflag:$0x5] =	stream.linear.gather [hbm4b:s15+s7], $0x2800, $0x38;
	[tilespmem:$0x1D000] =	vst v63  }
0x50: {  	_ =	swait.ge [sflag:s22], $0x2800  }
0x51: {  	[sflag:s22] =	ssyncset.done $0x0  }
0x52: {  	[sflag:s22] =	ssyncadd.s32 $0xFFFFD800  }
0x53: {  	[tilespmem:s23], [sflag:$0x5] =	stream.linear.gather [hbm4b:s16+s7], $0x2800, $0x38;
	[tilespmem:$0x1D000] =	vst v63  }
0x54: {  	_ =	swait.ge [sflag:s22], $0x2800  }
0x55: {  	[sflag:s22] =	ssyncset.done $0x0  }
0x56: {  	[sflag:s22] =	ssyncadd.s32 $0xFFFFD800  }
0x57: {  	[tilespmem:s21], [sflag:$0x1] =	stream.indirect.gather [hbm4b:s4+s24], $0x80, s7, s24, $0xb8;
	[tilespmem:$0x1D000] =	vst v63  }
0x58: {  	_ = 	snop  }
0x59: {  	[tilespmem:s26], [sflag:$0x2] =	stream.indirect.gather [hbm4b:s4+s24], $0x80, s25, s24, $0xb8;
	[tilespmem:$0x1D000] =	vst v63  }
0x5a: {  	_ =	swait.ge [sflag:s28], $0x2000  }
0x5b: {  	[sflag:s28] =	ssyncset.done $0x0  }
0x5c: {  	s8 =	simm.s32 $0x2800;
	[sflag:s28] =	ssyncadd.s32 $0xFFFFE000  }
0x5d: {  	[spmem:s2] =	stream.indirect.scatter.add.f32 [tilespmem:s21], [sflag:$0x3], $0x80, s8, s24, $0xb8;
	[tilespmem:$0x1D000] =	vst v63  }
0x5e: {  	_ =	swait.ge [sflag:s29], $0x2000  }
0x5f: {  	[sflag:s29] =	ssyncset.done $0x0  }
0x60: {  	s7 =	simm.s32 $0x2880;
	[sflag:s29] =	ssyncadd.s32 $0xFFFFE000  }
0x61: {  	[spmem:s2] =	stream.indirect.scatter.add.f32 [tilespmem:s26], [sflag:$0x4], $0x80, s7, s24, $0xb8;
	[tilespmem:$0x1D000] =	vst v63  }
0x62: {  	_ =	swait.ge [sflag:s30], $0x2000  }
0x63: {  	[sflag:s30] =	ssyncset.done $0x0  }
0x64: {  	s8 =	simm.s32 $0x100;
	[sflag:s30] =	ssyncadd.s32 $0xFFFFE000  }
0x65: {  	[tilespmem:s21], [sflag:$0x1] =	stream.indirect.gather [hbm4b:s4+s24], $0x80, s8, s24, $0xb8;
	[tilespmem:$0x1D000] =	vst v63  }
0x66: {  	_ =	swait.ge [sflag:s31], $0x2000  }
0x67: {  	[sflag:s31] =	ssyncset.done $0x0  }
0x68: {  	s6 =	simm.s32 $0x400;
	s7 =	simm.s32 $0x180;
	[sflag:s31] =	ssyncadd.s32 $0xFFFFE000  }
.LBB2_4:
0x69: {  	[tilespmem:s26], [sflag:$0x2] =	stream.indirect.gather [hbm4b:s4+s24], $0x80, s7, s24, $0xb8;
	[tilespmem:$0x1D000] =	vst v63  }
0x6a: {  	s7 =	smov.u32 s6  }
0x6b: {  	p0 =	sne.s32 s6, $0x9800;
	s6 =	sadd.s32 $0x400, s6;
	_ =	swait.ge [sflag:s28], $0x2000  }
0x6c: {  	s7 =	sshra.s32 s7, $0x2;
	[sflag:s28] =	ssyncset.done $0x0  }
0x6d: {  	s8 =	sadd.s32 $0x2800, s7;
	[sflag:s28] =	ssyncadd.s32 $0xFFFFE000  }
0x6e: {  	[spmem:s2] =	stream.indirect.scatter.add.f32 [tilespmem:s21], [sflag:$0x3], $0x80, s8, s24, $0xb8;
	[tilespmem:$0x1D000] =	vst v63  }
0x6f: {  	_ =	swait.ge [sflag:s29], $0x2000  }
0x70: {  	[sflag:s29] =	ssyncset.done $0x0  }
0x71: {  	s8 =	sadd.s32 $0x2880, s7;
	[sflag:s29] =	ssyncadd.s32 $0xFFFFE000  }
0x72: {  	[spmem:s2] =	stream.indirect.scatter.add.f32 [tilespmem:s26], [sflag:$0x4], $0x80, s8, s24, $0xb8;
	[tilespmem:$0x1D000] =	vst v63  }
0x73: {  	_ =	swait.ge [sflag:s30], $0x2000  }
0x74: {  	[sflag:s30] =	ssyncset.done $0x0  }
.Ltmp1:
0x75: {  	s8 =	sadd.s32 $0x100, s7;
	[sflag:s30] =	ssyncadd.s32 $0xFFFFE000;
	(pc) =	sbr.rel @p0 .LBB2_4-.Ltmp1, $4  }
0x76: {  	[tilespmem:s21], [sflag:$0x1] =	stream.indirect.gather [hbm4b:s4+s24], $0x80, s8, s24, $0xb8;
	[tilespmem:$0x1D000] =	vst v63  }
0x77: {  	_ =	swait.ge [sflag:s31], $0x2000  }
0x78: {  	[sflag:s31] =	ssyncset.done $0x0  }
0x79: {  	s7 =	sadd.s32 $0x180, s7;
	[sflag:s31] =	ssyncadd.s32 $0xFFFFE000  }
0x7a: {  	[tilespmem:s26], [sflag:$0x2] =	stream.indirect.gather [hbm4b:s4+s24], $0x80, s7, s24, $0xb8;
	[tilespmem:$0x1D000] =	vst v63  }
0x7b: {  	_ =	swait.ge [sflag:s28], $0x2000  }
0x7c: {  	[sflag:s28] =	ssyncset.done $0x0  }
0x7d: {  	[sflag:s28] =	ssyncadd.s32 $0xFFFFE000  }
0x7e: {  	[spmem:s2] =	stream.indirect.scatter.add.f32 [tilespmem:s21], [sflag:$0x3], $0x80, s0, s24, $0xb8;
	[tilespmem:$0x1D000] =	vst v63  }
0x7f: {  	_ =	swait.ge [sflag:s29], $0x2000  }
0x80: {  	[sflag:s29] =	ssyncset.done $0x0  }
0x81: {  	[sflag:s29] =	ssyncadd.s32 $0xFFFFE000  }
0x82: {  	[spmem:s2] =	stream.indirect.scatter.add.f32 [tilespmem:s26], [sflag:$0x4], $0x80, s1, s24, $0xb8;
	[tilespmem:$0x1D000] =	vst v63  }
0x83: {  	_ =	swait.ge [sflag:s30], $0x2000  }
0x84: {  	[sflag:s30] =	ssyncset.done $0x0  }
0x85: {  	[sflag:s30] =	ssyncadd.s32 $0xFFFFE000  }
0x86: {  	_ =	swait.ge [sflag:s31], $0x2000  }
0x87: {  	[sflag:s31] =	ssyncset.done $0x0  }
0x88: {  	s6 =	simm.s32 $0x0;
	[sflag:s31] =	ssyncadd.s32 $0xFFFFE000  }
0x89: {  	[tilespmem:s6], [sflag:$0x5] =	stream.linear.gather [hbm4b:s17+s6], $0x2800, $0x38;
	[tilespmem:$0x1D000] =	vst v63  }
0x8a: {  	_ =	swait.ge [sflag:s22], $0x2800  }
0x8b: {  	[sflag:s22] =	ssyncset.done $0x0  }
0x8c: {  	[sflag:s22] =	ssyncadd.s32 $0xFFFFD800  }
0x8d: {  	[tilespmem:s23], [sflag:$0x5] =	stream.linear.gather [hbm4b:s18+s6], $0x2800, $0x38;
	[tilespmem:$0x1D000] =	vst v63  }
0x8e: {  	_ =	swait.ge [sflag:s22], $0x2800  }
0x8f: {  	[sflag:s22] =	ssyncset.done $0x0  }
0x90: {  	[sflag:s22] =	ssyncadd.s32 $0xFFFFD800  }
0x91: {  	[tilespmem:s21], [sflag:$0x1] =	stream.indirect.gather [hbm4b:s4+s24], $0x80, s6, s24, $0xb8;
	[tilespmem:$0x1D000] =	vst v63  }
0x92: {  	_ = 	snop  }
0x93: {  	[tilespmem:s26], [sflag:$0x2] =	stream.indirect.gather [hbm4b:s4+s24], $0x80, s25, s24, $0xb8;
	[tilespmem:$0x1D000] =	vst v63  }
0x94: {  	_ =	swait.ge [sflag:s28], $0x2000  }
0x95: {  	[sflag:s28] =	ssyncset.done $0x0  }
0x96: {  	s8 =	simm.s32 $0x2800;
	[sflag:s28] =	ssyncadd.s32 $0xFFFFE000  }
0x97: {  	[spmem:s2] =	stream.indirect.scatter.add.f32 [tilespmem:s21], [sflag:$0x3], $0x80, s8, s24, $0xb8;
	[tilespmem:$0x1D000] =	vst v63  }
0x98: {  	_ =	swait.ge [sflag:s29], $0x2000  }
0x99: {  	[sflag:s29] =	ssyncset.done $0x0  }
0x9a: {  	s7 =	simm.s32 $0x2880;
	[sflag:s29] =	ssyncadd.s32 $0xFFFFE000  }
0x9b: {  	[spmem:s2] =	stream.indirect.scatter.add.f32 [tilespmem:s26], [sflag:$0x4], $0x80, s7, s24, $0xb8;
	[tilespmem:$0x1D000] =	vst v63  }
0x9c: {  	_ =	swait.ge [sflag:s30], $0x2000  }
0x9d: {  	[sflag:s30] =	ssyncset.done $0x0  }
0x9e: {  	s8 =	simm.s32 $0x100;
	[sflag:s30] =	ssyncadd.s32 $0xFFFFE000  }
0x9f: {  	[tilespmem:s21], [sflag:$0x1] =	stream.indirect.gather [hbm4b:s4+s24], $0x80, s8, s24, $0xb8;
	[tilespmem:$0x1D000] =	vst v63  }
0xa0: {  	_ =	swait.ge [sflag:s31], $0x2000  }
0xa1: {  	[sflag:s31] =	ssyncset.done $0x0  }
0xa2: {  	s6 =	simm.s32 $0x400;
	s7 =	simm.s32 $0x180;
	[sflag:s31] =	ssyncadd.s32 $0xFFFFE000  }
.LBB2_6:
0xa3: {  	[tilespmem:s26], [sflag:$0x2] =	stream.indirect.gather [hbm4b:s4+s24], $0x80, s7, s24, $0xb8;
	[tilespmem:$0x1D000] =	vst v63  }
0xa4: {  	s7 =	smov.u32 s6  }
0xa5: {  	p0 =	sne.s32 s6, $0x9800;
	s6 =	sadd.s32 $0x400, s6;
	_ =	swait.ge [sflag:s28], $0x2000  }
0xa6: {  	s7 =	sshra.s32 s7, $0x2;
	[sflag:s28] =	ssyncset.done $0x0  }
0xa7: {  	s8 =	sadd.s32 $0x2800, s7;
	[sflag:s28] =	ssyncadd.s32 $0xFFFFE000  }
0xa8: {  	[spmem:s2] =	stream.indirect.scatter.add.f32 [tilespmem:s21], [sflag:$0x3], $0x80, s8, s24, $0xb8;
	[tilespmem:$0x1D000] =	vst v63  }
0xa9: {  	_ =	swait.ge [sflag:s29], $0x2000  }
0xaa: {  	[sflag:s29] =	ssyncset.done $0x0  }
0xab: {  	s8 =	sadd.s32 $0x2880, s7;
	[sflag:s29] =	ssyncadd.s32 $0xFFFFE000  }
0xac: {  	[spmem:s2] =	stream.indirect.scatter.add.f32 [tilespmem:s26], [sflag:$0x4], $0x80, s8, s24, $0xb8;
	[tilespmem:$0x1D000] =	vst v63  }
0xad: {  	_ =	swait.ge [sflag:s30], $0x2000  }
0xae: {  	[sflag:s30] =	ssyncset.done $0x0  }
.Ltmp2:
0xaf: {  	s8 =	sadd.s32 $0x100, s7;
	[sflag:s30] =	ssyncadd.s32 $0xFFFFE000;
	(pc) =	sbr.rel @p0 .LBB2_6-.Ltmp2, $4  }
0xb0: {  	[tilespmem:s21], [sflag:$0x1] =	stream.indirect.gather [hbm4b:s4+s24], $0x80, s8, s24, $0xb8;
	[tilespmem:$0x1D000] =	vst v63  }
0xb1: {  	_ =	swait.ge [sflag:s31], $0x2000  }
0xb2: {  	[sflag:s31] =	ssyncset.done $0x0  }
0xb3: {  	s7 =	sadd.s32 $0x180, s7;
	[sflag:s31] =	ssyncadd.s32 $0xFFFFE000  }
0xb4: {  	[tilespmem:s26], [sflag:$0x2] =	stream.indirect.gather [hbm4b:s4+s24], $0x80, s7, s24, $0xb8;
	[tilespmem:$0x1D000] =	vst v63  }
0xb5: {  	_ =	swait.ge [sflag:s28], $0x2000  }
0xb6: {  	[sflag:s28] =	ssyncset.done $0x0  }
0xb7: {  	[sflag:s28] =	ssyncadd.s32 $0xFFFFE000  }
0xb8: {  	[spmem:s2] =	stream.indirect.scatter.add.f32 [tilespmem:s21], [sflag:$0x3], $0x80, s0, s24, $0xb8;
	[tilespmem:$0x1D000] =	vst v63  }
0xb9: {  	_ =	swait.ge [sflag:s29], $0x2000  }
0xba: {  	[sflag:s29] =	ssyncset.done $0x0  }
0xbb: {  	[sflag:s29] =	ssyncadd.s32 $0xFFFFE000  }
0xbc: {  	[spmem:s2] =	stream.indirect.scatter.add.f32 [tilespmem:s26], [sflag:$0x4], $0x80, s1, s24, $0xb8;
	[tilespmem:$0x1D000] =	vst v63  }
0xbd: {  	_ =	swait.ge [sflag:s30], $0x2000  }
0xbe: {  	[sflag:s30] =	ssyncset.done $0x0  }
0xbf: {  	[sflag:s30] =	ssyncadd.s32 $0xFFFFE000  }
0xc0: {  	s6 =	stileid.u32;
	_ =	swait.ge [sflag:s31], $0x2000  }
0xc1: {  	s8 =	sshrl.u32 s5, $0x3;
	s3 =	sadd.s32 $0x1, s3;
	[sflag:s31] =	ssyncset.done $0x0  }
0xc2: {  	s6 =	sshll.u32 s6, $0x6;
	p0 =	sne.s32 s3, s20;
	[sflag:s31] =	ssyncadd.s32 $0xFFFFE000  }
.Ltmp3:
0xc3: {  	s6 =	sor.u32 $0x1C05, s6;
	[bflag:$0x0] =	sbarrier.arrive $0xFFFF;
	(pc) =	sbr.rel @p0 .LBB2_1-.Ltmp3, $4  }
0xc4: {  	[hbm:s19], [sflag:s6] =	dma.local [spmem:s8], $0x2800  }
0xc5: {  	_ =	swait.ge [sflag:s22], $0x2800  }
0xc6: {  	[sflag:s22] =	ssyncset.done $0x0  }
0xc7: {  	[sflag:s22] =	ssyncadd.s32 $0xFFFFD800  }
0xc8: {  	_ =	sfence.sel $0x180000  }
0xc9: {  	[bflag:$0x0] =	sbarrier.arrive $0xFFFF  }
0xca: {  	_ =	strace $0x9000004D  }
0xcb: {  	s0 =	stileid.u32;
	[bflag:$0x2] =	sbarrier.arrive $0xFFFF  }
0xcc: {  	p0 =	sne.s32 s0, $0x0;
	s0 =	rddreg [dreg:$0x3]  }
0xcd: {  	s0 =	sadd.s32 @!p0 $0x100000, s0  }
0xce: {  	[sflag:s0] =	ssyncadd.tile.s32 @!p0 $0x1;
	_ =	shalt  }
.Lfunc_end2:
_tile_overlayer_lowered:
.L_overlay_start_2:
0xcf: {  	(tag) =	ssettag $0x2  }
0xd0: {  	s0 =	rddreg [dreg:$0x0];
	s2 =	stileid.u32  }
0xd1: {  	s1 =	rddreg [dreg:$0x1];
	p0 =	sne.s32 s2, $0x0  }
0xd2: {  	s3 =	rddreg [dreg:$0x2];
	[bflag:$0x3] =	sbarrier.arrive $0xFFFF;
	s2 =	simm.s32 @!p0 $0x1C05  }
0xd3: {  	[timem:s3], [sflag:s2] =	dma.local @!p0 [hbm:s0], s1  }
0xd4: {  	s0 =	simm.s32 @!p0 $0x5  }
0xd5: {  	_ =	swait.ge @!p0 [sflag:s0], s1  }
0xd6: {  	s1 =	ssub.s32 @!p0 $0x0, s1;
	[sflag:s0] =	ssyncset.done @!p0 $0x0  }
0xd7: {  	[sflag:s0] =	ssyncadd.s32 @!p0 s1  }
0xd8: {  	[bflag:$0x3] =	sbarrier.arrive $0xFFFF  }
0xd9: {  	_ =	shalt  }

// kernel: kernel.7.cloned.1.call-start
scs
__scs_entry_jumppad:
0x0: {  	(pc) =	sbr.rel $0x88, $3  }
0x1: {  	(tag) =	ssettag $0x0;
	lr =	simm.s32 $0x1  }
0x2: {  	[smem:$0x3F9B] =	sst lr;
	_ =	strace $0xD0000000  }
0x3: {  	_ = 	snop  }
0x4: {  	_ = 	snop  }
0x5: {  	_ = 	snop  }
0x6: {  	_ = 	snop  }
0x7: {  	_ = 	snop  }
__scs_overlays_trampoline_lowered:
0x8: {  	[smem:$0x3FAA] =	sst s0  }
0x9: {  	[smem:$0x3FAB] =	sst s1  }
0xa: {  	[smem:$0x3FAC] =	sst s2  }
0xb: {  	[smem:$0x3FAD] =	sst s3  }
0xc: {  	[smem:$0x3FAE] =	sst s4  }
0xd: {  	[smem:$0x3FAF] =	sst s5  }
0xe: {  	[smem:$0x3FB0] =	sst s6  }
0xf: {  	[smem:$0x3FB1] =	sst s7  }
0x10: {  	[smem:$0x3FB2] =	sst s8  }
0x11: {  	[smem:$0x3FB3] =	sst s9;
	s0 =	simm.s32 @!p0 $0x0  }
0x12: {  	s1 =	sld [smem:$0x3F99];
	s0 =	simm.s32 @p0 $0x1  }
0x13: {  	[smem:$0x3FB4] =	sst s0;
	s0 =	simm.s32 @!p1 $0x0  }
0x14: {  	s2 =	sld [smem:$0x3F98];
	s0 =	simm.s32 @p1 $0x1  }
0x15: {  	[smem:$0x3FB5] =	sst s0;
	s0 =	simm.s32 @!p2 $0x0  }
0x16: {  	s3 =	sld [smem:$0x3FDB];
	s0 =	simm.s32 @p2 $0x1  }
0x17: {  	s4 =	simm.s32 $0x1BF5;
	[smem:$0x3FB7] =	sst s0  }
0x18: {  	s0 =	sld [smem:$0x3F9A];
	_ =	swait.ge [sflag:s4], $0x0  }
0x19: {  	s7 =	sld [smem:$0x3F9B]  }
0x1a: {  	s8 =	sadd.s32 $0xFFFFE003, lr  }
0x1b: {  	s9 =	sadd.s32 $0xFFFFFEF7, lr;
	s5 =	simm.s32 $0xFFFFFFFF;
	p2 =	slt.u32 s8, $0xFFFFF086  }
0x1c: {  	p1 =	slt.u32 s9, $0xF7A;
	s5 =	simm.s32 @!p2 $0x0  }
0x1d: {  	s5 =	simm.s32 @p1 $0x1;
	p0 =	seq.s32 s7, s2  }
0x1e: {  	s7 =	smul.u32 @!p0 $0xF7A, s2;
	p2 =	seq.s32 @!p0 s5, $0x0  }
0x1f: {  	s9 =	smul.u32 $0xF7A, s1;
	s8 =	simm.s32 @!p0 $0x1BF5;
	p2 =	por !p2, p0  }
0x20: {  	[sflag:s8] =	ssyncset.s32 @!p0 $0xFFFFF086;
	s6 =	sadd.s32 @!p0 s3, s7;
	s7 =	simm.s32 @!p0 $0x108  }
0x21: {  	s3 =	sadd.s32 s3, s9;
	s6 =	sadd.s32 @!p0 $0x88, s6;
	s7 =	simm.s32 @p2 $0x1082  }
0x22: {  	[simem:s7], [sflag:s8] =	dma.local @!p0 [hbm:s6], $0xF7A  }
0x23: {  	s9 =	sor.u32 $0xD0000000, s2;
	s6 =	simm.s32 $0x108;
	_ =	swait.ge @!p0 [sflag:s8], $0x0  }
0x24: {  	s3 =	sadd.s32 $0x88, s3;
	s6 =	simm.s32 @!p1 $0x1082;
	[sflag:s4] =	ssyncset.s32 $0xFFFFF086  }
0x25: {  	[simem:s6], [sflag:s4] =	dma.local [hbm:s3], $0xF7A  }
0x26: {  	[smem:$0x3F9B] =	sst s1;
	(tag) =	ssettag s2;
	_ =	strace s9  }
0x27: {  	s1 =	sld [smem:$0x3FAB]  }
0x28: {  	s2 =	sld [smem:$0x3FAC]  }
0x29: {  	s4 =	sld [smem:$0x3FAE]  }
0x2a: {  	p0 =	seq.s32 s5, $0x0;
	s5 =	sld [smem:$0x3FAF]  }
0x2b: {  	s6 =	sld [smem:$0x3FB0]  }
0x2c: {  	s7 =	sld [smem:$0x3FB1]  }
0x2d: {  	s3 =	simm.s32 $0x108;
	s8 =	sld [smem:$0x3FB2]  }
0x2e: {  	s3 =	simm.s32 @!p0 $0x1082;
	s9 =	sld [smem:$0x3FB3]  }
0x2f: {  	lr =	sadd.s32 s0, s3;
	s0 =	sld [smem:$0x3FAA]  }
0x30: {  	s3 =	sld [smem:$0x3FAD]  }
0x31: {  	[smem:$0x3FB6] =	sst s10  }
0x32: {  	s10 =	sld [smem:$0x3FB4];
	_ =	sdelay $0x3  }
0x33: {  	p0 =	seq.s32 s10, $0x1;
	s10 =	sld [smem:$0x3FB6];
	_ =	sdelay $0x3  }
0x34: {  	[smem:$0x3FB6] =	sst s10  }
0x35: {  	s10 =	sld [smem:$0x3FB5];
	_ =	sdelay $0x3  }
0x36: {  	p1 =	seq.s32 s10, $0x1;
	s10 =	sld [smem:$0x3FB6];
	_ =	sdelay $0x3  }
0x37: {  	[smem:$0x3FB6] =	sst s10  }
0x38: {  	s10 =	sld [smem:$0x3FB7]  }
0x39: {  	_ = 	snop;
	(pc) =	sbr.ind lr, $3  }
0x3a: {  	_ = 	snop  }
0x3b: {  	_ = 	snop  }
0x3c: {  	p2 =	seq.s32 s10, $0x1;
	s10 =	sld [smem:$0x3FB6]  }
0x3d: {  	_ =	shalt  }
0x3e: {  	_ =	shalt  }
0x3f: {  	_ =	shalt  }
0x40: {  	_ =	shalt  }
0x41: {  	_ =	shalt  }
0x42: {  	_ =	shalt  }
0x43: {  	_ =	shalt  }
0x44: {  	_ =	shalt  }
0x45: {  	_ =	shalt  }
0x46: {  	_ =	shalt  }
0x47: {  	_ =	shalt  }
0x48: {  	_ =	shalt  }
0x49: {  	_ =	shalt  }
0x4a: {  	_ =	shalt  }
0x4b: {  	_ =	shalt  }
0x4c: {  	_ =	shalt  }
0x4d: {  	_ =	shalt  }
0x4e: {  	_ =	shalt  }
0x4f: {  	_ =	shalt  }
0x50: {  	_ =	shalt  }
0x51: {  	_ =	shalt  }
0x52: {  	_ =	shalt  }
0x53: {  	_ =	shalt  }
0x54: {  	_ =	shalt  }
0x55: {  	_ =	shalt  }
0x56: {  	_ =	shalt  }
0x57: {  	_ =	shalt  }
0x58: {  	_ =	shalt  }
0x59: {  	_ =	shalt  }
0x5a: {  	_ =	shalt  }
0x5b: {  	_ =	shalt  }
0x5c: {  	_ =	shalt  }
0x5d: {  	_ =	shalt  }
0x5e: {  	_ =	shalt  }
0x5f: {  	_ =	shalt  }
0x60: {  	_ =	shalt  }
0x61: {  	_ =	shalt  }
0x62: {  	_ =	shalt  }
0x63: {  	_ =	shalt  }
0x64: {  	_ =	shalt  }
0x65: {  	_ =	shalt  }
0x66: {  	_ =	shalt  }
0x67: {  	_ =	shalt  }
0x68: {  	_ =	shalt  }
0x69: {  	_ =	shalt  }
0x6a: {  	_ =	shalt  }
0x6b: {  	_ =	shalt  }
0x6c: {  	_ =	shalt  }
0x6d: {  	_ =	shalt  }
0x6e: {  	_ =	shalt  }
0x6f: {  	_ =	shalt  }
0x70: {  	_ =	shalt  }
0x71: {  	_ =	shalt  }
0x72: {  	_ =	shalt  }
0x73: {  	_ =	shalt  }
0x74: {  	_ =	shalt  }
0x75: {  	_ =	shalt  }
0x76: {  	_ =	shalt  }
0x77: {  	_ =	shalt  }
0x78: {  	_ =	shalt  }
0x79: {  	_ =	shalt  }
0x7a: {  	_ =	shalt  }
0x7b: {  	_ =	shalt  }
0x7c: {  	_ =	shalt  }
0x7d: {  	_ =	shalt  }
0x7e: {  	_ =	shalt  }
0x7f: {  	_ =	shalt  }
0x80: {  	_ =	shalt  }
0x81: {  	_ =	shalt  }
0x82: {  	_ =	shalt  }
0x83: {  	_ =	shalt  }
0x84: {  	_ =	shalt  }
0x85: {  	_ =	shalt  }
0x86: {  	_ =	shalt  }
0x87: {  	_ =	shalt  }
.Lfunc_end0:
.L_simem_size_0:
called_computation_lowered:
.L_overlay_start_0:
0x88: {  	s2 =	sld [smem:$0x3FD9]  }
0x89: {  	s3 =	sld [smem:$0x3FFE];
	_ =	sdelay $0x1  }
0x8a: {  	s1 =	srdreg.scid  }
0x8b: {  	s0 =	sand.u32 $0x1, s1  }
0x8c: {  	s16 =	sshll.u32 s0, $0xA;
	s2 =	sadd.s32 s3, s2  }
0x8d: {  	s2 =	sadd.s32 s2, s16  }
0x8e: {  	[smem:$0x3FC2] =	sst s2  }
0x8f: {  	_ = 	snop  }
0x90: {  	(tm) =	ssettm $0x1  }
0x91: {  	s17 =	sld [smem:$0x3FFB];
	_ =	sdelay $0x3  }
0x92: {  	_ =	strace s17  }
0x93: {  	s2 =	sld [smem:$0x3FFC];
	_ =	sdelay $0x3  }
0x94: {  	_ =	strace s2  }
0x95: {  	s2 =	sld [smem:$0x3FFD];
	_ =	sdelay $0x3  }
0x96: {  	_ =	strace s2  }
0x97: {  	_ =	strace $0x8FFFFFFF  }
0x98: {  	s18 =	sld [smem:$0x3FDB];
	_ =	sdelay $0x1  }
0x99: {  	s19 =	simm.s32 $_scs_section_size  }
0x9a: {  	s4 =	simm.s32 $_size__tile_overlayer_lowered;
	s5 =	simm.s32 $_tile_overlayer_lowered  }
0x9b: {  	s22 =	simm.s32 $0x1BFF;
	s21 =	sshll.u32 s5, $0x1;
	s2 =	sadd.s32 s19, s18  }
0x9c: {  	s6 =	simm.s32 $0x0;
	s20 =	sshll.u32 s4, $0x1;
	s4 =	sadd.s32 s21, s2  }
0x9d: {  	[timem:s6], [sflag:s22] =	dma.local [hbm:s4], s20  }
0x9e: {  	_ =	swait.ge [sflag:s22], s20  }
0x9f: {  	s3 =	ssub.s32 $0x0, s20;
	[sflag:s22] =	ssyncset.done $0x0  }
0xa0: {  	[sflag:s22] =	ssyncadd.s32 s3;
	_ =	sdelay $0x1  }
0xa1: {  	s23 =	simm.s32 $0x1B8B  }
0xa2: {  	_ =	swait.ge [sflag:s23], $0x1  }
0xa3: {  	[sflag:s23] =	ssyncset.done $0x0  }
0xa4: {  	s25 =	simm.s32 $0x1B8E;
	s24 =	sld [smem:$0x3FFE];
	[sflag:s23] =	ssyncadd.s32 $0xFFFFFFFF  }
0xa5: {  	s26 =	simm.s32 $execute0_lowered;
	[smem:$0x3FD2] =	sst s25  }
0xa6: {  	s4 =	sshll.u32 s26, $0x1;
	_ =	strace $0x80000046;
	[dreg:$0x1] =	wrdreg $0xFFFFFFFF  }
0xa7: {  	s28 =	simm.s32 $_size_execute0_lowered;
	s2 =	sadd.s32 s2, s4;
	[dreg:$0x0] =	wrdreg $0x0  }
0xa8: {  	s4 =	sshll.u32 s28, $0x1;
	[dreg:$0x2] =	wrdreg s2  }
0xa9: {  	[dreg:$0x3] =	wrdreg s4  }
0xaa: {  	[dreg:$0x4] =	wrdreg $0xC0  }
0xab: {  	_ =	task [dreg:s6], $0x5FFFF  }
0xac: {  	[dreg:$0x1] =	wrdreg $0xFFFFFFFF  }
0xad: {  	[dreg:$0x0] =	wrdreg $0x60  }
0xae: {  	[dreg:$0x2] =	wrdreg s24  }
0xaf: {  	[dreg:$0x3] =	wrdreg $0xF6000  }
0xb0: {  	[dreg:$0x4] =	wrdreg $0x9  }
0xb1: {  	_ =	task.clear_ibuf [dreg:s6], $0x5FFFF;
	_ =	strace $0x90000046  }
0xb2: {  	s29 =	simm.s32 $0x9;
	_ =	strace $0x80000048  }
0xb3: {  	_ =	swait.ge [sflag:s29], $0x1  }
0xb4: {  	[sflag:s29] =	ssyncadd.s32 $0xFFFFFFFF  }
0xb5: {  	_ =	strace $0x90000048  }
0xb6: {  	_ =	sfence  }
0xb7: {  	s30 =	sld [smem:$0x0];
	_ =	sdelay $0x2  }
0xb8: {  	s31 =	sshll.u32 s1, $0xD;
	s1 =	sshrl.u32 s1, $0x2  }
0xb9: {  	s3 =	sand.u32 $0x4000, s31;
	s1 =	sadd.s32 s1, s30  }
0xba: {  	s0 =	sor.u32 s3, s0;
	s1 =	sshll.u32 s1, $0x11  }
0xbb: {  	s0 =	sor.u32 s1, s0  }
0xbc: {  	s0 =	sadd.s32 $0x8F2B, s0  }
0xbd: {  	[sflag:s0] =	ssyncadd.remote.s32 $0x1  }
0xbe: {  	_ =	sfence.sel $0xFFFF  }
0xbf: {  	[dreg:$0x0] =	wrdreg $0xFFFFFFFF;
	(pc) =	sbr.abs _section_cstart, $3  }
0xc0: {  	[dreg:$0x1] =	wrdreg $0xFFFFFFFF  }
0xc1: {  	_ =	task.clear_ibuf [dreg:s6], $0x2FFFF;
	_ =	strace $0x9FFFFFFF  }
0xc2: {  	(tm) =	ssettm $0x7FFFFFFF  }
0xc3: {  	_ =	shalt  }
tec
execute0_lowered:
.L_overlay_start_1:
0x0: {  	(tag) =	ssettag $0x1  }
0x1: {  	s0 =	srdreg.scid;
	s4 =	rddreg [dreg:$0x0]  }
0x2: {  	s2 =	rddreg [dreg:$0x1];
	s1 =	stileid.u32  }
0x3: {  	s3 =	simm.s32 $0x0;
	s13 =	simm.s32 $0x80;
	s14 =	simm.s32 $0x5000  }
0x4: {  	s15 =	simm.s32 $0x5300;
	s16 =	simm.s32 $0x5600;
	s17 =	simm.s32 $0x5480  }
0x5: {  	s18 =	simm.s32 $0x0;
	s5 =	sand.u32 $0x1, s0;
	s0 =	rddreg [dreg:$0x2]  }
0x6: {  	[smem:$0x7FF] =	sst s3;
	s8 =	smul.u32 $0xA00, s1;
	s6 =	sshll.u32 s5, $0x4  }
0x7: {  	_ =	strace $0x80000047;
	s5 =	ssub.s32 $0x2, s5;
	s6 =	sor.u32 s1, s6  }
0x8: {  	s10 =	sadd.s32 s8, s4;
	s11 =	sshrl.u32 s5, $0x1;
	s7 =	smul.u32 $0x140, s6  }
0x9: {  	s31 =	sshrl.u32 s8, $0x2;
	s6 =	smul.u32 $0x1400, s6;
	s11 =	ssub.s32 s5, s11  }
0xa: {  	s5 =	sadd.s32 $0x2200, s10;
	s10 =	smax.u32 s11, $0x1;
	s11 =	simm.s32 $0x5080  }
0xb: {  	s9 =	sshrl.u32 s7, $0x3;
	s12 =	sadd.s32 s6, s4;
	s6 =	sadd.s32 s7, s2  }
0xc: {  	s9 =	sadd.s32 s9, s4;
	s4 =	sadd.s32 s31, s2;
	s7 =	sadd.s32 $0xC200, s12  }
0xd: {  	v0 =	vimm.f32 $0.0e+00;
	v1 =	vimm.f32 $1.000000000e+00;
	s8 =	sadd.s32 $0x34200, s9;
	s9 =	sadd.s32 $0x34800, s12;
	s12 =	simm.s32 $0x1  }
.LBB2_1:
0xe: {  	[tilespmem:$0x5080] =	vst v0  }
0xf: {  	[tilespmem:$0x5090] =	vst v0  }
0x10: {  	[tilespmem:$0x50A0] =	vst v0  }
0x11: {  	[tilespmem:$0x50B0] =	vst v0  }
0x12: {  	[tilespmem:$0x50C0] =	vst v0  }
0x13: {  	[tilespmem:$0x50D0] =	vst v0  }
0x14: {  	[tilespmem:$0x50E0] =	vst v0  }
0x15: {  	[tilespmem:$0x50F0] =	vst v0  }
0x16: {  	[tilespmem:$0x5100] =	vst v0  }
0x17: {  	[tilespmem:$0x5110] =	vst v0  }
0x18: {  	[tilespmem:$0x5120] =	vst v0  }
0x19: {  	[tilespmem:$0x5130] =	vst v0  }
0x1a: {  	[tilespmem:$0x5140] =	vst v0  }
0x1b: {  	[tilespmem:$0x5150] =	vst v0  }
0x1c: {  	[tilespmem:$0x5160] =	vst v0  }
0x1d: {  	[tilespmem:$0x5170] =	vst v0  }
0x1e: {  	[tilespmem:$0x5180] =	vst v0  }
0x1f: {  	[tilespmem:$0x5190] =	vst v0  }
0x20: {  	[tilespmem:$0x51A0] =	vst v0  }
0x21: {  	[tilespmem:$0x51B0] =	vst v0  }
0x22: {  	[tilespmem:$0x51C0] =	vst v0  }
0x23: {  	[tilespmem:$0x51D0] =	vst v0  }
0x24: {  	[tilespmem:$0x51E0] =	vst v0  }
0x25: {  	[tilespmem:$0x51F0] =	vst v0  }
0x26: {  	[tilespmem:$0x5200] =	vst v0  }
0x27: {  	[tilespmem:$0x5210] =	vst v0  }
0x28: {  	[tilespmem:$0x5220] =	vst v0  }
0x29: {  	[tilespmem:$0x5230] =	vst v0  }
0x2a: {  	[tilespmem:$0x5240] =	vst v0  }
0x2b: {  	[tilespmem:$0x5250] =	vst v0  }
0x2c: {  	[tilespmem:$0x5260] =	vst v0  }
0x2d: {  	[tilespmem:$0x5270] =	vst v0  }
0x2e: {  	[tilespmem:$0x5280] =	vst v0  }
0x2f: {  	[tilespmem:$0x5290] =	vst v0  }
0x30: {  	[tilespmem:$0x52A0] =	vst v0  }
0x31: {  	[tilespmem:$0x52B0] =	vst v0  }
0x32: {  	[tilespmem:$0x52C0] =	vst v0  }
0x33: {  	[tilespmem:$0x52D0] =	vst v0  }
0x34: {  	[tilespmem:$0x52E0] =	vst v0  }
0x35: {  	[tilespmem:$0x52F0] =	vst v0  }
0x36: {  	[tilespmem:$0x5000] =	vst v1  }
0x37: {  	[tilespmem:$0x5010] =	vst v1  }
0x38: {  	[tilespmem:$0x5020] =	vst v1  }
0x39: {  	[tilespmem:$0x5030] =	vst v1  }
0x3a: {  	[tilespmem:$0x5040] =	vst v1  }
0x3b: {  	[tilespmem:$0x5050] =	vst v1  }
0x3c: {  	[tilespmem:$0x5060] =	vst v1  }
0x3d: {  	[tilespmem:$0x5070] =	vst v1  }
0x3e: {  	[spmem:s4] =	stream.linear.scatter [tilespmem:s11], [sflag:$0x1], $0x280, $0x38;
	[tilespmem:$0xF880] =	vst v63  }
0x3f: {  	_ =	swait.ge [sflag:s12], $0x280  }
0x40: {  	[sflag:s12] =	ssyncset.done $0x0  }
0x41: {  	[sflag:s12] =	ssyncadd.s32 $0xFFFFFD80  }
0x42: {  	[tilespmem:s3], [sflag:$0x1] =	stream.linear.gather [hbm4b:s5+s3], $0x5000, $0x38;
	[tilespmem:$0xF880] =	vst v63  }
0x43: {  	_ =	swait.ge [sflag:s12], $0x5000  }
0x44: {  	[sflag:s12] =	ssyncset.done $0x0  }
0x45: {  	[sflag:s12] =	ssyncadd.s32 $0xFFFFB000  }
0x46: {  	s19 =	simm.s32 $0x0;
	[bflag:$0x0] =	sbarrier.arrive $0xFFFF  }
0x47: {  	[spmem:s2] =	stream.indirect.scatter.add.f32 [tilespmem:s14], [sflag:$0x1], $0x1, s19, s13, $0xb8;
	[tilespmem:$0xF880] =	vst v63  }
0x48: {  	_ =	swait.ge [sflag:s12], $0x80  }
0x49: {  	s19 =	simm.s32 $0x200;
	[sflag:s12] =	ssyncset.done $0x0  }
.LBB2_2:
0x4a: {  	s20 =	sshra.s32 s19, $0x2;
	[sflag:s12] =	ssyncadd.s32 $0xFFFFFF80;
	p0 =	sne.s32 s19, $0x13E00  }
0x4b: {  	[spmem:s2] =	stream.indirect.scatter.add.f32 [tilespmem:s14], [sflag:$0x1], $0x1, s20, s13, $0xb8;
	[tilespmem:$0xF880] =	vst v63  }
.Ltmp0:
0x4c: {  	_ = 	snop;
	(pc) =	sbr.rel @p0 .LBB2_2-.Ltmp0, $4  }
0x4d: {  	_ = 	snop  }
0x4e: {  	s19 =	sadd.s32 $0x200, s19  }
0x4f: {  	_ =	swait.ge [sflag:s12], $0x80  }
0x50: {  	[sflag:s12] =	ssyncset.done $0x0  }
0x51: {  	[sflag:s12] =	ssyncadd.s32 $0xFFFFFF80  }
0x52: {  	[bflag:$0x0] =	sbarrier.arrive $0xFFFF  }
0x53: {  	[tilespmem:s15], [sflag:$0x1] =	stream.linear.gather [spmem:s6], $0x140, $0x38;
	[tilespmem:$0xF880] =	vst v63  }
0x54: {  	_ =	swait.ge [sflag:s12], $0x140  }
0x55: {  	[sflag:s12] =	ssyncset.done $0x0  }
0x56: {  	s19 =	simm.s32 $0x0;
	[sflag:s12] =	ssyncadd.s32 $0xFFFFFEC0  }
0x57: {  	[tilespmem:s16], [sflag:$0x1] =	stream.linear.gather [hbm4b:s7+s19], $0xA000, $0x38;
	[tilespmem:$0xF880] =	vst v63  }
0x58: {  	_ =	swait.ge [sflag:s12], $0xA000  }
0x59: {  	[sflag:s12] =	ssyncset.done $0x0  }
0x5a: {  	s21 =	simm.s32 $0x0;
	[sflag:s12] =	ssyncadd.s32 $0xFFFF6000  }
0x5b: {  	v2 =	vld [tilespmem:s21+$0x5300];
	_ =	sdelay $0x4  }
0x5c: {  	s20 =	simm.s32 $0x10;
	v2 =	vadd.f32 $1.000000000e+00, v2  }
0x5d: {  	v3 =	vld [tilespmem:s20+$0x5300]  }
0x5e: {  	v4 =	vshra.s32 v2, $0x1;
	v5 =	vmul.f32 $5.000000000e-01, v2  }
0x5f: {  	v2 =	vsub.s32 $0x5F3759DF, v4  }
0x60: {  	v4 =	vmul.f32 v2, v5  }
0x61: {  	s22 =	simm.s32 $0x20  }
0x62: {  	v6 =	vld [tilespmem:s22+$0x5300];
	v3 =	vadd.f32 $1.000000000e+00, v3;
	v4 =	vmul.f32 v2, v4;
	_ =	sdelay $0x1  }
0x63: {  	v7 =	vshra.s32 v3, $0x1;
	v9 =	vmul.f32 $5.000000000e-01, v3;
	v3 =	vsub.f32 $1.500000000e+00, v4  }
0x64: {  	v4 =	vsub.s32 $0x5F3759DF, v7  }
0x65: {  	v7 =	vmul.f32 v4, v9;
	v3 =	vmul.f32 v2, v3  }
0x66: {  	s23 =	simm.s32 $0x30;
	v2 =	vadd.f32 $1.000000000e+00, v6  }
0x67: {  	v6 =	vld [tilespmem:s23+$0x5300];
	v7 =	vmul.f32 v4, v7;
	v8 =	vmul.f32 v3, v5  }
0x68: {  	v10 =	vshra.s32 v2, $0x1;
	v2 =	vmul.f32 $5.000000000e-01, v2  }
0x69: {  	v7 =	vsub.f32 $1.500000000e+00, v7;
	v10 =	vsub.s32 $0x5F3759DF, v10;
	v8 =	vmul.f32 v8, v3  }
0x6a: {  	v11 =	vmul.f32 v10, v2  }
0x6b: {  	v4 =	vmul.f32 v4, v7;
	v7 =	vsub.f32 $1.500000000e+00, v8  }
0x6c: {  	v6 =	vadd.f32 $1.000000000e+00, v6;
	v11 =	vmul.f32 v10, v11  }
0x6d: {  	s24 =	simm.s32 $0x40;
	v12 =	vmul.f32 v4, v9;
	v7 =	vmul.f32 v7, v3  }
0x6e: {  	v8 =	vld [tilespmem:s24+$0x5300];
	v13 =	vshra.s32 v6, $0x1;
	v3 =	vmul.f32 $5.000000000e-01, v6;
	v6 =	vsub.f32 $1.500000000e+00, v11  }
0x6f: {  	v14 =	vsub.s32 $0x5F3759DF, v13;
	v11 =	vmul.f32 v12, v4;
	v5 =	vmul.f32 v7, v5  }
0x70: {  	v12 =	vmul.f32 v14, v3;
	v6 =	vmul.f32 v10, v6  }
0x71: {  	v10 =	vsub.f32 $1.500000000e+00, v11;
	v5 =	vmul.f32 v5, v7  }
0x72: {  	v11 =	vmul.f32 v14, v12;
	v12 =	vmul.f32 v6, v2  }
0x73: {  	s25 =	simm.s32 $0x50;
	v8 =	vadd.f32 $1.000000000e+00, v8;
	v4 =	vmul.f32 v10, v4  }
0x74: {  	v15 =	vsub.f32 $1.500000000e+00, v5;
	v16 =	vsub.f32 $1.500000000e+00, v11;
	v11 =	vmul.f32 v12, v6;
	v12 =	vld [tilespmem:s25+$0x5300]  }
0x75: {  	v13 =	vshra.s32 v8, $0x1;
	v5 =	vmul.f32 $5.000000000e-01, v8  }
0x76: {  	v8 =	vsub.s32 $0x5F3759DF, v13;
	v10 =	vmul.f32 v4, v9;
	v7 =	vmul.f32 v15, v7  }
0x77: {  	s26 =	simm.s32 $0x180;
	v13 =	vmul.f32 v8, v5;
	v9 =	vmul.f32 v14, v16  }
.LBB2_4:
0x78: {  	s28 =	sshra.s32 s26, $0x2  }
0x79: {  	v14 =	vadd.f32 $1.000000000e+00, v12;
	v11 =	vsub.f32 $1.500000000e+00, v11;
	v10 =	vmul.f32 v10, v4;
	[tilespmem:s21+$0x5480] =	vst v7;
	s21 =	smov.u32 s20;
	s20 =	smov.u32 s22;
	p0 =	sne.s32 s26, $0x4C0  }
.Ltmp1:
0x7a: {  	s22 =	smov.u32 s23;
	s23 =	smov.u32 s24;
	v12 =	vld [tilespmem:s28+$0x5300];
	v7 =	vmul.f32 v8, v13;
	v13 =	vmul.f32 v9, v3;
	(pc) =	sbr.rel @p0 .LBB2_4-.Ltmp1, $4  }
0x7b: {  	s26 =	sadd.s32 $0x40, s26;
	s24 =	smov.u32 s25;
	v15 =	vshra.s32 v14, $0x1;
	v16 =	vmul.f32 v11, v6;
	v17 =	vsub.f32 $1.500000000e+00, v10;
	v6 =	vmovc v9  }
0x7c: {  	s25 =	smov.u32 s28;
	v14 =	vmul.f32 $5.000000000e-01, v14;
	v9 =	vsub.f32 $1.500000000e+00, v7;
	v11 =	vmul.f32 v13, v6  }
0x7d: {  	v15 =	vsub.s32 $0x5F3759DF, v15;
	v10 =	vmul.f32 v16, v2;
	v7 =	vmul.f32 v17, v4;
	v4 =	vmovc v16;
	v2 =	vmovc v3  }
0x7e: {  	v13 =	vmul.f32 v15, v14;
	v3 =	vmovc v5;
	v5 =	vmovc v14;
	v9 =	vmul.f32 v8, v9;
	v8 =	vmov v15  }
0x7f: {  	v12 =	vadd.f32 $1.000000000e+00, v12;
	_ =	sdelay $0x1  }
0x80: {  	v14 =	vshra.s32 v12, $0x1;
	v12 =	vmul.f32 $5.000000000e-01, v12  }
0x81: {  	v14 =	vsub.s32 $0x5F3759DF, v14  }
0x82: {  	v15 =	vmul.f32 v14, v12  }
0x83: {  	v13 =	vmul.f32 v8, v13  }
0x84: {  	v15 =	vmul.f32 v14, v15  }
0x85: {  	v13 =	vsub.f32 $1.500000000e+00, v13  }
0x86: {  	v15 =	vsub.f32 $1.500000000e+00, v15  }
0x87: {  	v8 =	vmul.f32 v8, v13  }
0x88: {  	v61 =	vmul.f32 v9, v3;
	v14 =	vmul.f32 v14, v15  }
0x89: {  	v62 =	vmul.f32 v8, v5  }
0x8a: {  	v13 =	vmul.f32 v61, v9;
	v16 =	vmul.f32 v14, v12  }
0x8b: {  	v11 =	vsub.f32 $1.500000000e+00, v11;
	v15 =	vmul.f32 v62, v8  }
0x8c: {  	v13 =	vsub.f32 $1.500000000e+00, v13;
	v16 =	vmul.f32 v16, v14  }
0x8d: {  	v6 =	vmul.f32 v11, v6;
	v11 =	vsub.f32 $1.500000000e+00, v15  }
0x8e: {  	v10 =	vmul.f32 v10, v4;
	v9 =	vmul.f32 v13, v9;
	v63 =	vsub.f32 $1.500000000e+00, v16  }
0x8f: {  	v2 =	vmul.f32 v6, v2;
	v8 =	vmul.f32 v11, v8  }
0x90: {  	v3 =	vmul.f32 v9, v3;
	v11 =	vmul.f32 v63, v14  }
0x91: {  	v2 =	vmul.f32 v2, v6;
	v5 =	vmul.f32 v8, v5  }
0x92: {  	v10 =	vsub.f32 $1.500000000e+00, v10;
	v3 =	vmul.f32 v3, v9;
	v12 =	vmul.f32 v11, v12  }
0x93: {  	v2 =	vsub.f32 $1.500000000e+00, v2;
	v5 =	vmul.f32 v5, v8  }
0x94: {  	v4 =	vmul.f32 v10, v4;
	v3 =	vsub.f32 $1.500000000e+00, v3;
	v10 =	vmul.f32 v12, v11  }
0x95: {  	[tilespmem:s21+$0x5480] =	vst v7;
	v2 =	vmul.f32 v2, v6;
	v5 =	vsub.f32 $1.500000000e+00, v5  }
0x96: {  	[tilespmem:s20+$0x5480] =	vst v4;
	v3 =	vmul.f32 v3, v9;
	v4 =	vsub.f32 $1.500000000e+00, v10  }
0x97: {  	[tilespmem:s22+$0x5480] =	vst v2;
	v2 =	vmul.f32 v5, v8  }
0x98: {  	[tilespmem:s23+$0x5480] =	vst v3;
	v3 =	vmul.f32 v4, v11  }
0x99: {  	[tilespmem:s24+$0x5480] =	vst v2;
	v2 =	vmov s19  }
0x9a: {  	s19 =	simm.s32 $0x5640;
	[tilespmem:s25+$0x5480] =	vst v3  }
0x9b: {  	v6 =	vld [tilespmem:s19+$0x30]  }
0x9c: {  	v9 =	vld [tilespmem:s19+$0x10]  }
0x9d: {  	v7 =	vld [tilespmem:s19+$0xFFFFFFC0]  }
0x9e: {  	v3 =	vld.idx.msk [tilespmem:v2+s17+$0x0], $0xffff  }
0x9f: {  	v11 =	vld [tilespmem:s19+$0xFFFFFFE0]  }
0xa0: {  	v2 =	vld [tilespmem:s19+$0xFFFFFFF0]  }
0xa1: {  	v4 =	vld [tilespmem:s19+$0x20]  }
0xa2: {  	v5 =	vld [tilespmem:s19+$0xFFFFFFD0]  }
0xa3: {  	v10 =	vmul.f32 v6, v3;
	v6 =	vld [tilespmem:s19+$0x0]  }
0xa4: {  	v8 =	vmul.f32 v7, v3  }
0xa5: {  	s21 =	simm.s32 $0x5640;
	s20 =	simm.s32 $0x1;
	v7 =	vmul.f32 v11, v3;
	v9 =	vmul.f32 v9, v3  }
.LBB2_6:
0xa6: {  	p0 =	sne.s32 s20, $0x13F  }
0xa7: {  	v5 =	vmul.f32 v5, v3;
	v4 =	vmul.f32 v4, v3;
	[tilespmem:s19+$0x30] =	vst v10;
	s21 =	sadd.s32 $0x80, s21;
	s22 =	smov.u32 s20;
	s20 =	sadd.s32 $0x1, s20  }
0xa8: {  	[tilespmem:s19+$0xFFFFFFC0] =	vst v8;
	v8 =	vmul.f32 v2, v3;
	v3 =	vmul.f32 v6, v3  }
0xa9: {  	[tilespmem:s19+$0x10] =	vst v9  }
0xaa: {  	v6 =	vmov s22;
	[tilespmem:s19+$0xFFFFFFE0] =	vst v7  }
0xab: {  	v2 =	vld [tilespmem:s21+$0xFFFFFFF0];
	[tilespmem:s19+$0xFFFFFFF0] =	vst v8  }
0xac: {  	v7 =	vld [tilespmem:s21+$0x30];
	[tilespmem:s19+$0x0] =	vst v3  }
0xad: {  	v9 =	vld [tilespmem:s21+$0x10];
	[tilespmem:s19+$0x20] =	vst v4  }
0xae: {  	v8 =	vld [tilespmem:s21+$0xFFFFFFC0];
	[tilespmem:s19+$0xFFFFFFD0] =	vst v5;
	s19 =	smov.u32 s21  }
0xaf: {  	v3 =	vld.idx.msk [tilespmem:v6+s17+$0x0], $0xffff  }
0xb0: {  	v11 =	vld [tilespmem:s21+$0xFFFFFFE0]  }
0xb1: {  	v4 =	vld [tilespmem:s21+$0x20]  }
.Ltmp2:
0xb2: {  	v5 =	vld [tilespmem:s21+$0xFFFFFFD0];
	(pc) =	sbr.rel @p0 .LBB2_6-.Ltmp2, $3  }
0xb3: {  	v6 =	vld [tilespmem:s21+$0x0];
	_ =	sdelay $0x1  }
0xb4: {  	v8 =	vmul.f32 v8, v3;
	v10 =	vmul.f32 v7, v3  }
0xb5: {  	v9 =	vmul.f32 v9, v3;
	v7 =	vmul.f32 v11, v3  }
0xb6: {  	[tilespmem:s19+$0x30] =	vst v10  }
0xb7: {  	[tilespmem:s19+$0xFFFFFFC0] =	vst v8  }
0xb8: {  	v2 =	vmul.f32 v2, v3;
	[tilespmem:s19+$0x10] =	vst v9  }
0xb9: {  	v4 =	vmul.f32 v4, v3;
	[tilespmem:s19+$0xFFFFFFE0] =	vst v7  }
0xba: {  	v6 =	vmul.f32 v6, v3;
	[tilespmem:s19+$0xFFFFFFF0] =	vst v2  }
0xbb: {  	v2 =	vmul.f32 v5, v3;
	[tilespmem:s19+$0x20] =	vst v4  }
0xbc: {  	[tilespmem:s19+$0x0] =	vst v6  }
0xbd: {  	[tilespmem:s19+$0xFFFFFFD0] =	vst v2  }
0xbe: {  	[hbm4b:s8+s3] =	stream.linear.scatter [tilespmem:s17], [sflag:$0x1], $0x140, $0x38;
	[tilespmem:$0xF880] =	vst v63  }
0xbf: {  	s18 =	sadd.s32 $0x1, s18;
	_ =	swait.ge [sflag:s12], $0x140  }
0xc0: {  	p0 =	sne.s32 s18, s10;
	[sflag:s12] =	ssyncset.done $0x0  }
.Ltmp3:
0xc1: {  	[sflag:s12] =	ssyncadd.s32 $0xFFFFFEC0;
	(pc) =	sbr.rel @p0 .LBB2_1-.Ltmp3, $4  }
0xc2: {  	[hbm4b:s9+s3] =	stream.linear.scatter [tilespmem:s16], [sflag:$0x1], $0xA000, $0x38;
	[tilespmem:$0xF880] =	vst v63  }
0xc3: {  	_ =	swait.ge [sflag:s12], $0xA000  }
0xc4: {  	[sflag:s12] =	ssyncset.done $0x0  }
0xc5: {  	[sflag:s12] =	ssyncadd.s32 $0xFFFF6000  }
0xc6: {  	_ =	sfence.sel $0x180000  }
0xc7: {  	[bflag:$0x0] =	sbarrier.arrive $0xFFFF  }
0xc8: {  	p0 =	sne.s32 s1, $0x0;
	_ =	strace $0x90000047  }
0xc9: {  	s0 =	sadd.s32 @!p0 $0x100000, s0;
	[bflag:$0x2] =	sbarrier.arrive $0xFFFF  }
0xca: {  	[sflag:s0] =	ssyncadd.tile.s32 @!p0 $0x1;
	_ =	shalt  }
.Lfunc_end2:
_tile_overlayer_lowered:
.L_overlay_start_2:
0xcb: {  	(tag) =	ssettag $0x2  }
0xcc: {  	s0 =	rddreg [dreg:$0x0];
	s2 =	stileid.u32  }
0xcd: {  	s1 =	rddreg [dreg:$0x1];
	p0 =	sne.s32 s2, $0x0  }
0xce: {  	s3 =	rddreg [dreg:$0x2];
	[bflag:$0x3] =	sbarrier.arrive $0xFFFF;
	s2 =	simm.s32 @!p0 $0x1C01  }
0xcf: {  	[timem:s3], [sflag:s2] =	dma.local @!p0 [hbm:s0], s1  }
0xd0: {  	s0 =	simm.s32 @!p0 $0x1  }
0xd1: {  	_ =	swait.ge @!p0 [sflag:s0], s1  }
0xd2: {  	s1 =	ssub.s32 @!p0 $0x0, s1;
	[sflag:s0] =	ssyncset.done @!p0 $0x0  }
0xd3: {  	[sflag:s0] =	ssyncadd.s32 @!p0 s1  }
0xd4: {  	[bflag:$0x3] =	sbarrier.arrive $0xFFFF  }
0xd5: {  	_ =	shalt  }

</sc_bundles>
